<compile_context>
chip_gen: v7x
topology: tpu7x:2x2x1
jax: 0.10.2.dev20260603
libtpu: 0.0.44.dev20260713+nightly
codegen_flags: <defaults>
</compile_context>

<pallas_src>
import functools

import jax
import jax.numpy as jnp
from jax import lax
from jax.experimental import pallas as pl
from jax.experimental.pallas import tpu as pltpu
from jax.experimental.pallas import tpu_sc as plsc

N = 10000
E = 160000
D = 256
NC, NS = 2, 16
NPAD = 10240
TRASH = N
CW = 80
CH = 125
E_PAD = NS * CH * CW
DCW = 128
DCH = 80
E_PAD_D = NS * DCH * DCW
RPT = NPAD // NS
DEG_CH = DCH // NC
DH = D // NC

_mesh = plsc.VectorSubcoreMesh(
    core_axis_name="c", subcore_axis_name="s", num_cores=NC, num_subcores=NS)


def _deg_body(dst_hbm, ones_hbm, zeros_hbm, out_hbm, dst_v, ones_v, acc_sh):
    c = lax.axis_index("c")
    s = lax.axis_index("s")
    pltpu.sync_copy(zeros_hbm.at[pl.ds(0, RPT)], acc_sh.at[pl.ds(s * RPT, RPT)])
    pltpu.sync_copy(ones_hbm, ones_v)
    pltpu.sync_copy(dst_hbm.at[c, s], dst_v)
    plsc.subcore_barrier()

    def body(j, carry):
        pltpu.sync_copy(ones_v, acc_sh.at[dst_v.at[j]], add=True)
        return carry

    lax.fori_loop(0, DEG_CH, body, 0)
    plsc.subcore_barrier()
    pltpu.sync_copy(acc_sh.at[pl.ds(s * RPT, RPT)],
                    out_hbm.at[c, pl.ds(s * RPT, RPT)])


def _make_deg_kernel(interpret=False, width=DH):
    return functools.partial(
        pl.kernel,
        out_type=jax.ShapeDtypeStruct((NC, NPAD, width), jnp.float32),
        mesh=_mesh,
        scratch_types=[
            pltpu.VMEM((DEG_CH, DCW), jnp.int32),
            pltpu.VMEM((DCW, width), jnp.float32),
            pltpu.VMEM_SHARED((NPAD, width), jnp.float32),
        ],
        interpret=interpret,
    )(_deg_body)


NBUF = 4
ISL = 6


def _agg_body(g_hbm, src_hbm, dst_hbm, zeros_hbm, out_hbm,
              sidx, didx, gbuf, acc_sh, sem_g, sem_s, sem_si, sem_di):
    c = lax.axis_index("c")
    s = lax.axis_index("s")
    pltpu.sync_copy(zeros_hbm.at[pl.ds(0, RPT)], acc_sh.at[pl.ds(s * RPT, RPT)])
    for t in range(ISL):
        pltpu.async_copy(src_hbm.at[c, s, t], sidx.at[t], sem_si)
        pltpu.async_copy(dst_hbm.at[s, t], didx.at[t], sem_di)
    plsc.subcore_barrier()
    for t in range(NBUF - 1):
        pltpu.make_async_copy(src_hbm.at[c, s, t], sidx.at[t], sem_si).wait()
        pltpu.async_copy(g_hbm.at[sidx.at[t]], gbuf.at[t], sem_g)

    def body(j, carry):
        b = lax.rem(j, NBUF)
        sl = lax.rem(j, ISL)
        pltpu.make_async_copy(g_hbm.at[sidx.at[sl]], gbuf.at[b], sem_g).wait()
        pltpu.make_async_copy(dst_hbm.at[s, j], didx.at[sl], sem_di).wait()
        pltpu.async_copy(gbuf.at[b], acc_sh.at[didx.at[sl]], sem_s, add=True)

        @pl.when(j >= 1)
        def _():
            pltpu.make_async_copy(
                gbuf.at[lax.rem(j + NBUF - 1, NBUF)],
                acc_sh.at[didx.at[lax.rem(j + ISL - 1, ISL)]], sem_s).wait()

        jn = j + NBUF - 1

        @pl.when(jn < CH)
        def _():
            sn = lax.rem(jn, ISL)
            pltpu.make_async_copy(src_hbm.at[c, s, jn], sidx.at[sn],
                                  sem_si).wait()
            pltpu.async_copy(g_hbm.at[sidx.at[sn]], gbuf.at[lax.rem(jn, NBUF)],
                             sem_g)

        @pl.when(j + ISL < CH)
        def _():
            pltpu.async_copy(src_hbm.at[c, s, j + ISL], sidx.at[sl], sem_si)

        jd = j + ISL - 1

        @pl.when((jd < CH) & (jd >= ISL))
        def _():
            pltpu.async_copy(dst_hbm.at[s, jd], didx.at[lax.rem(jd, ISL)],
                             sem_di)

        return carry

    lax.fori_loop(0, CH, body, 0)
    pltpu.make_async_copy(gbuf.at[(CH - 1) % NBUF],
                          acc_sh.at[didx.at[(CH - 1) % ISL]], sem_s).wait()
    plsc.subcore_barrier()
    pltpu.sync_copy(acc_sh.at[pl.ds(s * RPT, RPT)],
                    out_hbm.at[c, pl.ds(s * RPT, RPT)])


def _make_agg_kernel(interpret=False):
    return functools.partial(
        pl.kernel,
        out_type=jax.ShapeDtypeStruct((NC, NPAD, DH), jnp.float32),
        mesh=_mesh,
        scratch_types=[
            pltpu.VMEM((ISL, CW), jnp.int32),
            pltpu.VMEM((ISL, CW), jnp.int32),
            pltpu.VMEM((NBUF, CW, DH), jnp.float32),
            pltpu.VMEM_SHARED((NPAD, DH), jnp.float32),
            pltpu.SemaphoreType.DMA,
            pltpu.SemaphoreType.DMA,
            pltpu.SemaphoreType.DMA,
            pltpu.SemaphoreType.DMA,
        ],
        interpret=interpret,
    )(_agg_body)


_deg_kernel = _make_deg_kernel()
_agg_kernel = _make_agg_kernel()


def _dinv_from(deg_ref):
    dt = deg_ref[0, :, 0:1] + deg_ref[1, :, 0:1] + 1.0
    return lax.rsqrt(dt)


def _pre_body(x_ref, w_ref, deg_ref, out_ref):
    dinv = _dinv_from(deg_ref)
    h = jnp.dot(x_ref[...], w_ref[...], preferred_element_type=jnp.float32)
    out_ref[0] = dinv * h


def _mid_body(acc_ref, g_ref, deg_ref, b_ref, w_ref, out_ref):
    dinv = _dinv_from(deg_ref)
    u0 = dinv * (acc_ref[0] + g_ref[0]) + b_ref[0:1, :]
    u1 = dinv * (acc_ref[1] + g_ref[1]) + b_ref[1:2, :]
    u0 = jnp.where(u0 >= 0, u0, 0.01 * u0)
    u1 = jnp.where(u1 >= 0, u1, 0.01 * u1)
    h = (jnp.dot(u0, w_ref[0:DH, :], preferred_element_type=jnp.float32)
         + jnp.dot(u1, w_ref[DH:, :], preferred_element_type=jnp.float32))
    out_ref[0] = dinv * h


def _fin_body(acc_ref, g_ref, deg_ref, b_ref, out_ref):
    dinv = _dinv_from(deg_ref)
    out_ref[:, 0:DH] = dinv * (acc_ref[0] + g_ref[0]) + b_ref[0:1, :]
    out_ref[:, DH:] = dinv * (acc_ref[1] + g_ref[1]) + b_ref[1:2, :]


_BM = 256
_NB = NPAD // _BM

_pre_call = pl.pallas_call(
    _pre_body,
    grid=(_NB, NC),
    in_specs=[
        pl.BlockSpec((_BM, D), lambda i, j: (i, 0)),
        pl.BlockSpec((D, DH), lambda i, j: (0, j)),
        pl.BlockSpec((NC, _BM, DH), lambda i, j: (0, i, 0)),
    ],
    out_specs=pl.BlockSpec((1, _BM, DH), lambda i, j: (j, i, 0)),
    out_shape=jax.ShapeDtypeStruct((NC, NPAD, DH), jnp.float32),
)

_mid_call = pl.pallas_call(
    _mid_body,
    grid=(_NB, NC),
    in_specs=[
        pl.BlockSpec((NC, _BM, DH), lambda i, j: (0, i, 0)),
        pl.BlockSpec((NC, _BM, DH), lambda i, j: (0, i, 0)),
        pl.BlockSpec((NC, _BM, DH), lambda i, j: (0, i, 0)),
        pl.BlockSpec((NC, DH), lambda i, j: (0, 0)),
        pl.BlockSpec((D, DH), lambda i, j: (0, j)),
    ],
    out_specs=pl.BlockSpec((1, _BM, DH), lambda i, j: (j, i, 0)),
    out_shape=jax.ShapeDtypeStruct((NC, NPAD, DH), jnp.float32),
)

_fin_call = pl.pallas_call(
    _fin_body,
    grid=(_NB,),
    in_specs=[
        pl.BlockSpec((NC, _BM, DH), lambda i: (0, i, 0)),
        pl.BlockSpec((NC, _BM, DH), lambda i: (0, i, 0)),
        pl.BlockSpec((NC, _BM, DH), lambda i: (0, i, 0)),
        pl.BlockSpec((NC, DH), lambda i: (0, 0)),
    ],
    out_specs=pl.BlockSpec((_BM, D), lambda i: (i, 0)),
    out_shape=jax.ShapeDtypeStruct((NPAD, D), jnp.float32),
)


def kernel(x, edge_index, W1, b1, W2, b2):
    src = edge_index[0].astype(jnp.int32)
    dst = edge_index[1].astype(jnp.int32)
    pad = jnp.full((E_PAD - E,), TRASH, jnp.int32)
    src_t = jnp.concatenate([src, pad]).reshape(NS, CH, CW)
    dst_t = jnp.concatenate([dst, pad]).reshape(NS, CH, CW)
    src2 = jnp.stack([src_t, src_t + NPAD])

    x_pad = jnp.zeros((NPAD, D), jnp.float32).at[:N].set(x)
    zeros_wide = jnp.zeros((RPT, DH), jnp.float32)
    ones_deg = jnp.ones((DCW, DH), jnp.float32)

    pad_d = jnp.full((E_PAD_D - E,), TRASH, jnp.int32)
    dst_d = jnp.concatenate([dst, pad_d]).reshape(NS, DCH, DCW)
    dst4 = jnp.stack([dst_d[:, :DEG_CH], dst_d[:, DEG_CH:]])
    deg = _deg_kernel(dst4, ones_deg, zeros_wide)
    g1 = _pre_call(x_pad, W1, deg)
    acc1 = _agg_kernel(g1.reshape(NC * NPAD, DH), src2, dst_t, zeros_wide)
    g2 = _mid_call(acc1, g1, deg, b1.reshape(NC, DH), W2)
    acc2 = _agg_kernel(g2.reshape(NC * NPAD, DH), src2, dst_t, zeros_wide)
    out = _fin_call(acc2, g2, deg, b2.reshape(NC, DH))
    return out[:N]

# --- scband reference (transcript-rebuilt; emitter-appended) ---
"""Pipeline reference for scband-gnnencoder-81200651698647 (READ-ONLY COPY).

The authoritative reference and input builder live on the scoring server;
editing this copy changes nothing except your own understanding.
"""

import jax, jax.numpy as jnp
import numpy as np

N_NODES = 10000
N_EDGES = 160000
D = 256


def setup_inputs(seed: int = 0) -> dict:
    key = jax.random.key(seed)
    k1, k2, k3, k4, k5, k6 = jax.random.split(key, 6)
    x = jax.random.normal(k1, (N_NODES, D), dtype=jnp.float32)
    edge_index = jax.random.randint(k2, (2, N_EDGES), 0, N_NODES, dtype=jnp.int64)
    # GCNConv layer 1: input_dim=256 -> hidden_dim=256
    W1 = jax.random.normal(k3, (D, D), dtype=jnp.float32) * (1.0 / np.sqrt(D))
    b1 = jnp.zeros((D,), dtype=jnp.float32)
    # GCNConv layer 2: hidden_dim=256 -> output_dim=256
    W2 = jax.random.normal(k4, (D, D), dtype=jnp.float32) * (1.0 / np.sqrt(D))
    b2 = jnp.zeros((D,), dtype=jnp.float32)
    return {"x": x, "edge_index": edge_index, "W1": W1, "b1": b1, "W2": W2, "b2": b2}


def _gcn_conv(x, src, dst, W, b, num_nodes):
    # PyG GCNConv: add self-loops, symmetric normalization D^-1/2 (A+I) D^-1/2, linear, aggregate, bias
    loop = jnp.arange(num_nodes, dtype=src.dtype)
    src_a = jnp.concatenate([src, loop])
    dst_a = jnp.concatenate([dst, loop])
    deg = jnp.zeros((num_nodes,), dtype=x.dtype).at[dst_a].add(1.0)
    dinv = jnp.where(deg > 0, deg ** -0.5, 0.0)
    norm = dinv[src_a] * dinv[dst_a]
    h = x @ W
    msg = h[src_a] * norm[:, None]
    out = jax.ops.segment_sum(msg, dst_a, num_segments=num_nodes)
    return out + b


def reference(x, edge_index, W1, b1, W2, b2):
    num_nodes = x.shape[0]
    src, dst = edge_index[0], edge_index[1]
    h = _gcn_conv(x, src, dst, W1, b1, num_nodes)
    # LeakyReLU (default negative_slope=0.01)
    h = jnp.where(h >= 0, h, 0.01 * h)
    # F.dropout in eval mode is identity (reference run at inference)
    node_emb = _gcn_conv(h, src, dst, W2, b2, num_nodes)
    # batch is None -> return node embeddings
    return node_emb

if __name__ == "__main__":
    import jax
    _d = setup_inputs()
    print(jax.jit(kernel)(*tuple(_d.values())))

</pallas_src>

<mosaic_0001>
#map = affine_map<(d0, d1) -> (0, 0, 0, 0)>
#map1 = affine_map<(d0, d1) -> (0, 0)>
#map2 = affine_map<(d0, d1) -> (0, 0, 0)>
module attributes {stable_mosaic.version = 14 : i64} {
  func.func @_deg_body(%arg0: i32, %arg1: i32, %arg2: memref<2x16x40x128xi32, #tpu.memory_space<hbm>>, %arg3: memref<128x128xf32, #tpu.memory_space<hbm>>, %arg4: memref<640x128xf32, #tpu.memory_space<hbm>>, %arg5: memref<2x10240x128xf32, #tpu.memory_space<hbm>>, %arg6: memref<40x128xi32, #tpu.memory_space<vmem>>, %arg7: memref<128x128xf32, #tpu.memory_space<vmem>>, %arg8: memref<10240x128xf32, #tpu.memory_space<vmem_shared>>) attributes {dimension_semantics = [#tpu.dimension_semantics<core_parallel>, #tpu.dimension_semantics<subcore_parallel>], iteration_bounds = array<i64: 2, 16>, scalar_prefetch = 0 : i64, scratch_operands = 3 : i64, tpu.core_type = #tpu.core_type<sc_vector_subcore>, window_params = [{transform_indices = #map}, {transform_indices = #map1}, {transform_indices = #map1}, {transform_indices = #map2}]} {
    %mul3A = arith.constant 640 : i32
    %mul3A_0 = arith.muli %arg1, %mul3A : i32
    "tpu.region"() ({
      %run_scoped3A = tpu.sem_alloc : memref<!tpu.dma_semaphore, #tpu.memory_space<semaphore_mem>>
      %dma_start3A = arith.constant 0 : i32
      %dma_start3A_11 = tpu.memref_slice %arg8[%mul3A_0, %dma_start3A] : memref<10240x128xf32, #tpu.memory_space<vmem_shared>> -> memref<640x128xf32, #tpu.memory_space<vmem_shared>>
      %dma_start3A_12 = arith.constant 0 : i32
      %dma_start3A_13 = arith.constant 0 : i32
      %dma_start3A_14 = tpu.memref_slice %arg4[%dma_start3A_12, %dma_start3A_13] : memref<640x128xf32, #tpu.memory_space<hbm>> -> memref<640x128xf32, #tpu.memory_space<hbm>>
      tpu.enqueue_dma source(%dma_start3A_14 : memref<640x128xf32, #tpu.memory_space<hbm>>) target(%dma_start3A_11 : memref<640x128xf32, #tpu.memory_space<vmem_shared>>) target_semaphore(%run_scoped3A : memref<!tpu.dma_semaphore, #tpu.memory_space<semaphore_mem>>)
      %dma_wait3A = arith.constant 0 : i32
      %dma_wait3A_15 = tpu.memref_slice %arg8[%mul3A_0, %dma_wait3A] : memref<10240x128xf32, #tpu.memory_space<vmem_shared>> -> memref<640x128xf32, #tpu.memory_space<vmem_shared>>
      %dma_wait3A_16 = arith.constant 0 : i32
      %dma_wait3A_17 = arith.constant 0 : i32
      %dma_wait3A_18 = tpu.memref_slice %arg4[%dma_wait3A_16, %dma_wait3A_17] : memref<640x128xf32, #tpu.memory_space<hbm>> -> memref<640x128xf32, #tpu.memory_space<hbm>>
      tpu.wait_dma2 semaphore(%run_scoped3A : memref<!tpu.dma_semaphore, #tpu.memory_space<semaphore_mem>>) src(%dma_wait3A_18 : memref<640x128xf32, #tpu.memory_space<hbm>>) dst(%dma_wait3A_15 : memref<640x128xf32, #tpu.memory_space<vmem_shared>>)
      tpu.yield
    }) : () -> ()
    "tpu.region"() ({
      %run_scoped3A = tpu.sem_alloc : memref<!tpu.dma_semaphore, #tpu.memory_space<semaphore_mem>>
      tpu.enqueue_dma source(%arg3 : memref<128x128xf32, #tpu.memory_space<hbm>>) target(%arg7 : memref<128x128xf32, #tpu.memory_space<vmem>>) target_semaphore(%run_scoped3A : memref<!tpu.dma_semaphore, #tpu.memory_space<semaphore_mem>>)
      tpu.wait_dma2 semaphore(%run_scoped3A : memref<!tpu.dma_semaphore, #tpu.memory_space<semaphore_mem>>) src(%arg3 : memref<128x128xf32, #tpu.memory_space<hbm>>) dst(%arg7 : memref<128x128xf32, #tpu.memory_space<vmem>>)
      tpu.yield
    }) : () -> ()
    "tpu.region"() ({
      %run_scoped3A = tpu.sem_alloc : memref<!tpu.dma_semaphore, #tpu.memory_space<semaphore_mem>>
      %dma_start3A = arith.constant 0 : i32
      %dma_start3A_11 = arith.constant 0 : i32
      %dma_start3A_12 = tpu.memref_slice %arg2[%arg0, %arg1, %dma_start3A, %dma_start3A_11] : memref<2x16x40x128xi32, #tpu.memory_space<hbm>> -> memref<1x1x40x128xi32, #tpu.memory_space<hbm>>
      %dma_start3A_13 = tpu.memref_squeeze %dma_start3A_12 : memref<1x1x40x128xi32, #tpu.memory_space<hbm>> -> memref<40x128xi32, #tpu.memory_space<hbm>>
      %dma_start3A_14 = arith.constant 0 : i32
      %dma_start3A_15 = arith.constant 0 : i32
      %dma_start3A_16 = tpu.memref_slice %arg2[%arg0, %arg1, %dma_start3A_14, %dma_start3A_15] : memref<2x16x40x128xi32, #tpu.memory_space<hbm>> -> memref<1x1x40x128xi32, #tpu.memory_space<hbm>>
      %dma_start3A_17 = tpu.memref_squeeze %dma_start3A_16 : memref<1x1x40x128xi32, #tpu.memory_space<hbm>> -> memref<40x128xi32, #tpu.memory_space<hbm>>
      tpu.enqueue_dma source(%dma_start3A_17 : memref<40x128xi32, #tpu.memory_space<hbm>>) target(%arg6 : memref<40x128xi32, #tpu.memory_space<vmem>>) target_semaphore(%run_scoped3A : memref<!tpu.dma_semaphore, #tpu.memory_space<semaphore_mem>>)
      %dma_wait3A = arith.constant 0 : i32
      %dma_wait3A_18 = arith.constant 0 : i32
      %dma_wait3A_19 = tpu.memref_slice %arg2[%arg0, %arg1, %dma_wait3A, %dma_wait3A_18] : memref<2x16x40x128xi32, #tpu.memory_space<hbm>> -> memref<1x1x40x128xi32, #tpu.memory_space<hbm>>
      %dma_wait3A_20 = tpu.memref_squeeze %dma_wait3A_19 : memref<1x1x40x128xi32, #tpu.memory_space<hbm>> -> memref<40x128xi32, #tpu.memory_space<hbm>>
      %dma_wait3A_21 = arith.constant 0 : i32
      %dma_wait3A_22 = arith.constant 0 : i32
      %dma_wait3A_23 = tpu.memref_slice %arg2[%arg0, %arg1, %dma_wait3A_21, %dma_wait3A_22] : memref<2x16x40x128xi32, #tpu.memory_space<hbm>> -> memref<1x1x40x128xi32, #tpu.memory_space<hbm>>
      %dma_wait3A_24 = tpu.memref_squeeze %dma_wait3A_23 : memref<1x1x40x128xi32, #tpu.memory_space<hbm>> -> memref<40x128xi32, #tpu.memory_space<hbm>>
      tpu.wait_dma2 semaphore(%run_scoped3A : memref<!tpu.dma_semaphore, #tpu.memory_space<semaphore_mem>>) src(%dma_wait3A_24 : memref<40x128xi32, #tpu.memory_space<hbm>>) dst(%arg6 : memref<40x128xi32, #tpu.memory_space<vmem>>)
      tpu.yield
    }) : () -> ()
    %barrier3A = arith.constant 0 : index
    tpu.barrier barrier_id(%barrier3A)
    %scan3A = arith.constant 0 : i32
    %scan3A_1 = arith.constant 0 : i32
    %scan3A_2 = arith.constant 40 : i32
    %scan3A_3 = arith.addi %scan3A_1, %scan3A_2 : i32
    %scan3A_4 = arith.constant 1 : i32
    scf.for %scan3A_11 = %scan3A_1 to %scan3A_3 step %scan3A_4  : i32 {
      "tpu.region"() ({
        %run_scoped3A = tpu.sem_alloc : memref<!tpu.dma_semaphore, #tpu.memory_space<semaphore_mem>>
        %dma_start3A = arith.constant 0 : i32
        %dma_start3A_12 = tpu.memref_slice %arg6[%scan3A_11, %dma_start3A] : memref<40x128xi32, #tpu.memory_space<vmem>> -> memref<1x128xi32, #tpu.memory_space<vmem>>
        %dma_start3A_13 = tpu.memref_squeeze %dma_start3A_12 : memref<1x128xi32, #tpu.memory_space<vmem>> -> memref<128xi32, #tpu.memory_space<vmem>>
        %dma_start3A_14 = arith.constant 0 : i32
        %dma_start3A_15 = arith.constant 0 : i32
        %dma_start3A_16 = tpu.memref_slice %arg8[%dma_start3A_14, %dma_start3A_15] : memref<10240x128xf32, #tpu.memory_space<vmem_shared>> -> memref<10240x128xf32, #tpu.memory_space<vmem_shared>>
        tpu.enqueue_indirect_dma source(%arg7 : memref<128x128xf32, #tpu.memory_space<vmem>>) target(%dma_start3A_16 : memref<10240x128xf32, #tpu.memory_space<vmem_shared>>) offsets(%dma_start3A_13 : memref<128xi32, #tpu.memory_space<vmem>>) semaphore(%run_scoped3A : memref<!tpu.dma_semaphore, #tpu.memory_space<semaphore_mem>>) {add = true}
        %dma_wait3A = arith.constant 0 : i32
        %dma_wait3A_17 = tpu.memref_slice %arg6[%scan3A_11, %dma_wait3A] : memref<40x128xi32, #tpu.memory_space<vmem>> -> memref<1x128xi32, #tpu.memory_space<vmem>>
        %dma_wait3A_18 = tpu.memref_squeeze %dma_wait3A_17 : memref<1x128xi32, #tpu.memory_space<vmem>> -> memref<128xi32, #tpu.memory_space<vmem>>
        %dma_wait3A_19 = arith.constant 0 : i32
        %dma_wait3A_20 = arith.constant 0 : i32
        %dma_wait3A_21 = tpu.memref_slice %arg8[%dma_wait3A_19, %dma_wait3A_20] : memref<10240x128xf32, #tpu.memory_space<vmem_shared>> -> memref<10240x128xf32, #tpu.memory_space<vmem_shared>>
        tpu.wait_indirect_dma semaphore(%run_scoped3A : memref<!tpu.dma_semaphore, #tpu.memory_space<semaphore_mem>>) src(%arg7 : memref<128x128xf32, #tpu.memory_space<vmem>>) dst(%dma_wait3A_21 : memref<10240x128xf32, #tpu.memory_space<vmem_shared>>)
        tpu.yield
      }) : () -> ()
    }
    %scan3A_5 = arith.constant 40 : i32
    %barrier3A_6 = arith.constant 0 : index
    tpu.barrier barrier_id(%barrier3A_6)
    %mul3A_7 = arith.constant 640 : i32
    %mul3A_8 = arith.muli %arg1, %mul3A_7 : i32
    %mul3A_9 = arith.constant 640 : i32
    %mul3A_10 = arith.muli %arg1, %mul3A_9 : i32
    "tpu.region"() ({
      %run_scoped3A = tpu.sem_alloc : memref<!tpu.dma_semaphore, #tpu.memory_space<semaphore_mem>>
      %dma_start3A = arith.constant 0 : i32
      %dma_start3A_11 = tpu.memref_slice %arg5[%arg0, %mul3A_10, %dma_start3A] : memref<2x10240x128xf32, #tpu.memory_space<hbm>> -> memref<1x640x128xf32, #tpu.memory_space<hbm>>
      %dma_start3A_12 = tpu.memref_squeeze %dma_start3A_11 : memref<1x640x128xf32, #tpu.memory_space<hbm>> -> memref<640x128xf32, #tpu.memory_space<hbm>>
      %dma_start3A_13 = arith.constant 0 : i32
      %dma_start3A_14 = tpu.memref_slice %arg8[%mul3A_8, %dma_start3A_13] : memref<10240x128xf32, #tpu.memory_space<vmem_shared>> -> memref<640x128xf32, #tpu.memory_space<vmem_shared>>
      tpu.enqueue_dma source(%dma_start3A_14 : memref<640x128xf32, #tpu.memory_space<vmem_shared>>) target(%dma_start3A_12 : memref<640x128xf32, #tpu.memory_space<hbm>>) target_semaphore(%run_scoped3A : memref<!tpu.dma_semaphore, #tpu.memory_space<semaphore_mem>>)
      %dma_wait3A = arith.constant 0 : i32
      %dma_wait3A_15 = tpu.memref_slice %arg5[%arg0, %mul3A_10, %dma_wait3A] : memref<2x10240x128xf32, #tpu.memory_space<hbm>> -> memref<1x640x128xf32, #tpu.memory_space<hbm>>
      %dma_wait3A_16 = tpu.memref_squeeze %dma_wait3A_15 : memref<1x640x128xf32, #tpu.memory_space<hbm>> -> memref<640x128xf32, #tpu.memory_space<hbm>>
      %dma_wait3A_17 = arith.constant 0 : i32
      %dma_wait3A_18 = tpu.memref_slice %arg8[%mul3A_8, %dma_wait3A_17] : memref<10240x128xf32, #tpu.memory_space<vmem_shared>> -> memref<640x128xf32, #tpu.memory_space<vmem_shared>>
      tpu.wait_dma2 semaphore(%run_scoped3A : memref<!tpu.dma_semaphore, #tpu.memory_space<semaphore_mem>>) src(%dma_wait3A_18 : memref<640x128xf32, #tpu.memory_space<vmem_shared>>) dst(%dma_wait3A_16 : memref<640x128xf32, #tpu.memory_space<hbm>>)
      tpu.yield
    }) : () -> ()
    return
  }
}

#map = affine_map<(d0, d1) -> (0, 0)>
#map1 = affine_map<(d0, d1) -> (0, 0, 0, 0)>
#map2 = affine_map<(d0, d1) -> (0, 0, 0)>
module attributes {stable_mosaic.version = 14 : i64} {
  func.func @_agg_body(%arg0: i32, %arg1: i32, %arg2: memref<20480x128xf32, #tpu.memory_space<hbm>>, %arg3: memref<2x16x125x80xi32, #tpu.memory_space<hbm>>, %arg4: memref<16x125x80xi32, #tpu.memory_space<hbm>>, %arg5: memref<640x128xf32, #tpu.memory_space<hbm>>, %arg6: memref<2x10240x128xf32, #tpu.memory_space<hbm>>, %arg7: memref<6x80xi32, #tpu.memory_space<vmem>>, %arg8: memref<6x80xi32, #tpu.memory_space<vmem>>, %arg9: memref<4x80x128xf32, #tpu.memory_space<vmem>>, %arg10: memref<10240x128xf32, #tpu.memory_space<vmem_shared>>, %arg11: memref<!tpu.dma_semaphore, #tpu.memory_space<semaphore_mem>>, %arg12: memref<!tpu.dma_semaphore, #tpu.memory_space<semaphore_mem>>, %arg13: memref<!tpu.dma_semaphore, #tpu.memory_space<semaphore_mem>>, %arg14: memref<!tpu.dma_semaphore, #tpu.memory_space<semaphore_mem>>) attributes {dimension_semantics = [#tpu.dimension_semantics<core_parallel>, #tpu.dimension_semantics<subcore_parallel>], iteration_bounds = array<i64: 2, 16>, scalar_prefetch = 0 : i64, scratch_operands = 8 : i64, tpu.core_type = #tpu.core_type<sc_vector_subcore>, window_params = [{transform_indices = #map}, {transform_indices = #map1}, {transform_indices = #map2}, {transform_indices = #map}, {transform_indices = #map2}]} {
    %mul3A = arith.constant 640 : i32
    %mul3A_0 = arith.muli %arg1, %mul3A : i32
    "tpu.region"() ({
      %run_scoped3A = tpu.sem_alloc : memref<!tpu.dma_semaphore, #tpu.memory_space<semaphore_mem>>
      %dma_start3A_267 = arith.constant 0 : i32
      %dma_start3A_268 = tpu.memref_slice %arg10[%mul3A_0, %dma_start3A_267] : memref<10240x128xf32, #tpu.memory_space<vmem_shared>> -> memref<640x128xf32, #tpu.memory_space<vmem_shared>>
      %dma_start3A_269 = arith.constant 0 : i32
      %dma_start3A_270 = arith.constant 0 : i32
      %dma_start3A_271 = tpu.memref_slice %arg5[%dma_start3A_269, %dma_start3A_270] : memref<640x128xf32, #tpu.memory_space<hbm>> -> memref<640x128xf32, #tpu.memory_space<hbm>>
      tpu.enqueue_dma source(%dma_start3A_271 : memref<640x128xf32, #tpu.memory_space<hbm>>) target(%dma_start3A_268 : memref<640x128xf32, #tpu.memory_space<vmem_shared>>) target_semaphore(%run_scoped3A : memref<!tpu.dma_semaphore, #tpu.memory_space<semaphore_mem>>)
      %dma_wait3A_272 = arith.constant 0 : i32
      %dma_wait3A_273 = tpu.memref_slice %arg10[%mul3A_0, %dma_wait3A_272] : memref<10240x128xf32, #tpu.memory_space<vmem_shared>> -> memref<640x128xf32, #tpu.memory_space<vmem_shared>>
      %dma_wait3A_274 = arith.constant 0 : i32
      %dma_wait3A_275 = arith.constant 0 : i32
      %dma_wait3A_276 = tpu.memref_slice %arg5[%dma_wait3A_274, %dma_wait3A_275] : memref<640x128xf32, #tpu.memory_space<hbm>> -> memref<640x128xf32, #tpu.memory_space<hbm>>
      tpu.wait_dma2 semaphore(%run_scoped3A : memref<!tpu.dma_semaphore, #tpu.memory_space<semaphore_mem>>) src(%dma_wait3A_276 : memref<640x128xf32, #tpu.memory_space<hbm>>) dst(%dma_wait3A_273 : memref<640x128xf32, #tpu.memory_space<vmem_shared>>)
      tpu.yield
    }) : () -> ()
    %dma_start3A = arith.constant 0 : i32
    %dma_start3A_1 = arith.constant 0 : i32
    %dma_start3A_2 = arith.constant 0 : i32
    %dma_start3A_3 = tpu.memref_slice %arg7[%dma_start3A_1, %dma_start3A_2] : memref<6x80xi32, #tpu.memory_space<vmem>> -> memref<1x80xi32, #tpu.memory_space<vmem>>
    %dma_start3A_4 = tpu.memref_squeeze %dma_start3A_3 : memref<1x80xi32, #tpu.memory_space<vmem>> -> memref<80xi32, #tpu.memory_space<vmem>>
    %dma_start3A_5 = arith.constant 0 : i32
    %dma_start3A_6 = tpu.memref_slice %arg3[%arg0, %arg1, %dma_start3A, %dma_start3A_5] : memref<2x16x125x80xi32, #tpu.memory_space<hbm>> -> memref<1x1x1x80xi32, #tpu.memory_space<hbm>>
    %dma_start3A_7 = tpu.memref_squeeze %dma_start3A_6 : memref<1x1x1x80xi32, #tpu.memory_space<hbm>> -> memref<80xi32, #tpu.memory_space<hbm>>
    %dma_start3A_8 = arith.constant 0 : i32
    %dma_start3A_9 = tpu.memref_slice %arg7[%dma_start3A_1, %dma_start3A_8] : memref<6x80xi32, #tpu.memory_space<vmem>> -> memref<1x80xi32, #tpu.memory_space<vmem>>
    %dma_start3A_10 = tpu.memref_squeeze %dma_start3A_9 : memref<1x80xi32, #tpu.memory_space<vmem>> -> memref<80xi32, #tpu.memory_space<vmem>>
    %dma_start3A_11 = arith.constant 0 : i32
    %dma_start3A_12 = tpu.memref_slice %arg3[%arg0, %arg1, %dma_start3A, %dma_start3A_11] : memref<2x16x125x80xi32, #tpu.memory_space<hbm>> -> memref<1x1x1x80xi32, #tpu.memory_space<hbm>>
    %dma_start3A_13 = tpu.memref_squeeze %dma_start3A_12 : memref<1x1x1x80xi32, #tpu.memory_space<hbm>> -> memref<80xi32, #tpu.memory_space<hbm>>
    tpu.enqueue_dma source(%dma_start3A_13 : memref<80xi32, #tpu.memory_space<hbm>>) target(%dma_start3A_10 : memref<80xi32, #tpu.memory_space<vmem>>) target_semaphore(%arg13 : memref<!tpu.dma_semaphore, #tpu.memory_space<semaphore_mem>>)
    %dma_start3A_14 = arith.constant 0 : i32
    %dma_start3A_15 = arith.constant 0 : i32
    %dma_start3A_16 = arith.constant 0 : i32
    %dma_start3A_17 = tpu.memref_slice %arg8[%dma_start3A_15, %dma_start3A_16] : memref<6x80xi32, #tpu.memory_space<vmem>> -> memref<1x80xi32, #tpu.memory_space<vmem>>
    %dma_start3A_18 = tpu.memref_squeeze %dma_start3A_17 : memref<1x80xi32, #tpu.memory_space<vmem>> -> memref<80xi32, #tpu.memory_space<vmem>>
    %dma_start3A_19 = arith.constant 0 : i32
    %dma_start3A_20 = tpu.memref_slice %arg4[%arg1, %dma_start3A_14, %dma_start3A_19] : memref<16x125x80xi32, #tpu.memory_space<hbm>> -> memref<1x1x80xi32, #tpu.memory_space<hbm>>
    %dma_start3A_21 = tpu.memref_squeeze %dma_start3A_20 : memref<1x1x80xi32, #tpu.memory_space<hbm>> -> memref<80xi32, #tpu.memory_space<hbm>>
    %dma_start3A_22 = arith.constant 0 : i32
    %dma_start3A_23 = tpu.memref_slice %arg8[%dma_start3A_15, %dma_start3A_22] : memref<6x80xi32, #tpu.memory_space<vmem>> -> memref<1x80xi32, #tpu.memory_space<vmem>>
    %dma_start3A_24 = tpu.memref_squeeze %dma_start3A_23 : memref<1x80xi32, #tpu.memory_space<vmem>> -> memref<80xi32, #tpu.memory_space<vmem>>
    %dma_start3A_25 = arith.constant 0 : i32
    %dma_start3A_26 = tpu.memref_slice %arg4[%arg1, %dma_start3A_14, %dma_start3A_25] : memref<16x125x80xi32, #tpu.memory_space<hbm>> -> memref<1x1x80xi32, #tpu.memory_space<hbm>>
    %dma_start3A_27 = tpu.memref_squeeze %dma_start3A_26 : memref<1x1x80xi32, #tpu.memory_space<hbm>> -> memref<80xi32, #tpu.memory_space<hbm>>
    tpu.enqueue_dma source(%dma_start3A_27 : memref<80xi32, #tpu.memory_space<hbm>>) target(%dma_start3A_24 : memref<80xi32, #tpu.memory_space<vmem>>) target_semaphore(%arg14 : memref<!tpu.dma_semaphore, #tpu.memory_space<semaphore_mem>>)
    %dma_start3A_28 = arith.constant 1 : i32
    %dma_start3A_29 = arith.constant 1 : i32
    %dma_start3A_30 = arith.constant 0 : i32
    %dma_start3A_31 = tpu.memref_slice %arg7[%dma_start3A_29, %dma_start3A_30] : memref<6x80xi32, #tpu.memory_space<vmem>> -> memref<1x80xi32, #tpu.memory_space<vmem>>
    %dma_start3A_32 = tpu.memref_squeeze %dma_start3A_31 : memref<1x80xi32, #tpu.memory_space<vmem>> -> memref<80xi32, #tpu.memory_space<vmem>>
    %dma_start3A_33 = arith.constant 0 : i32
    %dma_start3A_34 = tpu.memref_slice %arg3[%arg0, %arg1, %dma_start3A_28, %dma_start3A_33] : memref<2x16x125x80xi32, #tpu.memory_space<hbm>> -> memref<1x1x1x80xi32, #tpu.memory_space<hbm>>
    %dma_start3A_35 = tpu.memref_squeeze %dma_start3A_34 : memref<1x1x1x80xi32, #tpu.memory_space<hbm>> -> memref<80xi32, #tpu.memory_space<hbm>>
    %dma_start3A_36 = arith.constant 0 : i32
    %dma_start3A_37 = tpu.memref_slice %arg7[%dma_start3A_29, %dma_start3A_36] : memref<6x80xi32, #tpu.memory_space<vmem>> -> memref<1x80xi32, #tpu.memory_space<vmem>>
    %dma_start3A_38 = tpu.memref_squeeze %dma_start3A_37 : memref<1x80xi32, #tpu.memory_space<vmem>> -> memref<80xi32, #tpu.memory_space<vmem>>
    %dma_start3A_39 = arith.constant 0 : i32
    %dma_start3A_40 = tpu.memref_slice %arg3[%arg0, %arg1, %dma_start3A_28, %dma_start3A_39] : memref<2x16x125x80xi32, #tpu.memory_space<hbm>> -> memref<1x1x1x80xi32, #tpu.memory_space<hbm>>
    %dma_start3A_41 = tpu.memref_squeeze %dma_start3A_40 : memref<1x1x1x80xi32, #tpu.memory_space<hbm>> -> memref<80xi32, #tpu.memory_space<hbm>>
    tpu.enqueue_dma source(%dma_start3A_41 : memref<80xi32, #tpu.memory_space<hbm>>) target(%dma_start3A_38 : memref<80xi32, #tpu.memory_space<vmem>>) target_semaphore(%arg13 : memref<!tpu.dma_semaphore, #tpu.memory_space<semaphore_mem>>)
    %dma_start3A_42 = arith.constant 1 : i32
    %dma_start3A_43 = arith.constant 1 : i32
    %dma_start3A_44 = arith.constant 0 : i32
    %dma_start3A_45 = tpu.memref_slice %arg8[%dma_start3A_43, %dma_start3A_44] : memref<6x80xi32, #tpu.memory_space<vmem>> -> memref<1x80xi32, #tpu.memory_space<vmem>>
    %dma_start3A_46 = tpu.memref_squeeze %dma_start3A_45 : memref<1x80xi32, #tpu.memory_space<vmem>> -> memref<80xi32, #tpu.memory_space<vmem>>
    %dma_start3A_47 = arith.constant 0 : i32
    %dma_start3A_48 = tpu.memref_slice %arg4[%arg1, %dma_start3A_42, %dma_start3A_47] : memref<16x125x80xi32, #tpu.memory_space<hbm>> -> memref<1x1x80xi32, #tpu.memory_space<hbm>>
    %dma_start3A_49 = tpu.memref_squeeze %dma_start3A_48 : memref<1x1x80xi32, #tpu.memory_space<hbm>> -> memref<80xi32, #tpu.memory_space<hbm>>
    %dma_start3A_50 = arith.constant 0 : i32
    %dma_start3A_51 = tpu.memref_slice %arg8[%dma_start3A_43, %dma_start3A_50] : memref<6x80xi32, #tpu.memory_space<vmem>> -> memref<1x80xi32, #tpu.memory_space<vmem>>
    %dma_start3A_52 = tpu.memref_squeeze %dma_start3A_51 : memref<1x80xi32, #tpu.memory_space<vmem>> -> memref<80xi32, #tpu.memory_space<vmem>>
    %dma_start3A_53 = arith.constant 0 : i32
    %dma_start3A_54 = tpu.memref_slice %arg4[%arg1, %dma_start3A_42, %dma_start3A_53] : memref<16x125x80xi32, #tpu.memory_space<hbm>> -> memref<1x1x80xi32, #tpu.memory_space<hbm>>
    %dma_start3A_55 = tpu.memref_squeeze %dma_start3A_54 : memref<1x1x80xi32, #tpu.memory_space<hbm>> -> memref<80xi32, #tpu.memory_space<hbm>>
    tpu.enqueue_dma source(%dma_start3A_55 : memref<80xi32, #tpu.memory_space<hbm>>) target(%dma_start3A_52 : memref<80xi32, #tpu.memory_space<vmem>>) target_semaphore(%arg14 : memref<!tpu.dma_semaphore, #tpu.memory_space<semaphore_mem>>)
    %dma_start3A_56 = arith.constant 2 : i32
    %dma_start3A_57 = arith.constant 2 : i32
    %dma_start3A_58 = arith.constant 0 : i32
    %dma_start3A_59 = tpu.memref_slice %arg7[%dma_start3A_57, %dma_start3A_58] : memref<6x80xi32, #tpu.memory_space<vmem>> -> memref<1x80xi32, #tpu.memory_space<vmem>>
    %dma_start3A_60 = tpu.memref_squeeze %dma_start3A_59 : memref<1x80xi32, #tpu.memory_space<vmem>> -> memref<80xi32, #tpu.memory_space<vmem>>
    %dma_start3A_61 = arith.constant 0 : i32
    %dma_start3A_62 = tpu.memref_slice %arg3[%arg0, %arg1, %dma_start3A_56, %dma_start3A_61] : memref<2x16x125x80xi32, #tpu.memory_space<hbm>> -> memref<1x1x1x80xi32, #tpu.memory_space<hbm>>
    %dma_start3A_63 = tpu.memref_squeeze %dma_start3A_62 : memref<1x1x1x80xi32, #tpu.memory_space<hbm>> -> memref<80xi32, #tpu.memory_space<hbm>>
    %dma_start3A_64 = arith.constant 0 : i32
    %dma_start3A_65 = tpu.memref_slice %arg7[%dma_start3A_57, %dma_start3A_64] : memref<6x80xi32, #tpu.memory_space<vmem>> -> memref<1x80xi32, #tpu.memory_space<vmem>>
    %dma_start3A_66 = tpu.memref_squeeze %dma_start3A_65 : memref<1x80xi32, #tpu.memory_space<vmem>> -> memref<80xi32, #tpu.memory_space<vmem>>
    %dma_start3A_67 = arith.constant 0 : i32
    %dma_start3A_68 = tpu.memref_slice %arg3[%arg0, %arg1, %dma_start3A_56, %dma_start3A_67] : memref<2x16x125x80xi32, #tpu.memory_space<hbm>> -> memref<1x1x1x80xi32, #tpu.memory_space<hbm>>
    %dma_start3A_69 = tpu.memref_squeeze %dma_start3A_68 : memref<1x1x1x80xi32, #tpu.memory_space<hbm>> -> memref<80xi32, #tpu.memory_space<hbm>>
    tpu.enqueue_dma source(%dma_start3A_69 : memref<80xi32, #tpu.memory_space<hbm>>) target(%dma_start3A_66 : memref<80xi32, #tpu.memory_space<vmem>>) target_semaphore(%arg13 : memref<!tpu.dma_semaphore, #tpu.memory_space<semaphore_mem>>)
    %dma_start3A_70 = arith.constant 2 : i32
    %dma_start3A_71 = arith.constant 2 : i32
    %dma_start3A_72 = arith.constant 0 : i32
    %dma_start3A_73 = tpu.memref_slice %arg8[%dma_start3A_71, %dma_start3A_72] : memref<6x80xi32, #tpu.memory_space<vmem>> -> memref<1x80xi32, #tpu.memory_space<vmem>>
    %dma_start3A_74 = tpu.memref_squeeze %dma_start3A_73 : memref<1x80xi32, #tpu.memory_space<vmem>> -> memref<80xi32, #tpu.memory_space<vmem>>
    %dma_start3A_75 = arith.constant 0 : i32
    %dma_start3A_76 = tpu.memref_slice %arg4[%arg1, %dma_start3A_70, %dma_start3A_75] : memref<16x125x80xi32, #tpu.memory_space<hbm>> -> memref<1x1x80xi32, #tpu.memory_space<hbm>>
    %dma_start3A_77 = tpu.memref_squeeze %dma_start3A_76 : memref<1x1x80xi32, #tpu.memory_space<hbm>> -> memref<80xi32, #tpu.memory_space<hbm>>
    %dma_start3A_78 = arith.constant 0 : i32
    %dma_start3A_79 = tpu.memref_slice %arg8[%dma_start3A_71, %dma_start3A_78] : memref<6x80xi32, #tpu.memory_space<vmem>> -> memref<1x80xi32, #tpu.memory_space<vmem>>
    %dma_start3A_80 = tpu.memref_squeeze %dma_start3A_79 : memref<1x80xi32, #tpu.memory_space<vmem>> -> memref<80xi32, #tpu.memory_space<vmem>>
    %dma_start3A_81 = arith.constant 0 : i32
    %dma_start3A_82 = tpu.memref_slice %arg4[%arg1, %dma_start3A_70, %dma_start3A_81] : memref<16x125x80xi32, #tpu.memory_space<hbm>> -> memref<1x1x80xi32, #tpu.memory_space<hbm>>
    %dma_start3A_83 = tpu.memref_squeeze %dma_start3A_82 : memref<1x1x80xi32, #tpu.memory_space<hbm>> -> memref<80xi32, #tpu.memory_space<hbm>>
    tpu.enqueue_dma source(%dma_start3A_83 : memref<80xi32, #tpu.memory_space<hbm>>) target(%dma_start3A_80 : memref<80xi32, #tpu.memory_space<vmem>>) target_semaphore(%arg14 : memref<!tpu.dma_semaphore, #tpu.memory_space<semaphore_mem>>)
    %dma_start3A_84 = arith.constant 3 : i32
    %dma_start3A_85 = arith.constant 3 : i32
    %dma_start3A_86 = arith.constant 0 : i32
    %dma_start3A_87 = tpu.memref_slice %arg7[%dma_start3A_85, %dma_start3A_86] : memref<6x80xi32, #tpu.memory_space<vmem>> -> memref<1x80xi32, #tpu.memory_space<vmem>>
    %dma_start3A_88 = tpu.memref_squeeze %dma_start3A_87 : memref<1x80xi32, #tpu.memory_space<vmem>> -> memref<80xi32, #tpu.memory_space<vmem>>
    %dma_start3A_89 = arith.constant 0 : i32
    %dma_start3A_90 = tpu.memref_slice %arg3[%arg0, %arg1, %dma_start3A_84, %dma_start3A_89] : memref<2x16x125x80xi32, #tpu.memory_space<hbm>> -> memref<1x1x1x80xi32, #tpu.memory_space<hbm>>
    %dma_start3A_91 = tpu.memref_squeeze %dma_start3A_90 : memref<1x1x1x80xi32, #tpu.memory_space<hbm>> -> memref<80xi32, #tpu.memory_space<hbm>>
    %dma_start3A_92 = arith.constant 0 : i32
    %dma_start3A_93 = tpu.memref_slice %arg7[%dma_start3A_85, %dma_start3A_92] : memref<6x80xi32, #tpu.memory_space<vmem>> -> memref<1x80xi32, #tpu.memory_space<vmem>>
    %dma_start3A_94 = tpu.memref_squeeze %dma_start3A_93 : memref<1x80xi32, #tpu.memory_space<vmem>> -> memref<80xi32, #tpu.memory_space<vmem>>
    %dma_start3A_95 = arith.constant 0 : i32
    %dma_start3A_96 = tpu.memref_slice %arg3[%arg0, %arg1, %dma_start3A_84, %dma_start3A_95] : memref<2x16x125x80xi32, #tpu.memory_space<hbm>> -> memref<1x1x1x80xi32, #tpu.memory_space<hbm>>
    %dma_start3A_97 = tpu.memref_squeeze %dma_start3A_96 : memref<1x1x1x80xi32, #tpu.memory_space<hbm>> -> memref<80xi32, #tpu.memory_space<hbm>>
    tpu.enqueue_dma source(%dma_start3A_97 : memref<80xi32, #tpu.memory_space<hbm>>) target(%dma_start3A_94 : memref<80xi32, #tpu.memory_space<vmem>>) target_semaphore(%arg13 : memref<!tpu.dma_semaphore, #tpu.memory_space<semaphore_mem>>)
    %dma_start3A_98 = arith.constant 3 : i32
    %dma_start3A_99 = arith.constant 3 : i32
    %dma_start3A_100 = arith.constant 0 : i32
    %dma_start3A_101 = tpu.memref_slice %arg8[%dma_start3A_99, %dma_start3A_100] : memref<6x80xi32, #tpu.memory_space<vmem>> -> memref<1x80xi32, #tpu.memory_space<vmem>>
    %dma_start3A_102 = tpu.memref_squeeze %dma_start3A_101 : memref<1x80xi32, #tpu.memory_space<vmem>> -> memref<80xi32, #tpu.memory_space<vmem>>
    %dma_start3A_103 = arith.constant 0 : i32
    %dma_start3A_104 = tpu.memref_slice %arg4[%arg1, %dma_start3A_98, %dma_start3A_103] : memref<16x125x80xi32, #tpu.memory_space<hbm>> -> memref<1x1x80xi32, #tpu.memory_space<hbm>>
    %dma_start3A_105 = tpu.memref_squeeze %dma_start3A_104 : memref<1x1x80xi32, #tpu.memory_space<hbm>> -> memref<80xi32, #tpu.memory_space<hbm>>
    %dma_start3A_106 = arith.constant 0 : i32
    %dma_start3A_107 = tpu.memref_slice %arg8[%dma_start3A_99, %dma_start3A_106] : memref<6x80xi32, #tpu.memory_space<vmem>> -> memref<1x80xi32, #tpu.memory_space<vmem>>
    %dma_start3A_108 = tpu.memref_squeeze %dma_start3A_107 : memref<1x80xi32, #tpu.memory_space<vmem>> -> memref<80xi32, #tpu.memory_space<vmem>>
    %dma_start3A_109 = arith.constant 0 : i32
    %dma_start3A_110 = tpu.memref_slice %arg4[%arg1, %dma_start3A_98, %dma_start3A_109] : memref<16x125x80xi32, #tpu.memory_space<hbm>> -> memref<1x1x80xi32, #tpu.memory_space<hbm>>
    %dma_start3A_111 = tpu.memref_squeeze %dma_start3A_110 : memref<1x1x80xi32, #tpu.memory_space<hbm>> -> memref<80xi32, #tpu.memory_space<hbm>>
    tpu.enqueue_dma source(%dma_start3A_111 : memref<80xi32, #tpu.memory_space<hbm>>) target(%dma_start3A_108 : memref<80xi32, #tpu.memory_space<vmem>>) target_semaphore(%arg14 : memref<!tpu.dma_semaphore, #tpu.memory_space<semaphore_mem>>)
    %dma_start3A_112 = arith.constant 4 : i32
    %dma_start3A_113 = arith.constant 4 : i32
    %dma_start3A_114 = arith.constant 0 : i32
    %dma_start3A_115 = tpu.memref_slice %arg7[%dma_start3A_113, %dma_start3A_114] : memref<6x80xi32, #tpu.memory_space<vmem>> -> memref<1x80xi32, #tpu.memory_space<vmem>>
    %dma_start3A_116 = tpu.memref_squeeze %dma_start3A_115 : memref<1x80xi32, #tpu.memory_space<vmem>> -> memref<80xi32, #tpu.memory_space<vmem>>
    %dma_start3A_117 = arith.constant 0 : i32
    %dma_start3A_118 = tpu.memref_slice %arg3[%arg0, %arg1, %dma_start3A_112, %dma_start3A_117] : memref<2x16x125x80xi32, #tpu.memory_space<hbm>> -> memref<1x1x1x80xi32, #tpu.memory_space<hbm>>
    %dma_start3A_119 = tpu.memref_squeeze %dma_start3A_118 : memref<1x1x1x80xi32, #tpu.memory_space<hbm>> -> memref<80xi32, #tpu.memory_space<hbm>>
    %dma_start3A_120 = arith.constant 0 : i32
    %dma_start3A_121 = tpu.memref_slice %arg7[%dma_start3A_113, %dma_start3A_120] : memref<6x80xi32, #tpu.memory_space<vmem>> -> memref<1x80xi32, #tpu.memory_space<vmem>>
    %dma_start3A_122 = tpu.memref_squeeze %dma_start3A_121 : memref<1x80xi32, #tpu.memory_space<vmem>> -> memref<80xi32, #tpu.memory_space<vmem>>
    %dma_start3A_123 = arith.constant 0 : i32
    %dma_start3A_124 = tpu.memref_slice %arg3[%arg0, %arg1, %dma_start3A_112, %dma_start3A_123] : memref<2x16x125x80xi32, #tpu.memory_space<hbm>> -> memref<1x1x1x80xi32, #tpu.memory_space<hbm>>
    %dma_start3A_125 = tpu.memref_squeeze %dma_start3A_124 : memref<1x1x1x80xi32, #tpu.memory_space<hbm>> -> memref<80xi32, #tpu.memory_space<hbm>>
    tpu.enqueue_dma source(%dma_start3A_125 : memref<80xi32, #tpu.memory_space<hbm>>) target(%dma_start3A_122 : memref<80xi32, #tpu.memory_space<vmem>>) target_semaphore(%arg13 : memref<!tpu.dma_semaphore, #tpu.memory_space<semaphore_mem>>)
    %dma_start3A_126 = arith.constant 4 : i32
    %dma_start3A_127 = arith.constant 4 : i32
    %dma_start3A_128 = arith.constant 0 : i32
    %dma_start3A_129 = tpu.memref_slice %arg8[%dma_start3A_127, %dma_start3A_128] : memref<6x80xi32, #tpu.memory_space<vmem>> -> memref<1x80xi32, #tpu.memory_space<vmem>>
    %dma_start3A_130 = tpu.memref_squeeze %dma_start3A_129 : memref<1x80xi32, #tpu.memory_space<vmem>> -> memref<80xi32, #tpu.memory_space<vmem>>
    %dma_start3A_131 = arith.constant 0 : i32
    %dma_start3A_132 = tpu.memref_slice %arg4[%arg1, %dma_start3A_126, %dma_start3A_131] : memref<16x125x80xi32, #tpu.memory_space<hbm>> -> memref<1x1x80xi32, #tpu.memory_space<hbm>>
    %dma_start3A_133 = tpu.memref_squeeze %dma_start3A_132 : memref<1x1x80xi32, #tpu.memory_space<hbm>> -> memref<80xi32, #tpu.memory_space<hbm>>
    %dma_start3A_134 = arith.constant 0 : i32
    %dma_start3A_135 = tpu.memref_slice %arg8[%dma_start3A_127, %dma_start3A_134] : memref<6x80xi32, #tpu.memory_space<vmem>> -> memref<1x80xi32, #tpu.memory_space<vmem>>
    %dma_start3A_136 = tpu.memref_squeeze %dma_start3A_135 : memref<1x80xi32, #tpu.memory_space<vmem>> -> memref<80xi32, #tpu.memory_space<vmem>>
    %dma_start3A_137 = arith.constant 0 : i32
    %dma_start3A_138 = tpu.memref_slice %arg4[%arg1, %dma_start3A_126, %dma_start3A_137] : memref<16x125x80xi32, #tpu.memory_space<hbm>> -> memref<1x1x80xi32, #tpu.memory_space<hbm>>
    %dma_start3A_139 = tpu.memref_squeeze %dma_start3A_138 : memref<1x1x80xi32, #tpu.memory_space<hbm>> -> memref<80xi32, #tpu.memory_space<hbm>>
    tpu.enqueue_dma source(%dma_start3A_139 : memref<80xi32, #tpu.memory_space<hbm>>) target(%dma_start3A_136 : memref<80xi32, #tpu.memory_space<vmem>>) target_semaphore(%arg14 : memref<!tpu.dma_semaphore, #tpu.memory_space<semaphore_mem>>)
    %dma_start3A_140 = arith.constant 5 : i32
    %dma_start3A_141 = arith.constant 5 : i32
    %dma_start3A_142 = arith.constant 0 : i32
    %dma_start3A_143 = tpu.memref_slice %arg7[%dma_start3A_141, %dma_start3A_142] : memref<6x80xi32, #tpu.memory_space<vmem>> -> memref<1x80xi32, #tpu.memory_space<vmem>>
    %dma_start3A_144 = tpu.memref_squeeze %dma_start3A_143 : memref<1x80xi32, #tpu.memory_space<vmem>> -> memref<80xi32, #tpu.memory_space<vmem>>
    %dma_start3A_145 = arith.constant 0 : i32
    %dma_start3A_146 = tpu.memref_slice %arg3[%arg0, %arg1, %dma_start3A_140, %dma_start3A_145] : memref<2x16x125x80xi32, #tpu.memory_space<hbm>> -> memref<1x1x1x80xi32, #tpu.memory_space<hbm>>
    %dma_start3A_147 = tpu.memref_squeeze %dma_start3A_146 : memref<1x1x1x80xi32, #tpu.memory_space<hbm>> -> memref<80xi32, #tpu.memory_space<hbm>>
    %dma_start3A_148 = arith.constant 0 : i32
    %dma_start3A_149 = tpu.memref_slice %arg7[%dma_start3A_141, %dma_start3A_148] : memref<6x80xi32, #tpu.memory_space<vmem>> -> memref<1x80xi32, #tpu.memory_space<vmem>>
    %dma_start3A_150 = tpu.memref_squeeze %dma_start3A_149 : memref<1x80xi32, #tpu.memory_space<vmem>> -> memref<80xi32, #tpu.memory_space<vmem>>
    %dma_start3A_151 = arith.constant 0 : i32
    %dma_start3A_152 = tpu.memref_slice %arg3[%arg0, %arg1, %dma_start3A_140, %dma_start3A_151] : memref<2x16x125x80xi32, #tpu.memory_space<hbm>> -> memref<1x1x1x80xi32, #tpu.memory_space<hbm>>
    %dma_start3A_153 = tpu.memref_squeeze %dma_start3A_152 : memref<1x1x1x80xi32, #tpu.memory_space<hbm>> -> memref<80xi32, #tpu.memory_space<hbm>>
    tpu.enqueue_dma source(%dma_start3A_153 : memref<80xi32, #tpu.memory_space<hbm>>) target(%dma_start3A_150 : memref<80xi32, #tpu.memory_space<vmem>>) target_semaphore(%arg13 : memref<!tpu.dma_semaphore, #tpu.memory_space<semaphore_mem>>)
    %dma_start3A_154 = arith.constant 5 : i32
    %dma_start3A_155 = arith.constant 5 : i32
    %dma_start3A_156 = arith.constant 0 : i32
    %dma_start3A_157 = tpu.memref_slice %arg8[%dma_start3A_155, %dma_start3A_156] : memref<6x80xi32, #tpu.memory_space<vmem>> -> memref<1x80xi32, #tpu.memory_space<vmem>>
    %dma_start3A_158 = tpu.memref_squeeze %dma_start3A_157 : memref<1x80xi32, #tpu.memory_space<vmem>> -> memref<80xi32, #tpu.memory_space<vmem>>
    %dma_start3A_159 = arith.constant 0 : i32
    %dma_start3A_160 = tpu.memref_slice %arg4[%arg1, %dma_start3A_154, %dma_start3A_159] : memref<16x125x80xi32, #tpu.memory_space<hbm>> -> memref<1x1x80xi32, #tpu.memory_space<hbm>>
    %dma_start3A_161 = tpu.memref_squeeze %dma_start3A_160 : memref<1x1x80xi32, #tpu.memory_space<hbm>> -> memref<80xi32, #tpu.memory_space<hbm>>
    %dma_start3A_162 = arith.constant 0 : i32
    %dma_start3A_163 = tpu.memref_slice %arg8[%dma_start3A_155, %dma_start3A_162] : memref<6x80xi32, #tpu.memory_space<vmem>> -> memref<1x80xi32, #tpu.memory_space<vmem>>
    %dma_start3A_164 = tpu.memref_squeeze %dma_start3A_163 : memref<1x80xi32, #tpu.memory_space<vmem>> -> memref<80xi32, #tpu.memory_space<vmem>>
    %dma_start3A_165 = arith.constant 0 : i32
    %dma_start3A_166 = tpu.memref_slice %arg4[%arg1, %dma_start3A_154, %dma_start3A_165] : memref<16x125x80xi32, #tpu.memory_space<hbm>> -> memref<1x1x80xi32, #tpu.memory_space<hbm>>
    %dma_start3A_167 = tpu.memref_squeeze %dma_start3A_166 : memref<1x1x80xi32, #tpu.memory_space<hbm>> -> memref<80xi32, #tpu.memory_space<hbm>>
    tpu.enqueue_dma source(%dma_start3A_167 : memref<80xi32, #tpu.memory_space<hbm>>) target(%dma_start3A_164 : memref<80xi32, #tpu.memory_space<vmem>>) target_semaphore(%arg14 : memref<!tpu.dma_semaphore, #tpu.memory_space<semaphore_mem>>)
    %barrier3A = arith.constant 0 : index
    tpu.barrier barrier_id(%barrier3A)
    %dma_wait3A = arith.constant 0 : i32
    %dma_wait3A_168 = arith.constant 0 : i32
    %dma_wait3A_169 = arith.constant 0 : i32
    %dma_wait3A_170 = tpu.memref_slice %arg7[%dma_wait3A_168, %dma_wait3A_169] : memref<6x80xi32, #tpu.memory_space<vmem>> -> memref<1x80xi32, #tpu.memory_space<vmem>>
    %dma_wait3A_171 = tpu.memref_squeeze %dma_wait3A_170 : memref<1x80xi32, #tpu.memory_space<vmem>> -> memref<80xi32, #tpu.memory_space<vmem>>
    %dma_wait3A_172 = arith.constant 0 : i32
    %dma_wait3A_173 = tpu.memref_slice %arg3[%arg0, %arg1, %dma_wait3A, %dma_wait3A_172] : memref<2x16x125x80xi32, #tpu.memory_space<hbm>> -> memref<1x1x1x80xi32, #tpu.memory_space<hbm>>
    %dma_wait3A_174 = tpu.memref_squeeze %dma_wait3A_173 : memref<1x1x1x80xi32, #tpu.memory_space<hbm>> -> memref<80xi32, #tpu.memory_space<hbm>>
    %dma_wait3A_175 = arith.constant 0 : i32
    %dma_wait3A_176 = tpu.memref_slice %arg7[%dma_wait3A_168, %dma_wait3A_175] : memref<6x80xi32, #tpu.memory_space<vmem>> -> memref<1x80xi32, #tpu.memory_space<vmem>>
    %dma_wait3A_177 = tpu.memref_squeeze %dma_wait3A_176 : memref<1x80xi32, #tpu.memory_space<vmem>> -> memref<80xi32, #tpu.memory_space<vmem>>
    %dma_wait3A_178 = arith.constant 0 : i32
    %dma_wait3A_179 = tpu.memref_slice %arg3[%arg0, %arg1, %dma_wait3A, %dma_wait3A_178] : memref<2x16x125x80xi32, #tpu.memory_space<hbm>> -> memref<1x1x1x80xi32, #tpu.memory_space<hbm>>
    %dma_wait3A_180 = tpu.memref_squeeze %dma_wait3A_179 : memref<1x1x1x80xi32, #tpu.memory_space<hbm>> -> memref<80xi32, #tpu.memory_space<hbm>>
    tpu.wait_dma2 semaphore(%arg13 : memref<!tpu.dma_semaphore, #tpu.memory_space<semaphore_mem>>) src(%dma_wait3A_180 : memref<80xi32, #tpu.memory_space<hbm>>) dst(%dma_wait3A_177 : memref<80xi32, #tpu.memory_space<vmem>>)
    %dma_start3A_181 = arith.constant 0 : i32
    %dma_start3A_182 = arith.constant 0 : i32
    %dma_start3A_183 = arith.constant 0 : i32
    %dma_start3A_184 = arith.constant 0 : i32
    %dma_start3A_185 = tpu.memref_slice %arg9[%dma_start3A_182, %dma_start3A_183, %dma_start3A_184] : memref<4x80x128xf32, #tpu.memory_space<vmem>> -> memref<1x80x128xf32, #tpu.memory_space<vmem>>
    %dma_start3A_186 = tpu.memref_squeeze %dma_start3A_185 : memref<1x80x128xf32, #tpu.memory_space<vmem>> -> memref<80x128xf32, #tpu.memory_space<vmem>>
    %dma_start3A_187 = arith.constant 0 : i32
    %dma_start3A_188 = tpu.memref_slice %arg7[%dma_start3A_181, %dma_start3A_187] : memref<6x80xi32, #tpu.memory_space<vmem>> -> memref<1x80xi32, #tpu.memory_space<vmem>>
    %dma_start3A_189 = tpu.memref_squeeze %dma_start3A_188 : memref<1x80xi32, #tpu.memory_space<vmem>> -> memref<80xi32, #tpu.memory_space<vmem>>
    %dma_start3A_190 = arith.constant 0 : i32
    %dma_start3A_191 = arith.constant 0 : i32
    %dma_start3A_192 = tpu.memref_slice %arg2[%dma_start3A_190, %dma_start3A_191] : memref<20480x128xf32, #tpu.memory_space<hbm>> -> memref<20480x128xf32, #tpu.memory_space<hbm>>
    tpu.enqueue_indirect_dma source(%dma_start3A_192 : memref<20480x128xf32, #tpu.memory_space<hbm>>) target(%dma_start3A_186 : memref<80x128xf32, #tpu.memory_space<vmem>>) offsets(%dma_start3A_189 : memref<80xi32, #tpu.memory_space<vmem>>) semaphore(%arg11 : memref<!tpu.dma_semaphore, #tpu.memory_space<semaphore_mem>>)
    %dma_wait3A_193 = arith.constant 1 : i32
    %dma_wait3A_194 = arith.constant 1 : i32
    %dma_wait3A_195 = arith.constant 0 : i32
    %dma_wait3A_196 = tpu.memref_slice %arg7[%dma_wait3A_194, %dma_wait3A_195] : memref<6x80xi32, #tpu.memory_space<vmem>> -> memref<1x80xi32, #tpu.memory_space<vmem>>
    %dma_wait3A_197 = tpu.memref_squeeze %dma_wait3A_196 : memref<1x80xi32, #tpu.memory_space<vmem>> -> memref<80xi32, #tpu.memory_space<vmem>>
    %dma_wait3A_198 = arith.constant 0 : i32
    %dma_wait3A_199 = tpu.memref_slice %arg3[%arg0, %arg1, %dma_wait3A_193, %dma_wait3A_198] : memref<2x16x125x80xi32, #tpu.memory_space<hbm>> -> memref<1x1x1x80xi32, #tpu.memory_space<hbm>>
    %dma_wait3A_200 = tpu.memref_squeeze %dma_wait3A_199 : memref<1x1x1x80xi32, #tpu.memory_space<hbm>> -> memref<80xi32, #tpu.memory_space<hbm>>
    %dma_wait3A_201 = arith.constant 0 : i32
    %dma_wait3A_202 = tpu.memref_slice %arg7[%dma_wait3A_194, %dma_wait3A_201] : memref<6x80xi32, #tpu.memory_space<vmem>> -> memref<1x80xi32, #tpu.memory_space<vmem>>
    %dma_wait3A_203 = tpu.memref_squeeze %dma_wait3A_202 : memref<1x80xi32, #tpu.memory_space<vmem>> -> memref<80xi32, #tpu.memory_space<vmem>>
    %dma_wait3A_204 = arith.constant 0 : i32
    %dma_wait3A_205 = tpu.memref_slice %arg3[%arg0, %arg1, %dma_wait3A_193, %dma_wait3A_204] : memref<2x16x125x80xi32, #tpu.memory_space<hbm>> -> memref<1x1x1x80xi32, #tpu.memory_space<hbm>>
    %dma_wait3A_206 = tpu.memref_squeeze %dma_wait3A_205 : memref<1x1x1x80xi32, #tpu.memory_space<hbm>> -> memref<80xi32, #tpu.memory_space<hbm>>
    tpu.wait_dma2 semaphore(%arg13 : memref<!tpu.dma_semaphore, #tpu.memory_space<semaphore_mem>>) src(%dma_wait3A_206 : memref<80xi32, #tpu.memory_space<hbm>>) dst(%dma_wait3A_203 : memref<80xi32, #tpu.memory_space<vmem>>)
    %dma_start3A_207 = arith.constant 1 : i32
    %dma_start3A_208 = arith.constant 1 : i32
    %dma_start3A_209 = arith.constant 0 : i32
    %dma_start3A_210 = arith.constant 0 : i32
    %dma_start3A_211 = tpu.memref_slice %arg9[%dma_start3A_208, %dma_start3A_209, %dma_start3A_210] : memref<4x80x128xf32, #tpu.memory_space<vmem>> -> memref<1x80x128xf32, #tpu.memory_space<vmem>>
    %dma_start3A_212 = tpu.memref_squeeze %dma_start3A_211 : memref<1x80x128xf32, #tpu.memory_space<vmem>> -> memref<80x128xf32, #tpu.memory_space<vmem>>
    %dma_start3A_213 = arith.constant 0 : i32
    %dma_start3A_214 = tpu.memref_slice %arg7[%dma_start3A_207, %dma_start3A_213] : memref<6x80xi32, #tpu.memory_space<vmem>> -> memref<1x80xi32, #tpu.memory_space<vmem>>
    %dma_start3A_215 = tpu.memref_squeeze %dma_start3A_214 : memref<1x80xi32, #tpu.memory_space<vmem>> -> memref<80xi32, #tpu.memory_space<vmem>>
    %dma_start3A_216 = arith.constant 0 : i32
    %dma_start3A_217 = arith.constant 0 : i32
    %dma_start3A_218 = tpu.memref_slice %arg2[%dma_start3A_216, %dma_start3A_217] : memref<20480x128xf32, #tpu.memory_space<hbm>> -> memref<20480x128xf32, #tpu.memory_space<hbm>>
    tpu.enqueue_indirect_dma source(%dma_start3A_218 : memref<20480x128xf32, #tpu.memory_space<hbm>>) target(%dma_start3A_212 : memref<80x128xf32, #tpu.memory_space<vmem>>) offsets(%dma_start3A_215 : memref<80xi32, #tpu.memory_space<vmem>>) semaphore(%arg11 : memref<!tpu.dma_semaphore, #tpu.memory_space<semaphore_mem>>)
    %dma_wait3A_219 = arith.constant 2 : i32
    %dma_wait3A_220 = arith.constant 2 : i32
    %dma_wait3A_221 = arith.constant 0 : i32
    %dma_wait3A_222 = tpu.memref_slice %arg7[%dma_wait3A_220, %dma_wait3A_221] : memref<6x80xi32, #tpu.memory_space<vmem>> -> memref<1x80xi32, #tpu.memory_space<vmem>>
    %dma_wait3A_223 = tpu.memref_squeeze %dma_wait3A_222 : memref<1x80xi32, #tpu.memory_space<vmem>> -> memref<80xi32, #tpu.memory_space<vmem>>
    %dma_wait3A_224 = arith.constant 0 : i32
    %dma_wait3A_225 = tpu.memref_slice %arg3[%arg0, %arg1, %dma_wait3A_219, %dma_wait3A_224] : memref<2x16x125x80xi32, #tpu.memory_space<hbm>> -> memref<1x1x1x80xi32, #tpu.memory_space<hbm>>
    %dma_wait3A_226 = tpu.memref_squeeze %dma_wait3A_225 : memref<1x1x1x80xi32, #tpu.memory_space<hbm>> -> memref<80xi32, #tpu.memory_space<hbm>>
    %dma_wait3A_227 = arith.constant 0 : i32
    %dma_wait3A_228 = tpu.memref_slice %arg7[%dma_wait3A_220, %dma_wait3A_227] : memref<6x80xi32, #tpu.memory_space<vmem>> -> memref<1x80xi32, #tpu.memory_space<vmem>>
    %dma_wait3A_229 = tpu.memref_squeeze %dma_wait3A_228 : memref<1x80xi32, #tpu.memory_space<vmem>> -> memref<80xi32, #tpu.memory_space<vmem>>
    %dma_wait3A_230 = arith.constant 0 : i32
    %dma_wait3A_231 = tpu.memref_slice %arg3[%arg0, %arg1, %dma_wait3A_219, %dma_wait3A_230] : memref<2x16x125x80xi32, #tpu.memory_space<hbm>> -> memref<1x1x1x80xi32, #tpu.memory_space<hbm>>
    %dma_wait3A_232 = tpu.memref_squeeze %dma_wait3A_231 : memref<1x1x1x80xi32, #tpu.memory_space<hbm>> -> memref<80xi32, #tpu.memory_space<hbm>>
    tpu.wait_dma2 semaphore(%arg13 : memref<!tpu.dma_semaphore, #tpu.memory_space<semaphore_mem>>) src(%dma_wait3A_232 : memref<80xi32, #tpu.memory_space<hbm>>) dst(%dma_wait3A_229 : memref<80xi32, #tpu.memory_space<vmem>>)
    %dma_start3A_233 = arith.constant 2 : i32
    %dma_start3A_234 = arith.constant 2 : i32
    %dma_start3A_235 = arith.constant 0 : i32
    %dma_start3A_236 = arith.constant 0 : i32
    %dma_start3A_237 = tpu.memref_slice %arg9[%dma_start3A_234, %dma_start3A_235, %dma_start3A_236] : memref<4x80x128xf32, #tpu.memory_space<vmem>> -> memref<1x80x128xf32, #tpu.memory_space<vmem>>
    %dma_start3A_238 = tpu.memref_squeeze %dma_start3A_237 : memref<1x80x128xf32, #tpu.memory_space<vmem>> -> memref<80x128xf32, #tpu.memory_space<vmem>>
    %dma_start3A_239 = arith.constant 0 : i32
    %dma_start3A_240 = tpu.memref_slice %arg7[%dma_start3A_233, %dma_start3A_239] : memref<6x80xi32, #tpu.memory_space<vmem>> -> memref<1x80xi32, #tpu.memory_space<vmem>>
    %dma_start3A_241 = tpu.memref_squeeze %dma_start3A_240 : memref<1x80xi32, #tpu.memory_space<vmem>> -> memref<80xi32, #tpu.memory_space<vmem>>
    %dma_start3A_242 = arith.constant 0 : i32
    %dma_start3A_243 = arith.constant 0 : i32
    %dma_start3A_244 = tpu.memref_slice %arg2[%dma_start3A_242, %dma_start3A_243] : memref<20480x128xf32, #tpu.memory_space<hbm>> -> memref<20480x128xf32, #tpu.memory_space<hbm>>
    tpu.enqueue_indirect_dma source(%dma_start3A_244 : memref<20480x128xf32, #tpu.memory_space<hbm>>) target(%dma_start3A_238 : memref<80x128xf32, #tpu.memory_space<vmem>>) offsets(%dma_start3A_241 : memref<80xi32, #tpu.memory_space<vmem>>) semaphore(%arg11 : memref<!tpu.dma_semaphore, #tpu.memory_space<semaphore_mem>>)
    %scan3A = arith.constant 0 : i32
    %scan3A_245 = arith.constant 0 : i32
    %scan3A_246 = arith.constant 125 : i32
    %scan3A_247 = arith.addi %scan3A_245, %scan3A_246 : i32
    %scan3A_248 = arith.constant 1 : i32
    scf.for %scan3A_267 = %scan3A_245 to %scan3A_247 step %scan3A_248  : i32 {
      %rem3A = arith.constant 4 : i32
      %rem3A_268 = arith.remsi %scan3A_267, %rem3A : i32
      %rem3A_269 = arith.constant 6 : i32
      %rem3A_270 = arith.remsi %scan3A_267, %rem3A_269 : i32
      %dma_wait3A_271 = arith.constant 0 : i32
      %dma_wait3A_272 = arith.constant 0 : i32
      %dma_wait3A_273 = tpu.memref_slice %arg9[%rem3A_268, %dma_wait3A_271, %dma_wait3A_272] : memref<4x80x128xf32, #tpu.memory_space<vmem>> -> memref<1x80x128xf32, #tpu.memory_space<vmem>>
      %dma_wait3A_274 = tpu.memref_squeeze %dma_wait3A_273 : memref<1x80x128xf32, #tpu.memory_space<vmem>> -> memref<80x128xf32, #tpu.memory_space<vmem>>
      %dma_wait3A_275 = arith.constant 0 : i32
      %dma_wait3A_276 = tpu.memref_slice %arg7[%rem3A_270, %dma_wait3A_275] : memref<6x80xi32, #tpu.memory_space<vmem>> -> memref<1x80xi32, #tpu.memory_space<vmem>>
      %dma_wait3A_277 = tpu.memref_squeeze %dma_wait3A_276 : memref<1x80xi32, #tpu.memory_space<vmem>> -> memref<80xi32, #tpu.memory_space<vmem>>
      %dma_wait3A_278 = arith.constant 0 : i32
      %dma_wait3A_279 = arith.constant 0 : i32
      %dma_wait3A_280 = tpu.memref_slice %arg2[%dma_wait3A_278, %dma_wait3A_279] : memref<20480x128xf32, #tpu.memory_space<hbm>> -> memref<20480x128xf32, #tpu.memory_space<hbm>>
      tpu.wait_indirect_dma semaphore(%arg11 : memref<!tpu.dma_semaphore, #tpu.memory_space<semaphore_mem>>) src(%dma_wait3A_280 : memref<20480x128xf32, #tpu.memory_space<hbm>>) dst(%dma_wait3A_274 : memref<80x128xf32, #tpu.memory_space<vmem>>)
      %dma_wait3A_281 = arith.constant 0 : i32
      %dma_wait3A_282 = tpu.memref_slice %arg8[%rem3A_270, %dma_wait3A_281] : memref<6x80xi32, #tpu.memory_space<vmem>> -> memref<1x80xi32, #tpu.memory_space<vmem>>
      %dma_wait3A_283 = tpu.memref_squeeze %dma_wait3A_282 : memref<1x80xi32, #tpu.memory_space<vmem>> -> memref<80xi32, #tpu.memory_space<vmem>>
      %dma_wait3A_284 = arith.constant 0 : i32
      %dma_wait3A_285 = tpu.memref_slice %arg4[%arg1, %scan3A_267, %dma_wait3A_284] : memref<16x125x80xi32, #tpu.memory_space<hbm>> -> memref<1x1x80xi32, #tpu.memory_space<hbm>>
      %dma_wait3A_286 = tpu.memref_squeeze %dma_wait3A_285 : memref<1x1x80xi32, #tpu.memory_space<hbm>> -> memref<80xi32, #tpu.memory_space<hbm>>
      %dma_wait3A_287 = arith.constant 0 : i32
      %dma_wait3A_288 = tpu.memref_slice %arg8[%rem3A_270, %dma_wait3A_287] : memref<6x80xi32, #tpu.memory_space<vmem>> -> memref<1x80xi32, #tpu.memory_space<vmem>>
      %dma_wait3A_289 = tpu.memref_squeeze %dma_wait3A_288 : memref<1x80xi32, #tpu.memory_space<vmem>> -> memref<80xi32, #tpu.memory_space<vmem>>
      %dma_wait3A_290 = arith.constant 0 : i32
      %dma_wait3A_291 = tpu.memref_slice %arg4[%arg1, %scan3A_267, %dma_wait3A_290] : memref<16x125x80xi32, #tpu.memory_space<hbm>> -> memref<1x1x80xi32, #tpu.memory_space<hbm>>
      %dma_wait3A_292 = tpu.memref_squeeze %dma_wait3A_291 : memref<1x1x80xi32, #tpu.memory_space<hbm>> -> memref<80xi32, #tpu.memory_space<hbm>>
      tpu.wait_dma2 semaphore(%arg14 : memref<!tpu.dma_semaphore, #tpu.memory_space<semaphore_mem>>) src(%dma_wait3A_292 : memref<80xi32, #tpu.memory_space<hbm>>) dst(%dma_wait3A_289 : memref<80xi32, #tpu.memory_space<vmem>>)
      %dma_start3A_293 = arith.constant 0 : i32
      %dma_start3A_294 = arith.constant 0 : i32
      %dma_start3A_295 = tpu.memref_slice %arg9[%rem3A_268, %dma_start3A_293, %dma_start3A_294] : memref<4x80x128xf32, #tpu.memory_space<vmem>> -> memref<1x80x128xf32, #tpu.memory_space<vmem>>
      %dma_start3A_296 = tpu.memref_squeeze %dma_start3A_295 : memref<1x80x128xf32, #tpu.memory_space<vmem>> -> memref<80x128xf32, #tpu.memory_space<vmem>>
      %dma_start3A_297 = arith.constant 0 : i32
      %dma_start3A_298 = tpu.memref_slice %arg8[%rem3A_270, %dma_start3A_297] : memref<6x80xi32, #tpu.memory_space<vmem>> -> memref<1x80xi32, #tpu.memory_space<vmem>>
      %dma_start3A_299 = tpu.memref_squeeze %dma_start3A_298 : memref<1x80xi32, #tpu.memory_space<vmem>> -> memref<80xi32, #tpu.memory_space<vmem>>
      %dma_start3A_300 = arith.constant 0 : i32
      %dma_start3A_301 = arith.constant 0 : i32
      %dma_start3A_302 = tpu.memref_slice %arg10[%dma_start3A_300, %dma_start3A_301] : memref<10240x128xf32, #tpu.memory_space<vmem_shared>> -> memref<10240x128xf32, #tpu.memory_space<vmem_shared>>
      tpu.enqueue_indirect_dma source(%dma_start3A_296 : memref<80x128xf32, #tpu.memory_space<vmem>>) target(%dma_start3A_302 : memref<10240x128xf32, #tpu.memory_space<vmem_shared>>) offsets(%dma_start3A_299 : memref<80xi32, #tpu.memory_space<vmem>>) semaphore(%arg12 : memref<!tpu.dma_semaphore, #tpu.memory_space<semaphore_mem>>) {add = true}
      %ge3A = arith.constant 1 : i32
      %ge3A_303 = arith.cmpi sge, %scan3A_267, %ge3A : i32
      %convert_element_type3A = arith.extui %ge3A_303 : i1 to i32
      %cond3A = arith.constant 0 : i32
      %cond3A_304 = arith.cmpi ne, %convert_element_type3A, %cond3A : i32
      scf.if %cond3A_304 {
        %add3A_329 = arith.constant 4 : i32
        %add3A_330 = arith.addi %scan3A_267, %add3A_329 : i32
        %sub3A_331 = arith.constant 1 : i32
        %sub3A_332 = arith.subi %add3A_330, %sub3A_331 : i32
        %rem3A_333 = arith.constant 4 : i32
        %rem3A_334 = arith.remsi %sub3A_332, %rem3A_333 : i32
        %add3A_335 = arith.constant 6 : i32
        %add3A_336 = arith.addi %scan3A_267, %add3A_335 : i32
        %sub3A_337 = arith.constant 1 : i32
        %sub3A_338 = arith.subi %add3A_336, %sub3A_337 : i32
        %rem3A_339 = arith.constant 6 : i32
        %rem3A_340 = arith.remsi %sub3A_338, %rem3A_339 : i32
        %dma_wait3A_341 = arith.constant 0 : i32
        %dma_wait3A_342 = arith.constant 0 : i32
        %dma_wait3A_343 = tpu.memref_slice %arg9[%rem3A_334, %dma_wait3A_341, %dma_wait3A_342] : memref<4x80x128xf32, #tpu.memory_space<vmem>> -> memref<1x80x128xf32, #tpu.memory_space<vmem>>
        %dma_wait3A_344 = tpu.memref_squeeze %dma_wait3A_343 : memref<1x80x128xf32, #tpu.memory_space<vmem>> -> memref<80x128xf32, #tpu.memory_space<vmem>>
        %dma_wait3A_345 = arith.constant 0 : i32
        %dma_wait3A_346 = tpu.memref_slice %arg8[%rem3A_340, %dma_wait3A_345] : memref<6x80xi32, #tpu.memory_space<vmem>> -> memref<1x80xi32, #tpu.memory_space<vmem>>
        %dma_wait3A_347 = tpu.memref_squeeze %dma_wait3A_346 : memref<1x80xi32, #tpu.memory_space<vmem>> -> memref<80xi32, #tpu.memory_space<vmem>>
        %dma_wait3A_348 = arith.constant 0 : i32
        %dma_wait3A_349 = arith.constant 0 : i32
        %dma_wait3A_350 = tpu.memref_slice %arg10[%dma_wait3A_348, %dma_wait3A_349] : memref<10240x128xf32, #tpu.memory_space<vmem_shared>> -> memref<10240x128xf32, #tpu.memory_space<vmem_shared>>
        tpu.wait_indirect_dma semaphore(%arg12 : memref<!tpu.dma_semaphore, #tpu.memory_space<semaphore_mem>>) src(%dma_wait3A_344 : memref<80x128xf32, #tpu.memory_space<vmem>>) dst(%dma_wait3A_350 : memref<10240x128xf32, #tpu.memory_space<vmem_shared>>)
      } else {
      }
      %add3A = arith.constant 4 : i32
      %add3A_305 = arith.addi %scan3A_267, %add3A : i32
      %sub3A = arith.constant 1 : i32
      %sub3A_306 = arith.subi %add3A_305, %sub3A : i32
      %lt3A = arith.constant 125 : i32
      %lt3A_307 = arith.cmpi slt, %sub3A_306, %lt3A : i32
      %convert_element_type3A_308 = arith.extui %lt3A_307 : i1 to i32
      %cond3A_309 = arith.constant 0 : i32
      %cond3A_310 = arith.cmpi ne, %convert_element_type3A_308, %cond3A_309 : i32
      scf.if %cond3A_310 {
        %rem3A_329 = arith.constant 6 : i32
        %rem3A_330 = arith.remsi %sub3A_306, %rem3A_329 : i32
        %dma_wait3A_331 = arith.constant 0 : i32
        %dma_wait3A_332 = tpu.memref_slice %arg7[%rem3A_330, %dma_wait3A_331] : memref<6x80xi32, #tpu.memory_space<vmem>> -> memref<1x80xi32, #tpu.memory_space<vmem>>
        %dma_wait3A_333 = tpu.memref_squeeze %dma_wait3A_332 : memref<1x80xi32, #tpu.memory_space<vmem>> -> memref<80xi32, #tpu.memory_space<vmem>>
        %dma_wait3A_334 = arith.constant 0 : i32
        %dma_wait3A_335 = tpu.memref_slice %arg3[%arg0, %arg1, %sub3A_306, %dma_wait3A_334] : memref<2x16x125x80xi32, #tpu.memory_space<hbm>> -> memref<1x1x1x80xi32, #tpu.memory_space<hbm>>
        %dma_wait3A_336 = tpu.memref_squeeze %dma_wait3A_335 : memref<1x1x1x80xi32, #tpu.memory_space<hbm>> -> memref<80xi32, #tpu.memory_space<hbm>>
        %dma_wait3A_337 = arith.constant 0 : i32
        %dma_wait3A_338 = tpu.memref_slice %arg7[%rem3A_330, %dma_wait3A_337] : memref<6x80xi32, #tpu.memory_space<vmem>> -> memref<1x80xi32, #tpu.memory_space<vmem>>
        %dma_wait3A_339 = tpu.memref_squeeze %dma_wait3A_338 : memref<1x80xi32, #tpu.memory_space<vmem>> -> memref<80xi32, #tpu.memory_space<vmem>>
        %dma_wait3A_340 = arith.constant 0 : i32
        %dma_wait3A_341 = tpu.memref_slice %arg3[%arg0, %arg1, %sub3A_306, %dma_wait3A_340] : memref<2x16x125x80xi32, #tpu.memory_space<hbm>> -> memref<1x1x1x80xi32, #tpu.memory_space<hbm>>
        %dma_wait3A_342 = tpu.memref_squeeze %dma_wait3A_341 : memref<1x1x1x80xi32, #tpu.memory_space<hbm>> -> memref<80xi32, #tpu.memory_space<hbm>>
        tpu.wait_dma2 semaphore(%arg13 : memref<!tpu.dma_semaphore, #tpu.memory_space<semaphore_mem>>) src(%dma_wait3A_342 : memref<80xi32, #tpu.memory_space<hbm>>) dst(%dma_wait3A_339 : memref<80xi32, #tpu.memory_space<vmem>>)
        %rem3A_343 = arith.constant 4 : i32
        %rem3A_344 = arith.remsi %sub3A_306, %rem3A_343 : i32
        %dma_start3A_345 = arith.constant 0 : i32
        %dma_start3A_346 = arith.constant 0 : i32
        %dma_start3A_347 = tpu.memref_slice %arg9[%rem3A_344, %dma_start3A_345, %dma_start3A_346] : memref<4x80x128xf32, #tpu.memory_space<vmem>> -> memref<1x80x128xf32, #tpu.memory_space<vmem>>
        %dma_start3A_348 = tpu.memref_squeeze %dma_start3A_347 : memref<1x80x128xf32, #tpu.memory_space<vmem>> -> memref<80x128xf32, #tpu.memory_space<vmem>>
        %dma_start3A_349 = arith.constant 0 : i32
        %dma_start3A_350 = tpu.memref_slice %arg7[%rem3A_330, %dma_start3A_349] : memref<6x80xi32, #tpu.memory_space<vmem>> -> memref<1x80xi32, #tpu.memory_space<vmem>>
        %dma_start3A_351 = tpu.memref_squeeze %dma_start3A_350 : memref<1x80xi32, #tpu.memory_space<vmem>> -> memref<80xi32, #tpu.memory_space<vmem>>
        %dma_start3A_352 = arith.constant 0 : i32
        %dma_start3A_353 = arith.constant 0 : i32
        %dma_start3A_354 = tpu.memref_slice %arg2[%dma_start3A_352, %dma_start3A_353] : memref<20480x128xf32, #tpu.memory_space<hbm>> -> memref<20480x128xf32, #tpu.memory_space<hbm>>
        tpu.enqueue_indirect_dma source(%dma_start3A_354 : memref<20480x128xf32, #tpu.memory_space<hbm>>) target(%dma_start3A_348 : memref<80x128xf32, #tpu.memory_space<vmem>>) offsets(%dma_start3A_351 : memref<80xi32, #tpu.memory_space<vmem>>) semaphore(%arg11 : memref<!tpu.dma_semaphore, #tpu.memory_space<semaphore_mem>>)
      } else {
      }
      %add3A_311 = arith.constant 6 : i32
      %add3A_312 = arith.addi %scan3A_267, %add3A_311 : i32
      %lt3A_313 = arith.constant 125 : i32
      %lt3A_314 = arith.cmpi slt, %add3A_312, %lt3A_313 : i32
      %convert_element_type3A_315 = arith.extui %lt3A_314 : i1 to i32
      %cond3A_316 = arith.constant 0 : i32
      %cond3A_317 = arith.cmpi ne, %convert_element_type3A_315, %cond3A_316 : i32
      scf.if %cond3A_317 {
        %add3A_329 = arith.constant 6 : i32
        %add3A_330 = arith.addi %scan3A_267, %add3A_329 : i32
        %dma_start3A_331 = arith.constant 0 : i32
        %dma_start3A_332 = tpu.memref_slice %arg7[%rem3A_270, %dma_start3A_331] : memref<6x80xi32, #tpu.memory_space<vmem>> -> memref<1x80xi32, #tpu.memory_space<vmem>>
        %dma_start3A_333 = tpu.memref_squeeze %dma_start3A_332 : memref<1x80xi32, #tpu.memory_space<vmem>> -> memref<80xi32, #tpu.memory_space<vmem>>
        %dma_start3A_334 = arith.constant 0 : i32
        %dma_start3A_335 = tpu.memref_slice %arg3[%arg0, %arg1, %add3A_330, %dma_start3A_334] : memref<2x16x125x80xi32, #tpu.memory_space<hbm>> -> memref<1x1x1x80xi32, #tpu.memory_space<hbm>>
        %dma_start3A_336 = tpu.memref_squeeze %dma_start3A_335 : memref<1x1x1x80xi32, #tpu.memory_space<hbm>> -> memref<80xi32, #tpu.memory_space<hbm>>
        %dma_start3A_337 = arith.constant 0 : i32
        %dma_start3A_338 = tpu.memref_slice %arg7[%rem3A_270, %dma_start3A_337] : memref<6x80xi32, #tpu.memory_space<vmem>> -> memref<1x80xi32, #tpu.memory_space<vmem>>
        %dma_start3A_339 = tpu.memref_squeeze %dma_start3A_338 : memref<1x80xi32, #tpu.memory_space<vmem>> -> memref<80xi32, #tpu.memory_space<vmem>>
        %dma_start3A_340 = arith.constant 0 : i32
        %dma_start3A_341 = tpu.memref_slice %arg3[%arg0, %arg1, %add3A_330, %dma_start3A_340] : memref<2x16x125x80xi32, #tpu.memory_space<hbm>> -> memref<1x1x1x80xi32, #tpu.memory_space<hbm>>
        %dma_start3A_342 = tpu.memref_squeeze %dma_start3A_341 : memref<1x1x1x80xi32, #tpu.memory_space<hbm>> -> memref<80xi32, #tpu.memory_space<hbm>>
        tpu.enqueue_dma source(%dma_start3A_342 : memref<80xi32, #tpu.memory_space<hbm>>) target(%dma_start3A_339 : memref<80xi32, #tpu.memory_space<vmem>>) target_semaphore(%arg13 : memref<!tpu.dma_semaphore, #tpu.memory_space<semaphore_mem>>)
      } else {
      }
      %add3A_318 = arith.constant 6 : i32
      %add3A_319 = arith.addi %scan3A_267, %add3A_318 : i32
      %sub3A_320 = arith.constant 1 : i32
      %sub3A_321 = arith.subi %add3A_319, %sub3A_320 : i32
      %lt3A_322 = arith.constant 125 : i32
      %lt3A_323 = arith.cmpi slt, %sub3A_321, %lt3A_322 : i32
      %ge3A_324 = arith.constant 6 : i32
      %ge3A_325 = arith.cmpi sge, %sub3A_321, %ge3A_324 : i32
      %and3A = arith.andi %lt3A_323, %ge3A_325 : i1
      %convert_element_type3A_326 = arith.extui %and3A : i1 to i32
      %cond3A_327 = arith.constant 0 : i32
      %cond3A_328 = arith.cmpi ne, %convert_element_type3A_326, %cond3A_327 : i32
      scf.if %cond3A_328 {
        %rem3A_329 = arith.constant 6 : i32
        %rem3A_330 = arith.remsi %sub3A_321, %rem3A_329 : i32
        %dma_start3A_331 = arith.constant 0 : i32
        %dma_start3A_332 = tpu.memref_slice %arg8[%rem3A_330, %dma_start3A_331] : memref<6x80xi32, #tpu.memory_space<vmem>> -> memref<1x80xi32, #tpu.memory_space<vmem>>
        %dma_start3A_333 = tpu.memref_squeeze %dma_start3A_332 : memref<1x80xi32, #tpu.memory_space<vmem>> -> memref<80xi32, #tpu.memory_space<vmem>>
        %dma_start3A_334 = arith.constant 0 : i32
        %dma_start3A_335 = tpu.memref_slice %arg4[%arg1, %sub3A_321, %dma_start3A_334] : memref<16x125x80xi32, #tpu.memory_space<hbm>> -> memref<1x1x80xi32, #tpu.memory_space<hbm>>
        %dma_start3A_336 = tpu.memref_squeeze %dma_start3A_335 : memref<1x1x80xi32, #tpu.memory_space<hbm>> -> memref<80xi32, #tpu.memory_space<hbm>>
        %dma_start3A_337 = arith.constant 0 : i32
        %dma_start3A_338 = tpu.memref_slice %arg8[%rem3A_330, %dma_start3A_337] : memref<6x80xi32, #tpu.memory_space<vmem>> -> memref<1x80xi32, #tpu.memory_space<vmem>>
        %dma_start3A_339 = tpu.memref_squeeze %dma_start3A_338 : memref<1x80xi32, #tpu.memory_space<vmem>> -> memref<80xi32, #tpu.memory_space<vmem>>
        %dma_start3A_340 = arith.constant 0 : i32
        %dma_start3A_341 = tpu.memref_slice %arg4[%arg1, %sub3A_321, %dma_start3A_340] : memref<16x125x80xi32, #tpu.memory_space<hbm>> -> memref<1x1x80xi32, #tpu.memory_space<hbm>>
        %dma_start3A_342 = tpu.memref_squeeze %dma_start3A_341 : memref<1x1x80xi32, #tpu.memory_space<hbm>> -> memref<80xi32, #tpu.memory_space<hbm>>
        tpu.enqueue_dma source(%dma_start3A_342 : memref<80xi32, #tpu.memory_space<hbm>>) target(%dma_start3A_339 : memref<80xi32, #tpu.memory_space<vmem>>) target_semaphore(%arg14 : memref<!tpu.dma_semaphore, #tpu.memory_space<semaphore_mem>>)
      } else {
      }
    }
    %scan3A_249 = arith.constant 125 : i32
    %dma_wait3A_250 = arith.constant 0 : i32
    %dma_wait3A_251 = arith.constant 4 : i32
    %dma_wait3A_252 = arith.constant 0 : i32
    %dma_wait3A_253 = arith.constant 0 : i32
    %dma_wait3A_254 = tpu.memref_slice %arg9[%dma_wait3A_250, %dma_wait3A_252, %dma_wait3A_253] : memref<4x80x128xf32, #tpu.memory_space<vmem>> -> memref<1x80x128xf32, #tpu.memory_space<vmem>>
    %dma_wait3A_255 = tpu.memref_squeeze %dma_wait3A_254 : memref<1x80x128xf32, #tpu.memory_space<vmem>> -> memref<80x128xf32, #tpu.memory_space<vmem>>
    %dma_wait3A_256 = arith.constant 0 : i32
    %dma_wait3A_257 = tpu.memref_slice %arg8[%dma_wait3A_251, %dma_wait3A_256] : memref<6x80xi32, #tpu.memory_space<vmem>> -> memref<1x80xi32, #tpu.memory_space<vmem>>
    %dma_wait3A_258 = tpu.memref_squeeze %dma_wait3A_257 : memref<1x80xi32, #tpu.memory_space<vmem>> -> memref<80xi32, #tpu.memory_space<vmem>>
    %dma_wait3A_259 = arith.constant 0 : i32
    %dma_wait3A_260 = arith.constant 0 : i32
    %dma_wait3A_261 = tpu.memref_slice %arg10[%dma_wait3A_259, %dma_wait3A_260] : memref<10240x128xf32, #tpu.memory_space<vmem_shared>> -> memref<10240x128xf32, #tpu.memory_space<vmem_shared>>
    tpu.wait_indirect_dma semaphore(%arg12 : memref<!tpu.dma_semaphore, #tpu.memory_space<semaphore_mem>>) src(%dma_wait3A_255 : memref<80x128xf32, #tpu.memory_space<vmem>>) dst(%dma_wait3A_261 : memref<10240x128xf32, #tpu.memory_space<vmem_shared>>)
    %barrier3A_262 = arith.constant 0 : index
    tpu.barrier barrier_id(%barrier3A_262)
    %mul3A_263 = arith.constant 640 : i32
    %mul3A_264 = arith.muli %arg1, %mul3A_263 : i32
    %mul3A_265 = arith.constant 640 : i32
    %mul3A_266 = arith.muli %arg1, %mul3A_265 : i32
    "tpu.region"() ({
      %run_scoped3A = tpu.sem_alloc : memref<!tpu.dma_semaphore, #tpu.memory_space<semaphore_mem>>
      %dma_start3A_267 = arith.constant 0 : i32
      %dma_start3A_268 = tpu.memref_slice %arg6[%arg0, %mul3A_266, %dma_start3A_267] : memref<2x10240x128xf32, #tpu.memory_space<hbm>> -> memref<1x640x128xf32, #tpu.memory_space<hbm>>
      %dma_start3A_269 = tpu.memref_squeeze %dma_start3A_268 : memref<1x640x128xf32, #tpu.memory_space<hbm>> -> memref<640x128xf32, #tpu.memory_space<hbm>>
      %dma_start3A_270 = arith.constant 0 : i32
      %dma_start3A_271 = tpu.memref_slice %arg10[%mul3A_264, %dma_start3A_270] : memref<10240x128xf32, #tpu.memory_space<vmem_shared>> -> memref<640x128xf32, #tpu.memory_space<vmem_shared>>
      tpu.enqueue_dma source(%dma_start3A_271 : memref<640x128xf32, #tpu.memory_space<vmem_shared>>) target(%dma_start3A_269 : memref<640x128xf32, #tpu.memory_space<hbm>>) target_semaphore(%run_scoped3A : memref<!tpu.dma_semaphore, #tpu.memory_space<semaphore_mem>>)
      %dma_wait3A_272 = arith.constant 0 : i32
      %dma_wait3A_273 = tpu.memref_slice %arg6[%arg0, %mul3A_266, %dma_wait3A_272] : memref<2x10240x128xf32, #tpu.memory_space<hbm>> -> memref<1x640x128xf32, #tpu.memory_space<hbm>>
      %dma_wait3A_274 = tpu.memref_squeeze %dma_wait3A_273 : memref<1x640x128xf32, #tpu.memory_space<hbm>> -> memref<640x128xf32, #tpu.memory_space<hbm>>
      %dma_wait3A_275 = arith.constant 0 : i32
      %dma_wait3A_276 = tpu.memref_slice %arg10[%mul3A_264, %dma_wait3A_275] : memref<10240x128xf32, #tpu.memory_space<vmem_shared>> -> memref<640x128xf32, #tpu.memory_space<vmem_shared>>
      tpu.wait_dma2 semaphore(%run_scoped3A : memref<!tpu.dma_semaphore, #tpu.memory_space<semaphore_mem>>) src(%dma_wait3A_276 : memref<640x128xf32, #tpu.memory_space<vmem_shared>>) dst(%dma_wait3A_274 : memref<640x128xf32, #tpu.memory_space<hbm>>)
      tpu.yield
    }) : () -> ()
    return
  }
}

#map = affine_map<(d0, d1) -> (0, 0)>
#map1 = affine_map<(d0, d1) -> (0, 0, 0, 0)>
#map2 = affine_map<(d0, d1) -> (0, 0, 0)>
module attributes {stable_mosaic.version = 14 : i64} {
  func.func @_agg_body(%arg0: i32, %arg1: i32, %arg2: memref<20480x128xf32, #tpu.memory_space<hbm>>, %arg3: memref<2x16x125x80xi32, #tpu.memory_space<hbm>>, %arg4: memref<16x125x80xi32, #tpu.memory_space<hbm>>, %arg5: memref<640x128xf32, #tpu.memory_space<hbm>>, %arg6: memref<2x10240x128xf32, #tpu.memory_space<hbm>>, %arg7: memref<6x80xi32, #tpu.memory_space<vmem>>, %arg8: memref<6x80xi32, #tpu.memory_space<vmem>>, %arg9: memref<4x80x128xf32, #tpu.memory_space<vmem>>, %arg10: memref<10240x128xf32, #tpu.memory_space<vmem_shared>>, %arg11: memref<!tpu.dma_semaphore, #tpu.memory_space<semaphore_mem>>, %arg12: memref<!tpu.dma_semaphore, #tpu.memory_space<semaphore_mem>>, %arg13: memref<!tpu.dma_semaphore, #tpu.memory_space<semaphore_mem>>, %arg14: memref<!tpu.dma_semaphore, #tpu.memory_space<semaphore_mem>>) attributes {dimension_semantics = [#tpu.dimension_semantics<core_parallel>, #tpu.dimension_semantics<subcore_parallel>], iteration_bounds = array<i64: 2, 16>, scalar_prefetch = 0 : i64, scratch_operands = 8 : i64, tpu.core_type = #tpu.core_type<sc_vector_subcore>, window_params = [{transform_indices = #map}, {transform_indices = #map1}, {transform_indices = #map2}, {transform_indices = #map}, {transform_indices = #map2}]} {
    %mul3A = arith.constant 640 : i32
    %mul3A_0 = arith.muli %arg1, %mul3A : i32
    "tpu.region"() ({
      %run_scoped3A = tpu.sem_alloc : memref<!tpu.dma_semaphore, #tpu.memory_space<semaphore_mem>>
      %dma_start3A_267 = arith.constant 0 : i32
      %dma_start3A_268 = tpu.memref_slice %arg10[%mul3A_0, %dma_start3A_267] : memref<10240x128xf32, #tpu.memory_space<vmem_shared>> -> memref<640x128xf32, #tpu.memory_space<vmem_shared>>
      %dma_start3A_269 = arith.constant 0 : i32
      %dma_start3A_270 = arith.constant 0 : i32
      %dma_start3A_271 = tpu.memref_slice %arg5[%dma_start3A_269, %dma_start3A_270] : memref<640x128xf32, #tpu.memory_space<hbm>> -> memref<640x128xf32, #tpu.memory_space<hbm>>
      tpu.enqueue_dma source(%dma_start3A_271 : memref<640x128xf32, #tpu.memory_space<hbm>>) target(%dma_start3A_268 : memref<640x128xf32, #tpu.memory_space<vmem_shared>>) target_semaphore(%run_scoped3A : memref<!tpu.dma_semaphore, #tpu.memory_space<semaphore_mem>>)
      %dma_wait3A_272 = arith.constant 0 : i32
      %dma_wait3A_273 = tpu.memref_slice %arg10[%mul3A_0, %dma_wait3A_272] : memref<10240x128xf32, #tpu.memory_space<vmem_shared>> -> memref<640x128xf32, #tpu.memory_space<vmem_shared>>
      %dma_wait3A_274 = arith.constant 0 : i32
      %dma_wait3A_275 = arith.constant 0 : i32
      %dma_wait3A_276 = tpu.memref_slice %arg5[%dma_wait3A_274, %dma_wait3A_275] : memref<640x128xf32, #tpu.memory_space<hbm>> -> memref<640x128xf32, #tpu.memory_space<hbm>>
      tpu.wait_dma2 semaphore(%run_scoped3A : memref<!tpu.dma_semaphore, #tpu.memory_space<semaphore_mem>>) src(%dma_wait3A_276 : memref<640x128xf32, #tpu.memory_space<hbm>>) dst(%dma_wait3A_273 : memref<640x128xf32, #tpu.memory_space<vmem_shared>>)
      tpu.yield
    }) : () -> ()
    %dma_start3A = arith.constant 0 : i32
    %dma_start3A_1 = arith.constant 0 : i32
    %dma_start3A_2 = arith.constant 0 : i32
    %dma_start3A_3 = tpu.memref_slice %arg7[%dma_start3A_1, %dma_start3A_2] : memref<6x80xi32, #tpu.memory_space<vmem>> -> memref<1x80xi32, #tpu.memory_space<vmem>>
    %dma_start3A_4 = tpu.memref_squeeze %dma_start3A_3 : memref<1x80xi32, #tpu.memory_space<vmem>> -> memref<80xi32, #tpu.memory_space<vmem>>
    %dma_start3A_5 = arith.constant 0 : i32
    %dma_start3A_6 = tpu.memref_slice %arg3[%arg0, %arg1, %dma_start3A, %dma_start3A_5] : memref<2x16x125x80xi32, #tpu.memory_space<hbm>> -> memref<1x1x1x80xi32, #tpu.memory_space<hbm>>
    %dma_start3A_7 = tpu.memref_squeeze %dma_start3A_6 : memref<1x1x1x80xi32, #tpu.memory_space<hbm>> -> memref<80xi32, #tpu.memory_space<hbm>>
    %dma_start3A_8 = arith.constant 0 : i32
    %dma_start3A_9 = tpu.memref_slice %arg7[%dma_start3A_1, %dma_start3A_8] : memref<6x80xi32, #tpu.memory_space<vmem>> -> memref<1x80xi32, #tpu.memory_space<vmem>>
    %dma_start3A_10 = tpu.memref_squeeze %dma_start3A_9 : memref<1x80xi32, #tpu.memory_space<vmem>> -> memref<80xi32, #tpu.memory_space<vmem>>
    %dma_start3A_11 = arith.constant 0 : i32
    %dma_start3A_12 = tpu.memref_slice %arg3[%arg0, %arg1, %dma_start3A, %dma_start3A_11] : memref<2x16x125x80xi32, #tpu.memory_space<hbm>> -> memref<1x1x1x80xi32, #tpu.memory_space<hbm>>
    %dma_start3A_13 = tpu.memref_squeeze %dma_start3A_12 : memref<1x1x1x80xi32, #tpu.memory_space<hbm>> -> memref<80xi32, #tpu.memory_space<hbm>>
    tpu.enqueue_dma source(%dma_start3A_13 : memref<80xi32, #tpu.memory_space<hbm>>) target(%dma_start3A_10 : memref<80xi32, #tpu.memory_space<vmem>>) target_semaphore(%arg13 : memref<!tpu.dma_semaphore, #tpu.memory_space<semaphore_mem>>)
    %dma_start3A_14 = arith.constant 0 : i32
    %dma_start3A_15 = arith.constant 0 : i32
    %dma_start3A_16 = arith.constant 0 : i32
    %dma_start3A_17 = tpu.memref_slice %arg8[%dma_start3A_15, %dma_start3A_16] : memref<6x80xi32, #tpu.memory_space<vmem>> -> memref<1x80xi32, #tpu.memory_space<vmem>>
    %dma_start3A_18 = tpu.memref_squeeze %dma_start3A_17 : memref<1x80xi32, #tpu.memory_space<vmem>> -> memref<80xi32, #tpu.memory_space<vmem>>
    %dma_start3A_19 = arith.constant 0 : i32
    %dma_start3A_20 = tpu.memref_slice %arg4[%arg1, %dma_start3A_14, %dma_start3A_19] : memref<16x125x80xi32, #tpu.memory_space<hbm>> -> memref<1x1x80xi32, #tpu.memory_space<hbm>>
    %dma_start3A_21 = tpu.memref_squeeze %dma_start3A_20 : memref<1x1x80xi32, #tpu.memory_space<hbm>> -> memref<80xi32, #tpu.memory_space<hbm>>
    %dma_start3A_22 = arith.constant 0 : i32
    %dma_start3A_23 = tpu.memref_slice %arg8[%dma_start3A_15, %dma_start3A_22] : memref<6x80xi32, #tpu.memory_space<vmem>> -> memref<1x80xi32, #tpu.memory_space<vmem>>
    %dma_start3A_24 = tpu.memref_squeeze %dma_start3A_23 : memref<1x80xi32, #tpu.memory_space<vmem>> -> memref<80xi32, #tpu.memory_space<vmem>>
    %dma_start3A_25 = arith.constant 0 : i32
    %dma_start3A_26 = tpu.memref_slice %arg4[%arg1, %dma_start3A_14, %dma_start3A_25] : memref<16x125x80xi32, #tpu.memory_space<hbm>> -> memref<1x1x80xi32, #tpu.memory_space<hbm>>
    %dma_start3A_27 = tpu.memref_squeeze %dma_start3A_26 : memref<1x1x80xi32, #tpu.memory_space<hbm>> -> memref<80xi32, #tpu.memory_space<hbm>>
    tpu.enqueue_dma source(%dma_start3A_27 : memref<80xi32, #tpu.memory_space<hbm>>) target(%dma_start3A_24 : memref<80xi32, #tpu.memory_space<vmem>>) target_semaphore(%arg14 : memref<!tpu.dma_semaphore, #tpu.memory_space<semaphore_mem>>)
    %dma_start3A_28 = arith.constant 1 : i32
    %dma_start3A_29 = arith.constant 1 : i32
    %dma_start3A_30 = arith.constant 0 : i32
    %dma_start3A_31 = tpu.memref_slice %arg7[%dma_start3A_29, %dma_start3A_30] : memref<6x80xi32, #tpu.memory_space<vmem>> -> memref<1x80xi32, #tpu.memory_space<vmem>>
    %dma_start3A_32 = tpu.memref_squeeze %dma_start3A_31 : memref<1x80xi32, #tpu.memory_space<vmem>> -> memref<80xi32, #tpu.memory_space<vmem>>
    %dma_start3A_33 = arith.constant 0 : i32
    %dma_start3A_34 = tpu.memref_slice %arg3[%arg0, %arg1, %dma_start3A_28, %dma_start3A_33] : memref<2x16x125x80xi32, #tpu.memory_space<hbm>> -> memref<1x1x1x80xi32, #tpu.memory_space<hbm>>
    %dma_start3A_35 = tpu.memref_squeeze %dma_start3A_34 : memref<1x1x1x80xi32, #tpu.memory_space<hbm>> -> memref<80xi32, #tpu.memory_space<hbm>>
    %dma_start3A_36 = arith.constant 0 : i32
    %dma_start3A_37 = tpu.memref_slice %arg7[%dma_start3A_29, %dma_start3A_36] : memref<6x80xi32, #tpu.memory_space<vmem>> -> memref<1x80xi32, #tpu.memory_space<vmem>>
    %dma_start3A_38 = tpu.memref_squeeze %dma_start3A_37 : memref<1x80xi32, #tpu.memory_space<vmem>> -> memref<80xi32, #tpu.memory_space<vmem>>
    %dma_start3A_39 = arith.constant 0 : i32
    %dma_start3A_40 = tpu.memref_slice %arg3[%arg0, %arg1, %dma_start3A_28, %dma_start3A_39] : memref<2x16x125x80xi32, #tpu.memory_space<hbm>> -> memref<1x1x1x80xi32, #tpu.memory_space<hbm>>
    %dma_start3A_41 = tpu.memref_squeeze %dma_start3A_40 : memref<1x1x1x80xi32, #tpu.memory_space<hbm>> -> memref<80xi32, #tpu.memory_space<hbm>>
    tpu.enqueue_dma source(%dma_start3A_41 : memref<80xi32, #tpu.memory_space<hbm>>) target(%dma_start3A_38 : memref<80xi32, #tpu.memory_space<vmem>>) target_semaphore(%arg13 : memref<!tpu.dma_semaphore, #tpu.memory_space<semaphore_mem>>)
    %dma_start3A_42 = arith.constant 1 : i32
    %dma_start3A_43 = arith.constant 1 : i32
    %dma_start3A_44 = arith.constant 0 : i32
    %dma_start3A_45 = tpu.memref_slice %arg8[%dma_start3A_43, %dma_start3A_44] : memref<6x80xi32, #tpu.memory_space<vmem>> -> memref<1x80xi32, #tpu.memory_space<vmem>>
    %dma_start3A_46 = tpu.memref_squeeze %dma_start3A_45 : memref<1x80xi32, #tpu.memory_space<vmem>> -> memref<80xi32, #tpu.memory_space<vmem>>
    %dma_start3A_47 = arith.constant 0 : i32
    %dma_start3A_48 = tpu.memref_slice %arg4[%arg1, %dma_start3A_42, %dma_start3A_47] : memref<16x125x80xi32, #tpu.memory_space<hbm>> -> memref<1x1x80xi32, #tpu.memory_space<hbm>>
    %dma_start3A_49 = tpu.memref_squeeze %dma_start3A_48 : memref<1x1x80xi32, #tpu.memory_space<hbm>> -> memref<80xi32, #tpu.memory_space<hbm>>
    %dma_start3A_50 = arith.constant 0 : i32
    %dma_start3A_51 = tpu.memref_slice %arg8[%dma_start3A_43, %dma_start3A_50] : memref<6x80xi32, #tpu.memory_space<vmem>> -> memref<1x80xi32, #tpu.memory_space<vmem>>
    %dma_start3A_52 = tpu.memref_squeeze %dma_start3A_51 : memref<1x80xi32, #tpu.memory_space<vmem>> -> memref<80xi32, #tpu.memory_space<vmem>>
    %dma_start3A_53 = arith.constant 0 : i32
    %dma_start3A_54 = tpu.memref_slice %arg4[%arg1, %dma_start3A_42, %dma_start3A_53] : memref<16x125x80xi32, #tpu.memory_space<hbm>> -> memref<1x1x80xi32, #tpu.memory_space<hbm>>
    %dma_start3A_55 = tpu.memref_squeeze %dma_start3A_54 : memref<1x1x80xi32, #tpu.memory_space<hbm>> -> memref<80xi32, #tpu.memory_space<hbm>>
    tpu.enqueue_dma source(%dma_start3A_55 : memref<80xi32, #tpu.memory_space<hbm>>) target(%dma_start3A_52 : memref<80xi32, #tpu.memory_space<vmem>>) target_semaphore(%arg14 : memref<!tpu.dma_semaphore, #tpu.memory_space<semaphore_mem>>)
    %dma_start3A_56 = arith.constant 2 : i32
    %dma_start3A_57 = arith.constant 2 : i32
    %dma_start3A_58 = arith.constant 0 : i32
    %dma_start3A_59 = tpu.memref_slice %arg7[%dma_start3A_57, %dma_start3A_58] : memref<6x80xi32, #tpu.memory_space<vmem>> -> memref<1x80xi32, #tpu.memory_space<vmem>>
    %dma_start3A_60 = tpu.memref_squeeze %dma_start3A_59 : memref<1x80xi32, #tpu.memory_space<vmem>> -> memref<80xi32, #tpu.memory_space<vmem>>
    %dma_start3A_61 = arith.constant 0 : i32
    %dma_start3A_62 = tpu.memref_slice %arg3[%arg0, %arg1, %dma_start3A_56, %dma_start3A_61] : memref<2x16x125x80xi32, #tpu.memory_space<hbm>> -> memref<1x1x1x80xi32, #tpu.memory_space<hbm>>
    %dma_start3A_63 = tpu.memref_squeeze %dma_start3A_62 : memref<1x1x1x80xi32, #tpu.memory_space<hbm>> -> memref<80xi32, #tpu.memory_space<hbm>>
    %dma_start3A_64 = arith.constant 0 : i32
    %dma_start3A_65 = tpu.memref_slice %arg7[%dma_start3A_57, %dma_start3A_64] : memref<6x80xi32, #tpu.memory_space<vmem>> -> memref<1x80xi32, #tpu.memory_space<vmem>>
    %dma_start3A_66 = tpu.memref_squeeze %dma_start3A_65 : memref<1x80xi32, #tpu.memory_space<vmem>> -> memref<80xi32, #tpu.memory_space<vmem>>
    %dma_start3A_67 = arith.constant 0 : i32
    %dma_start3A_68 = tpu.memref_slice %arg3[%arg0, %arg1, %dma_start3A_56, %dma_start3A_67] : memref<2x16x125x80xi32, #tpu.memory_space<hbm>> -> memref<1x1x1x80xi32, #tpu.memory_space<hbm>>
    %dma_start3A_69 = tpu.memref_squeeze %dma_start3A_68 : memref<1x1x1x80xi32, #tpu.memory_space<hbm>> -> memref<80xi32, #tpu.memory_space<hbm>>
    tpu.enqueue_dma source(%dma_start3A_69 : memref<80xi32, #tpu.memory_space<hbm>>) target(%dma_start3A_66 : memref<80xi32, #tpu.memory_space<vmem>>) target_semaphore(%arg13 : memref<!tpu.dma_semaphore, #tpu.memory_space<semaphore_mem>>)
    %dma_start3A_70 = arith.constant 2 : i32
    %dma_start3A_71 = arith.constant 2 : i32
    %dma_start3A_72 = arith.constant 0 : i32
    %dma_start3A_73 = tpu.memref_slice %arg8[%dma_start3A_71, %dma_start3A_72] : memref<6x80xi32, #tpu.memory_space<vmem>> -> memref<1x80xi32, #tpu.memory_space<vmem>>
    %dma_start3A_74 = tpu.memref_squeeze %dma_start3A_73 : memref<1x80xi32, #tpu.memory_space<vmem>> -> memref<80xi32, #tpu.memory_space<vmem>>
    %dma_start3A_75 = arith.constant 0 : i32
    %dma_start3A_76 = tpu.memref_slice %arg4[%arg1, %dma_start3A_70, %dma_start3A_75] : memref<16x125x80xi32, #tpu.memory_space<hbm>> -> memref<1x1x80xi32, #tpu.memory_space<hbm>>
    %dma_start3A_77 = tpu.memref_squeeze %dma_start3A_76 : memref<1x1x80xi32, #tpu.memory_space<hbm>> -> memref<80xi32, #tpu.memory_space<hbm>>
    %dma_start3A_78 = arith.constant 0 : i32
    %dma_start3A_79 = tpu.memref_slice %arg8[%dma_start3A_71, %dma_start3A_78] : memref<6x80xi32, #tpu.memory_space<vmem>> -> memref<1x80xi32, #tpu.memory_space<vmem>>
    %dma_start3A_80 = tpu.memref_squeeze %dma_start3A_79 : memref<1x80xi32, #tpu.memory_space<vmem>> -> memref<80xi32, #tpu.memory_space<vmem>>
    %dma_start3A_81 = arith.constant 0 : i32
    %dma_start3A_82 = tpu.memref_slice %arg4[%arg1, %dma_start3A_70, %dma_start3A_81] : memref<16x125x80xi32, #tpu.memory_space<hbm>> -> memref<1x1x80xi32, #tpu.memory_space<hbm>>
    %dma_start3A_83 = tpu.memref_squeeze %dma_start3A_82 : memref<1x1x80xi32, #tpu.memory_space<hbm>> -> memref<80xi32, #tpu.memory_space<hbm>>
    tpu.enqueue_dma source(%dma_start3A_83 : memref<80xi32, #tpu.memory_space<hbm>>) target(%dma_start3A_80 : memref<80xi32, #tpu.memory_space<vmem>>) target_semaphore(%arg14 : memref<!tpu.dma_semaphore, #tpu.memory_space<semaphore_mem>>)
    %dma_start3A_84 = arith.constant 3 : i32
    %dma_start3A_85 = arith.constant 3 : i32
    %dma_start3A_86 = arith.constant 0 : i32
    %dma_start3A_87 = tpu.memref_slice %arg7[%dma_start3A_85, %dma_start3A_86] : memref<6x80xi32, #tpu.memory_space<vmem>> -> memref<1x80xi32, #tpu.memory_space<vmem>>
    %dma_start3A_88 = tpu.memref_squeeze %dma_start3A_87 : memref<1x80xi32, #tpu.memory_space<vmem>> -> memref<80xi32, #tpu.memory_space<vmem>>
    %dma_start3A_89 = arith.constant 0 : i32
    %dma_start3A_90 = tpu.memref_slice %arg3[%arg0, %arg1, %dma_start3A_84, %dma_start3A_89] : memref<2x16x125x80xi32, #tpu.memory_space<hbm>> -> memref<1x1x1x80xi32, #tpu.memory_space<hbm>>
    %dma_start3A_91 = tpu.memref_squeeze %dma_start3A_90 : memref<1x1x1x80xi32, #tpu.memory_space<hbm>> -> memref<80xi32, #tpu.memory_space<hbm>>
    %dma_start3A_92 = arith.constant 0 : i32
    %dma_start3A_93 = tpu.memref_slice %arg7[%dma_start3A_85, %dma_start3A_92] : memref<6x80xi32, #tpu.memory_space<vmem>> -> memref<1x80xi32, #tpu.memory_space<vmem>>
    %dma_start3A_94 = tpu.memref_squeeze %dma_start3A_93 : memref<1x80xi32, #tpu.memory_space<vmem>> -> memref<80xi32, #tpu.memory_space<vmem>>
    %dma_start3A_95 = arith.constant 0 : i32
    %dma_start3A_96 = tpu.memref_slice %arg3[%arg0, %arg1, %dma_start3A_84, %dma_start3A_95] : memref<2x16x125x80xi32, #tpu.memory_space<hbm>> -> memref<1x1x1x80xi32, #tpu.memory_space<hbm>>
    %dma_start3A_97 = tpu.memref_squeeze %dma_start3A_96 : memref<1x1x1x80xi32, #tpu.memory_space<hbm>> -> memref<80xi32, #tpu.memory_space<hbm>>
    tpu.enqueue_dma source(%dma_start3A_97 : memref<80xi32, #tpu.memory_space<hbm>>) target(%dma_start3A_94 : memref<80xi32, #tpu.memory_space<vmem>>) target_semaphore(%arg13 : memref<!tpu.dma_semaphore, #tpu.memory_space<semaphore_mem>>)
    %dma_start3A_98 = arith.constant 3 : i32
    %dma_start3A_99 = arith.constant 3 : i32
    %dma_start3A_100 = arith.constant 0 : i32
    %dma_start3A_101 = tpu.memref_slice %arg8[%dma_start3A_99, %dma_start3A_100] : memref<6x80xi32, #tpu.memory_space<vmem>> -> memref<1x80xi32, #tpu.memory_space<vmem>>
    %dma_start3A_102 = tpu.memref_squeeze %dma_start3A_101 : memref<1x80xi32, #tpu.memory_space<vmem>> -> memref<80xi32, #tpu.memory_space<vmem>>
    %dma_start3A_103 = arith.constant 0 : i32
    %dma_start3A_104 = tpu.memref_slice %arg4[%arg1, %dma_start3A_98, %dma_start3A_103] : memref<16x125x80xi32, #tpu.memory_space<hbm>> -> memref<1x1x80xi32, #tpu.memory_space<hbm>>
    %dma_start3A_105 = tpu.memref_squeeze %dma_start3A_104 : memref<1x1x80xi32, #tpu.memory_space<hbm>> -> memref<80xi32, #tpu.memory_space<hbm>>
    %dma_start3A_106 = arith.constant 0 : i32
    %dma_start3A_107 = tpu.memref_slice %arg8[%dma_start3A_99, %dma_start3A_106] : memref<6x80xi32, #tpu.memory_space<vmem>> -> memref<1x80xi32, #tpu.memory_space<vmem>>
    %dma_start3A_108 = tpu.memref_squeeze %dma_start3A_107 : memref<1x80xi32, #tpu.memory_space<vmem>> -> memref<80xi32, #tpu.memory_space<vmem>>
    %dma_start3A_109 = arith.constant 0 : i32
    %dma_start3A_110 = tpu.memref_slice %arg4[%arg1, %dma_start3A_98, %dma_start3A_109] : memref<16x125x80xi32, #tpu.memory_space<hbm>> -> memref<1x1x80xi32, #tpu.memory_space<hbm>>
    %dma_start3A_111 = tpu.memref_squeeze %dma_start3A_110 : memref<1x1x80xi32, #tpu.memory_space<hbm>> -> memref<80xi32, #tpu.memory_space<hbm>>
    tpu.enqueue_dma source(%dma_start3A_111 : memref<80xi32, #tpu.memory_space<hbm>>) target(%dma_start3A_108 : memref<80xi32, #tpu.memory_space<vmem>>) target_semaphore(%arg14 : memref<!tpu.dma_semaphore, #tpu.memory_space<semaphore_mem>>)
    %dma_start3A_112 = arith.constant 4 : i32
    %dma_start3A_113 = arith.constant 4 : i32
    %dma_start3A_114 = arith.constant 0 : i32
    %dma_start3A_115 = tpu.memref_slice %arg7[%dma_start3A_113, %dma_start3A_114] : memref<6x80xi32, #tpu.memory_space<vmem>> -> memref<1x80xi32, #tpu.memory_space<vmem>>
    %dma_start3A_116 = tpu.memref_squeeze %dma_start3A_115 : memref<1x80xi32, #tpu.memory_space<vmem>> -> memref<80xi32, #tpu.memory_space<vmem>>
    %dma_start3A_117 = arith.constant 0 : i32
    %dma_start3A_118 = tpu.memref_slice %arg3[%arg0, %arg1, %dma_start3A_112, %dma_start3A_117] : memref<2x16x125x80xi32, #tpu.memory_space<hbm>> -> memref<1x1x1x80xi32, #tpu.memory_space<hbm>>
    %dma_start3A_119 = tpu.memref_squeeze %dma_start3A_118 : memref<1x1x1x80xi32, #tpu.memory_space<hbm>> -> memref<80xi32, #tpu.memory_space<hbm>>
    %dma_start3A_120 = arith.constant 0 : i32
    %dma_start3A_121 = tpu.memref_slice %arg7[%dma_start3A_113, %dma_start3A_120] : memref<6x80xi32, #tpu.memory_space<vmem>> -> memref<1x80xi32, #tpu.memory_space<vmem>>
    %dma_start3A_122 = tpu.memref_squeeze %dma_start3A_121 : memref<1x80xi32, #tpu.memory_space<vmem>> -> memref<80xi32, #tpu.memory_space<vmem>>
    %dma_start3A_123 = arith.constant 0 : i32
    %dma_start3A_124 = tpu.memref_slice %arg3[%arg0, %arg1, %dma_start3A_112, %dma_start3A_123] : memref<2x16x125x80xi32, #tpu.memory_space<hbm>> -> memref<1x1x1x80xi32, #tpu.memory_space<hbm>>
    %dma_start3A_125 = tpu.memref_squeeze %dma_start3A_124 : memref<1x1x1x80xi32, #tpu.memory_space<hbm>> -> memref<80xi32, #tpu.memory_space<hbm>>
    tpu.enqueue_dma source(%dma_start3A_125 : memref<80xi32, #tpu.memory_space<hbm>>) target(%dma_start3A_122 : memref<80xi32, #tpu.memory_space<vmem>>) target_semaphore(%arg13 : memref<!tpu.dma_semaphore, #tpu.memory_space<semaphore_mem>>)
    %dma_start3A_126 = arith.constant 4 : i32
    %dma_start3A_127 = arith.constant 4 : i32
    %dma_start3A_128 = arith.constant 0 : i32
    %dma_start3A_129 = tpu.memref_slice %arg8[%dma_start3A_127, %dma_start3A_128] : memref<6x80xi32, #tpu.memory_space<vmem>> -> memref<1x80xi32, #tpu.memory_space<vmem>>
    %dma_start3A_130 = tpu.memref_squeeze %dma_start3A_129 : memref<1x80xi32, #tpu.memory_space<vmem>> -> memref<80xi32, #tpu.memory_space<vmem>>
    %dma_start3A_131 = arith.constant 0 : i32
    %dma_start3A_132 = tpu.memref_slice %arg4[%arg1, %dma_start3A_126, %dma_start3A_131] : memref<16x125x80xi32, #tpu.memory_space<hbm>> -> memref<1x1x80xi32, #tpu.memory_space<hbm>>
    %dma_start3A_133 = tpu.memref_squeeze %dma_start3A_132 : memref<1x1x80xi32, #tpu.memory_space<hbm>> -> memref<80xi32, #tpu.memory_space<hbm>>
    %dma_start3A_134 = arith.constant 0 : i32
    %dma_start3A_135 = tpu.memref_slice %arg8[%dma_start3A_127, %dma_start3A_134] : memref<6x80xi32, #tpu.memory_space<vmem>> -> memref<1x80xi32, #tpu.memory_space<vmem>>
    %dma_start3A_136 = tpu.memref_squeeze %dma_start3A_135 : memref<1x80xi32, #tpu.memory_space<vmem>> -> memref<80xi32, #tpu.memory_space<vmem>>
    %dma_start3A_137 = arith.constant 0 : i32
    %dma_start3A_138 = tpu.memref_slice %arg4[%arg1, %dma_start3A_126, %dma_start3A_137] : memref<16x125x80xi32, #tpu.memory_space<hbm>> -> memref<1x1x80xi32, #tpu.memory_space<hbm>>
    %dma_start3A_139 = tpu.memref_squeeze %dma_start3A_138 : memref<1x1x80xi32, #tpu.memory_space<hbm>> -> memref<80xi32, #tpu.memory_space<hbm>>
    tpu.enqueue_dma source(%dma_start3A_139 : memref<80xi32, #tpu.memory_space<hbm>>) target(%dma_start3A_136 : memref<80xi32, #tpu.memory_space<vmem>>) target_semaphore(%arg14 : memref<!tpu.dma_semaphore, #tpu.memory_space<semaphore_mem>>)
    %dma_start3A_140 = arith.constant 5 : i32
    %dma_start3A_141 = arith.constant 5 : i32
    %dma_start3A_142 = arith.constant 0 : i32
    %dma_start3A_143 = tpu.memref_slice %arg7[%dma_start3A_141, %dma_start3A_142] : memref<6x80xi32, #tpu.memory_space<vmem>> -> memref<1x80xi32, #tpu.memory_space<vmem>>
    %dma_start3A_144 = tpu.memref_squeeze %dma_start3A_143 : memref<1x80xi32, #tpu.memory_space<vmem>> -> memref<80xi32, #tpu.memory_space<vmem>>
    %dma_start3A_145 = arith.constant 0 : i32
    %dma_start3A_146 = tpu.memref_slice %arg3[%arg0, %arg1, %dma_start3A_140, %dma_start3A_145] : memref<2x16x125x80xi32, #tpu.memory_space<hbm>> -> memref<1x1x1x80xi32, #tpu.memory_space<hbm>>
    %dma_start3A_147 = tpu.memref_squeeze %dma_start3A_146 : memref<1x1x1x80xi32, #tpu.memory_space<hbm>> -> memref<80xi32, #tpu.memory_space<hbm>>
    %dma_start3A_148 = arith.constant 0 : i32
    %dma_start3A_149 = tpu.memref_slice %arg7[%dma_start3A_141, %dma_start3A_148] : memref<6x80xi32, #tpu.memory_space<vmem>> -> memref<1x80xi32, #tpu.memory_space<vmem>>
    %dma_start3A_150 = tpu.memref_squeeze %dma_start3A_149 : memref<1x80xi32, #tpu.memory_space<vmem>> -> memref<80xi32, #tpu.memory_space<vmem>>
    %dma_start3A_151 = arith.constant 0 : i32
    %dma_start3A_152 = tpu.memref_slice %arg3[%arg0, %arg1, %dma_start3A_140, %dma_start3A_151] : memref<2x16x125x80xi32, #tpu.memory_space<hbm>> -> memref<1x1x1x80xi32, #tpu.memory_space<hbm>>
    %dma_start3A_153 = tpu.memref_squeeze %dma_start3A_152 : memref<1x1x1x80xi32, #tpu.memory_space<hbm>> -> memref<80xi32, #tpu.memory_space<hbm>>
    tpu.enqueue_dma source(%dma_start3A_153 : memref<80xi32, #tpu.memory_space<hbm>>) target(%dma_start3A_150 : memref<80xi32, #tpu.memory_space<vmem>>) target_semaphore(%arg13 : memref<!tpu.dma_semaphore, #tpu.memory_space<semaphore_mem>>)
    %dma_start3A_154 = arith.constant 5 : i32
    %dma_start3A_155 = arith.constant 5 : i32
    %dma_start3A_156 = arith.constant 0 : i32
    %dma_start3A_157 = tpu.memref_slice %arg8[%dma_start3A_155, %dma_start3A_156] : memref<6x80xi32, #tpu.memory_space<vmem>> -> memref<1x80xi32, #tpu.memory_space<vmem>>
    %dma_start3A_158 = tpu.memref_squeeze %dma_start3A_157 : memref<1x80xi32, #tpu.memory_space<vmem>> -> memref<80xi32, #tpu.memory_space<vmem>>
    %dma_start3A_159 = arith.constant 0 : i32
    %dma_start3A_160 = tpu.memref_slice %arg4[%arg1, %dma_start3A_154, %dma_start3A_159] : memref<16x125x80xi32, #tpu.memory_space<hbm>> -> memref<1x1x80xi32, #tpu.memory_space<hbm>>
    %dma_start3A_161 = tpu.memref_squeeze %dma_start3A_160 : memref<1x1x80xi32, #tpu.memory_space<hbm>> -> memref<80xi32, #tpu.memory_space<hbm>>
    %dma_start3A_162 = arith.constant 0 : i32
    %dma_start3A_163 = tpu.memref_slice %arg8[%dma_start3A_155, %dma_start3A_162] : memref<6x80xi32, #tpu.memory_space<vmem>> -> memref<1x80xi32, #tpu.memory_space<vmem>>
    %dma_start3A_164 = tpu.memref_squeeze %dma_start3A_163 : memref<1x80xi32, #tpu.memory_space<vmem>> -> memref<80xi32, #tpu.memory_space<vmem>>
    %dma_start3A_165 = arith.constant 0 : i32
    %dma_start3A_166 = tpu.memref_slice %arg4[%arg1, %dma_start3A_154, %dma_start3A_165] : memref<16x125x80xi32, #tpu.memory_space<hbm>> -> memref<1x1x80xi32, #tpu.memory_space<hbm>>
    %dma_start3A_167 = tpu.memref_squeeze %dma_start3A_166 : memref<1x1x80xi32, #tpu.memory_space<hbm>> -> memref<80xi32, #tpu.memory_space<hbm>>
    tpu.enqueue_dma source(%dma_start3A_167 : memref<80xi32, #tpu.memory_space<hbm>>) target(%dma_start3A_164 : memref<80xi32, #tpu.memory_space<vmem>>) target_semaphore(%arg14 : memref<!tpu.dma_semaphore, #tpu.memory_space<semaphore_mem>>)
    %barrier3A = arith.constant 0 : index
    tpu.barrier barrier_id(%barrier3A)
    %dma_wait3A = arith.constant 0 : i32
    %dma_wait3A_168 = arith.constant 0 : i32
    %dma_wait3A_169 = arith.constant 0 : i32
    %dma_wait3A_170 = tpu.memref_slice %arg7[%dma_wait3A_168, %dma_wait3A_169] : memref<6x80xi32, #tpu.memory_space<vmem>> -> memref<1x80xi32, #tpu.memory_space<vmem>>
    %dma_wait3A_171 = tpu.memref_squeeze %dma_wait3A_170 : memref<1x80xi32, #tpu.memory_space<vmem>> -> memref<80xi32, #tpu.memory_space<vmem>>
    %dma_wait3A_172 = arith.constant 0 : i32
    %dma_wait3A_173 = tpu.memref_slice %arg3[%arg0, %arg1, %dma_wait3A, %dma_wait3A_172] : memref<2x16x125x80xi32, #tpu.memory_space<hbm>> -> memref<1x1x1x80xi32, #tpu.memory_space<hbm>>
    %dma_wait3A_174 = tpu.memref_squeeze %dma_wait3A_173 : memref<1x1x1x80xi32, #tpu.memory_space<hbm>> -> memref<80xi32, #tpu.memory_space<hbm>>
    %dma_wait3A_175 = arith.constant 0 : i32
    %dma_wait3A_176 = tpu.memref_slice %arg7[%dma_wait3A_168, %dma_wait3A_175] : memref<6x80xi32, #tpu.memory_space<vmem>> -> memref<1x80xi32, #tpu.memory_space<vmem>>
    %dma_wait3A_177 = tpu.memref_squeeze %dma_wait3A_176 : memref<1x80xi32, #tpu.memory_space<vmem>> -> memref<80xi32, #tpu.memory_space<vmem>>
    %dma_wait3A_178 = arith.constant 0 : i32
    %dma_wait3A_179 = tpu.memref_slice %arg3[%arg0, %arg1, %dma_wait3A, %dma_wait3A_178] : memref<2x16x125x80xi32, #tpu.memory_space<hbm>> -> memref<1x1x1x80xi32, #tpu.memory_space<hbm>>
    %dma_wait3A_180 = tpu.memref_squeeze %dma_wait3A_179 : memref<1x1x1x80xi32, #tpu.memory_space<hbm>> -> memref<80xi32, #tpu.memory_space<hbm>>
    tpu.wait_dma2 semaphore(%arg13 : memref<!tpu.dma_semaphore, #tpu.memory_space<semaphore_mem>>) src(%dma_wait3A_180 : memref<80xi32, #tpu.memory_space<hbm>>) dst(%dma_wait3A_177 : memref<80xi32, #tpu.memory_space<vmem>>)
    %dma_start3A_181 = arith.constant 0 : i32
    %dma_start3A_182 = arith.constant 0 : i32
    %dma_start3A_183 = arith.constant 0 : i32
    %dma_start3A_184 = arith.constant 0 : i32
    %dma_start3A_185 = tpu.memref_slice %arg9[%dma_start3A_182, %dma_start3A_183, %dma_start3A_184] : memref<4x80x128xf32, #tpu.memory_space<vmem>> -> memref<1x80x128xf32, #tpu.memory_space<vmem>>
    %dma_start3A_186 = tpu.memref_squeeze %dma_start3A_185 : memref<1x80x128xf32, #tpu.memory_space<vmem>> -> memref<80x128xf32, #tpu.memory_space<vmem>>
    %dma_start3A_187 = arith.constant 0 : i32
    %dma_start3A_188 = tpu.memref_slice %arg7[%dma_start3A_181, %dma_start3A_187] : memref<6x80xi32, #tpu.memory_space<vmem>> -> memref<1x80xi32, #tpu.memory_space<vmem>>
    %dma_start3A_189 = tpu.memref_squeeze %dma_start3A_188 : memref<1x80xi32, #tpu.memory_space<vmem>> -> memref<80xi32, #tpu.memory_space<vmem>>
    %dma_start3A_190 = arith.constant 0 : i32
    %dma_start3A_191 = arith.constant 0 : i32
    %dma_start3A_192 = tpu.memref_slice %arg2[%dma_start3A_190, %dma_start3A_191] : memref<20480x128xf32, #tpu.memory_space<hbm>> -> memref<20480x128xf32, #tpu.memory_space<hbm>>
    tpu.enqueue_indirect_dma source(%dma_start3A_192 : memref<20480x128xf32, #tpu.memory_space<hbm>>) target(%dma_start3A_186 : memref<80x128xf32, #tpu.memory_space<vmem>>) offsets(%dma_start3A_189 : memref<80xi32, #tpu.memory_space<vmem>>) semaphore(%arg11 : memref<!tpu.dma_semaphore, #tpu.memory_space<semaphore_mem>>)
    %dma_wait3A_193 = arith.constant 1 : i32
    %dma_wait3A_194 = arith.constant 1 : i32
    %dma_wait3A_195 = arith.constant 0 : i32
    %dma_wait3A_196 = tpu.memref_slice %arg7[%dma_wait3A_194, %dma_wait3A_195] : memref<6x80xi32, #tpu.memory_space<vmem>> -> memref<1x80xi32, #tpu.memory_space<vmem>>
    %dma_wait3A_197 = tpu.memref_squeeze %dma_wait3A_196 : memref<1x80xi32, #tpu.memory_space<vmem>> -> memref<80xi32, #tpu.memory_space<vmem>>
    %dma_wait3A_198 = arith.constant 0 : i32
    %dma_wait3A_199 = tpu.memref_slice %arg3[%arg0, %arg1, %dma_wait3A_193, %dma_wait3A_198] : memref<2x16x125x80xi32, #tpu.memory_space<hbm>> -> memref<1x1x1x80xi32, #tpu.memory_space<hbm>>
    %dma_wait3A_200 = tpu.memref_squeeze %dma_wait3A_199 : memref<1x1x1x80xi32, #tpu.memory_space<hbm>> -> memref<80xi32, #tpu.memory_space<hbm>>
    %dma_wait3A_201 = arith.constant 0 : i32
    %dma_wait3A_202 = tpu.memref_slice %arg7[%dma_wait3A_194, %dma_wait3A_201] : memref<6x80xi32, #tpu.memory_space<vmem>> -> memref<1x80xi32, #tpu.memory_space<vmem>>
    %dma_wait3A_203 = tpu.memref_squeeze %dma_wait3A_202 : memref<1x80xi32, #tpu.memory_space<vmem>> -> memref<80xi32, #tpu.memory_space<vmem>>
    %dma_wait3A_204 = arith.constant 0 : i32
    %dma_wait3A_205 = tpu.memref_slice %arg3[%arg0, %arg1, %dma_wait3A_193, %dma_wait3A_204] : memref<2x16x125x80xi32, #tpu.memory_space<hbm>> -> memref<1x1x1x80xi32, #tpu.memory_space<hbm>>
    %dma_wait3A_206 = tpu.memref_squeeze %dma_wait3A_205 : memref<1x1x1x80xi32, #tpu.memory_space<hbm>> -> memref<80xi32, #tpu.memory_space<hbm>>
    tpu.wait_dma2 semaphore(%arg13 : memref<!tpu.dma_semaphore, #tpu.memory_space<semaphore_mem>>) src(%dma_wait3A_206 : memref<80xi32, #tpu.memory_space<hbm>>) dst(%dma_wait3A_203 : memref<80xi32, #tpu.memory_space<vmem>>)
    %dma_start3A_207 = arith.constant 1 : i32
    %dma_start3A_208 = arith.constant 1 : i32
    %dma_start3A_209 = arith.constant 0 : i32
    %dma_start3A_210 = arith.constant 0 : i32
    %dma_start3A_211 = tpu.memref_slice %arg9[%dma_start3A_208, %dma_start3A_209, %dma_start3A_210] : memref<4x80x128xf32, #tpu.memory_space<vmem>> -> memref<1x80x128xf32, #tpu.memory_space<vmem>>
    %dma_start3A_212 = tpu.memref_squeeze %dma_start3A_211 : memref<1x80x128xf32, #tpu.memory_space<vmem>> -> memref<80x128xf32, #tpu.memory_space<vmem>>
    %dma_start3A_213 = arith.constant 0 : i32
    %dma_start3A_214 = tpu.memref_slice %arg7[%dma_start3A_207, %dma_start3A_213] : memref<6x80xi32, #tpu.memory_space<vmem>> -> memref<1x80xi32, #tpu.memory_space<vmem>>
    %dma_start3A_215 = tpu.memref_squeeze %dma_start3A_214 : memref<1x80xi32, #tpu.memory_space<vmem>> -> memref<80xi32, #tpu.memory_space<vmem>>
    %dma_start3A_216 = arith.constant 0 : i32
    %dma_start3A_217 = arith.constant 0 : i32
    %dma_start3A_218 = tpu.memref_slice %arg2[%dma_start3A_216, %dma_start3A_217] : memref<20480x128xf32, #tpu.memory_space<hbm>> -> memref<20480x128xf32, #tpu.memory_space<hbm>>
    tpu.enqueue_indirect_dma source(%dma_start3A_218 : memref<20480x128xf32, #tpu.memory_space<hbm>>) target(%dma_start3A_212 : memref<80x128xf32, #tpu.memory_space<vmem>>) offsets(%dma_start3A_215 : memref<80xi32, #tpu.memory_space<vmem>>) semaphore(%arg11 : memref<!tpu.dma_semaphore, #tpu.memory_space<semaphore_mem>>)
    %dma_wait3A_219 = arith.constant 2 : i32
    %dma_wait3A_220 = arith.constant 2 : i32
    %dma_wait3A_221 = arith.constant 0 : i32
    %dma_wait3A_222 = tpu.memref_slice %arg7[%dma_wait3A_220, %dma_wait3A_221] : memref<6x80xi32, #tpu.memory_space<vmem>> -> memref<1x80xi32, #tpu.memory_space<vmem>>
    %dma_wait3A_223 = tpu.memref_squeeze %dma_wait3A_222 : memref<1x80xi32, #tpu.memory_space<vmem>> -> memref<80xi32, #tpu.memory_space<vmem>>
    %dma_wait3A_224 = arith.constant 0 : i32
    %dma_wait3A_225 = tpu.memref_slice %arg3[%arg0, %arg1, %dma_wait3A_219, %dma_wait3A_224] : memref<2x16x125x80xi32, #tpu.memory_space<hbm>> -> memref<1x1x1x80xi32, #tpu.memory_space<hbm>>
    %dma_wait3A_226 = tpu.memref_squeeze %dma_wait3A_225 : memref<1x1x1x80xi32, #tpu.memory_space<hbm>> -> memref<80xi32, #tpu.memory_space<hbm>>
    %dma_wait3A_227 = arith.constant 0 : i32
    %dma_wait3A_228 = tpu.memref_slice %arg7[%dma_wait3A_220, %dma_wait3A_227] : memref<6x80xi32, #tpu.memory_space<vmem>> -> memref<1x80xi32, #tpu.memory_space<vmem>>
    %dma_wait3A_229 = tpu.memref_squeeze %dma_wait3A_228 : memref<1x80xi32, #tpu.memory_space<vmem>> -> memref<80xi32, #tpu.memory_space<vmem>>
    %dma_wait3A_230 = arith.constant 0 : i32
    %dma_wait3A_231 = tpu.memref_slice %arg3[%arg0, %arg1, %dma_wait3A_219, %dma_wait3A_230] : memref<2x16x125x80xi32, #tpu.memory_space<hbm>> -> memref<1x1x1x80xi32, #tpu.memory_space<hbm>>
    %dma_wait3A_232 = tpu.memref_squeeze %dma_wait3A_231 : memref<1x1x1x80xi32, #tpu.memory_space<hbm>> -> memref<80xi32, #tpu.memory_space<hbm>>
    tpu.wait_dma2 semaphore(%arg13 : memref<!tpu.dma_semaphore, #tpu.memory_space<semaphore_mem>>) src(%dma_wait3A_232 : memref<80xi32, #tpu.memory_space<hbm>>) dst(%dma_wait3A_229 : memref<80xi32, #tpu.memory_space<vmem>>)
    %dma_start3A_233 = arith.constant 2 : i32
    %dma_start3A_234 = arith.constant 2 : i32
    %dma_start3A_235 = arith.constant 0 : i32
    %dma_start3A_236 = arith.constant 0 : i32
    %dma_start3A_237 = tpu.memref_slice %arg9[%dma_start3A_234, %dma_start3A_235, %dma_start3A_236] : memref<4x80x128xf32, #tpu.memory_space<vmem>> -> memref<1x80x128xf32, #tpu.memory_space<vmem>>
    %dma_start3A_238 = tpu.memref_squeeze %dma_start3A_237 : memref<1x80x128xf32, #tpu.memory_space<vmem>> -> memref<80x128xf32, #tpu.memory_space<vmem>>
    %dma_start3A_239 = arith.constant 0 : i32
    %dma_start3A_240 = tpu.memref_slice %arg7[%dma_start3A_233, %dma_start3A_239] : memref<6x80xi32, #tpu.memory_space<vmem>> -> memref<1x80xi32, #tpu.memory_space<vmem>>
    %dma_start3A_241 = tpu.memref_squeeze %dma_start3A_240 : memref<1x80xi32, #tpu.memory_space<vmem>> -> memref<80xi32, #tpu.memory_space<vmem>>
    %dma_start3A_242 = arith.constant 0 : i32
    %dma_start3A_243 = arith.constant 0 : i32
    %dma_start3A_244 = tpu.memref_slice %arg2[%dma_start3A_242, %dma_start3A_243] : memref<20480x128xf32, #tpu.memory_space<hbm>> -> memref<20480x128xf32, #tpu.memory_space<hbm>>
    tpu.enqueue_indirect_dma source(%dma_start3A_244 : memref<20480x128xf32, #tpu.memory_space<hbm>>) target(%dma_start3A_238 : memref<80x128xf32, #tpu.memory_space<vmem>>) offsets(%dma_start3A_241 : memref<80xi32, #tpu.memory_space<vmem>>) semaphore(%arg11 : memref<!tpu.dma_semaphore, #tpu.memory_space<semaphore_mem>>)
    %scan3A = arith.constant 0 : i32
    %scan3A_245 = arith.constant 0 : i32
    %scan3A_246 = arith.constant 125 : i32
    %scan3A_247 = arith.addi %scan3A_245, %scan3A_246 : i32
    %scan3A_248 = arith.constant 1 : i32
    scf.for %scan3A_267 = %scan3A_245 to %scan3A_247 step %scan3A_248  : i32 {
      %rem3A = arith.constant 4 : i32
      %rem3A_268 = arith.remsi %scan3A_267, %rem3A : i32
      %rem3A_269 = arith.constant 6 : i32
      %rem3A_270 = arith.remsi %scan3A_267, %rem3A_269 : i32
      %dma_wait3A_271 = arith.constant 0 : i32
      %dma_wait3A_272 = arith.constant 0 : i32
      %dma_wait3A_273 = tpu.memref_slice %arg9[%rem3A_268, %dma_wait3A_271, %dma_wait3A_272] : memref<4x80x128xf32, #tpu.memory_space<vmem>> -> memref<1x80x128xf32, #tpu.memory_space<vmem>>
      %dma_wait3A_274 = tpu.memref_squeeze %dma_wait3A_273 : memref<1x80x128xf32, #tpu.memory_space<vmem>> -> memref<80x128xf32, #tpu.memory_space<vmem>>
      %dma_wait3A_275 = arith.constant 0 : i32
      %dma_wait3A_276 = tpu.memref_slice %arg7[%rem3A_270, %dma_wait3A_275] : memref<6x80xi32, #tpu.memory_space<vmem>> -> memref<1x80xi32, #tpu.memory_space<vmem>>
      %dma_wait3A_277 = tpu.memref_squeeze %dma_wait3A_276 : memref<1x80xi32, #tpu.memory_space<vmem>> -> memref<80xi32, #tpu.memory_space<vmem>>
      %dma_wait3A_278 = arith.constant 0 : i32
      %dma_wait3A_279 = arith.constant 0 : i32
      %dma_wait3A_280 = tpu.memref_slice %arg2[%dma_wait3A_278, %dma_wait3A_279] : memref<20480x128xf32, #tpu.memory_space<hbm>> -> memref<20480x128xf32, #tpu.memory_space<hbm>>
      tpu.wait_indirect_dma semaphore(%arg11 : memref<!tpu.dma_semaphore, #tpu.memory_space<semaphore_mem>>) src(%dma_wait3A_280 : memref<20480x128xf32, #tpu.memory_space<hbm>>) dst(%dma_wait3A_274 : memref<80x128xf32, #tpu.memory_space<vmem>>)
      %dma_wait3A_281 = arith.constant 0 : i32
      %dma_wait3A_282 = tpu.memref_slice %arg8[%rem3A_270, %dma_wait3A_281] : memref<6x80xi32, #tpu.memory_space<vmem>> -> memref<1x80xi32, #tpu.memory_space<vmem>>
      %dma_wait3A_283 = tpu.memref_squeeze %dma_wait3A_282 : memref<1x80xi32, #tpu.memory_space<vmem>> -> memref<80xi32, #tpu.memory_space<vmem>>
      %dma_wait3A_284 = arith.constant 0 : i32
      %dma_wait3A_285 = tpu.memref_slice %arg4[%arg1, %scan3A_267, %dma_wait3A_284] : memref<16x125x80xi32, #tpu.memory_space<hbm>> -> memref<1x1x80xi32, #tpu.memory_space<hbm>>
      %dma_wait3A_286 = tpu.memref_squeeze %dma_wait3A_285 : memref<1x1x80xi32, #tpu.memory_space<hbm>> -> memref<80xi32, #tpu.memory_space<hbm>>
      %dma_wait3A_287 = arith.constant 0 : i32
      %dma_wait3A_288 = tpu.memref_slice %arg8[%rem3A_270, %dma_wait3A_287] : memref<6x80xi32, #tpu.memory_space<vmem>> -> memref<1x80xi32, #tpu.memory_space<vmem>>
      %dma_wait3A_289 = tpu.memref_squeeze %dma_wait3A_288 : memref<1x80xi32, #tpu.memory_space<vmem>> -> memref<80xi32, #tpu.memory_space<vmem>>
      %dma_wait3A_290 = arith.constant 0 : i32
      %dma_wait3A_291 = tpu.memref_slice %arg4[%arg1, %scan3A_267, %dma_wait3A_290] : memref<16x125x80xi32, #tpu.memory_space<hbm>> -> memref<1x1x80xi32, #tpu.memory_space<hbm>>
      %dma_wait3A_292 = tpu.memref_squeeze %dma_wait3A_291 : memref<1x1x80xi32, #tpu.memory_space<hbm>> -> memref<80xi32, #tpu.memory_space<hbm>>
      tpu.wait_dma2 semaphore(%arg14 : memref<!tpu.dma_semaphore, #tpu.memory_space<semaphore_mem>>) src(%dma_wait3A_292 : memref<80xi32, #tpu.memory_space<hbm>>) dst(%dma_wait3A_289 : memref<80xi32, #tpu.memory_space<vmem>>)
      %dma_start3A_293 = arith.constant 0 : i32
      %dma_start3A_294 = arith.constant 0 : i32
      %dma_start3A_295 = tpu.memref_slice %arg9[%rem3A_268, %dma_start3A_293, %dma_start3A_294] : memref<4x80x128xf32, #tpu.memory_space<vmem>> -> memref<1x80x128xf32, #tpu.memory_space<vmem>>
      %dma_start3A_296 = tpu.memref_squeeze %dma_start3A_295 : memref<1x80x128xf32, #tpu.memory_space<vmem>> -> memref<80x128xf32, #tpu.memory_space<vmem>>
      %dma_start3A_297 = arith.constant 0 : i32
      %dma_start3A_298 = tpu.memref_slice %arg8[%rem3A_270, %dma_start3A_297] : memref<6x80xi32, #tpu.memory_space<vmem>> -> memref<1x80xi32, #tpu.memory_space<vmem>>
      %dma_start3A_299 = tpu.memref_squeeze %dma_start3A_298 : memref<1x80xi32, #tpu.memory_space<vmem>> -> memref<80xi32, #tpu.memory_space<vmem>>
      %dma_start3A_300 = arith.constant 0 : i32
      %dma_start3A_301 = arith.constant 0 : i32
      %dma_start3A_302 = tpu.memref_slice %arg10[%dma_start3A_300, %dma_start3A_301] : memref<10240x128xf32, #tpu.memory_space<vmem_shared>> -> memref<10240x128xf32, #tpu.memory_space<vmem_shared>>
      tpu.enqueue_indirect_dma source(%dma_start3A_296 : memref<80x128xf32, #tpu.memory_space<vmem>>) target(%dma_start3A_302 : memref<10240x128xf32, #tpu.memory_space<vmem_shared>>) offsets(%dma_start3A_299 : memref<80xi32, #tpu.memory_space<vmem>>) semaphore(%arg12 : memref<!tpu.dma_semaphore, #tpu.memory_space<semaphore_mem>>) {add = true}
      %ge3A = arith.constant 1 : i32
      %ge3A_303 = arith.cmpi sge, %scan3A_267, %ge3A : i32
      %convert_element_type3A = arith.extui %ge3A_303 : i1 to i32
      %cond3A = arith.constant 0 : i32
      %cond3A_304 = arith.cmpi ne, %convert_element_type3A, %cond3A : i32
      scf.if %cond3A_304 {
        %add3A_329 = arith.constant 4 : i32
        %add3A_330 = arith.addi %scan3A_267, %add3A_329 : i32
        %sub3A_331 = arith.constant 1 : i32
        %sub3A_332 = arith.subi %add3A_330, %sub3A_331 : i32
        %rem3A_333 = arith.constant 4 : i32
        %rem3A_334 = arith.remsi %sub3A_332, %rem3A_333 : i32
        %add3A_335 = arith.constant 6 : i32
        %add3A_336 = arith.addi %scan3A_267, %add3A_335 : i32
        %sub3A_337 = arith.constant 1 : i32
        %sub3A_338 = arith.subi %add3A_336, %sub3A_337 : i32
        %rem3A_339 = arith.constant 6 : i32
        %rem3A_340 = arith.remsi %sub3A_338, %rem3A_339 : i32
        %dma_wait3A_341 = arith.constant 0 : i32
        %dma_wait3A_342 = arith.constant 0 : i32
        %dma_wait3A_343 = tpu.memref_slice %arg9[%rem3A_334, %dma_wait3A_341, %dma_wait3A_342] : memref<4x80x128xf32, #tpu.memory_space<vmem>> -> memref<1x80x128xf32, #tpu.memory_space<vmem>>
        %dma_wait3A_344 = tpu.memref_squeeze %dma_wait3A_343 : memref<1x80x128xf32, #tpu.memory_space<vmem>> -> memref<80x128xf32, #tpu.memory_space<vmem>>
        %dma_wait3A_345 = arith.constant 0 : i32
        %dma_wait3A_346 = tpu.memref_slice %arg8[%rem3A_340, %dma_wait3A_345] : memref<6x80xi32, #tpu.memory_space<vmem>> -> memref<1x80xi32, #tpu.memory_space<vmem>>
        %dma_wait3A_347 = tpu.memref_squeeze %dma_wait3A_346 : memref<1x80xi32, #tpu.memory_space<vmem>> -> memref<80xi32, #tpu.memory_space<vmem>>
        %dma_wait3A_348 = arith.constant 0 : i32
        %dma_wait3A_349 = arith.constant 0 : i32
        %dma_wait3A_350 = tpu.memref_slice %arg10[%dma_wait3A_348, %dma_wait3A_349] : memref<10240x128xf32, #tpu.memory_space<vmem_shared>> -> memref<10240x128xf32, #tpu.memory_space<vmem_shared>>
        tpu.wait_indirect_dma semaphore(%arg12 : memref<!tpu.dma_semaphore, #tpu.memory_space<semaphore_mem>>) src(%dma_wait3A_344 : memref<80x128xf32, #tpu.memory_space<vmem>>) dst(%dma_wait3A_350 : memref<10240x128xf32, #tpu.memory_space<vmem_shared>>)
      } else {
      }
      %add3A = arith.constant 4 : i32
      %add3A_305 = arith.addi %scan3A_267, %add3A : i32
      %sub3A = arith.constant 1 : i32
      %sub3A_306 = arith.subi %add3A_305, %sub3A : i32
      %lt3A = arith.constant 125 : i32
      %lt3A_307 = arith.cmpi slt, %sub3A_306, %lt3A : i32
      %convert_element_type3A_308 = arith.extui %lt3A_307 : i1 to i32
      %cond3A_309 = arith.constant 0 : i32
      %cond3A_310 = arith.cmpi ne, %convert_element_type3A_308, %cond3A_309 : i32
      scf.if %cond3A_310 {
        %rem3A_329 = arith.constant 6 : i32
        %rem3A_330 = arith.remsi %sub3A_306, %rem3A_329 : i32
        %dma_wait3A_331 = arith.constant 0 : i32
        %dma_wait3A_332 = tpu.memref_slice %arg7[%rem3A_330, %dma_wait3A_331] : memref<6x80xi32, #tpu.memory_space<vmem>> -> memref<1x80xi32, #tpu.memory_space<vmem>>
        %dma_wait3A_333 = tpu.memref_squeeze %dma_wait3A_332 : memref<1x80xi32, #tpu.memory_space<vmem>> -> memref<80xi32, #tpu.memory_space<vmem>>
        %dma_wait3A_334 = arith.constant 0 : i32
        %dma_wait3A_335 = tpu.memref_slice %arg3[%arg0, %arg1, %sub3A_306, %dma_wait3A_334] : memref<2x16x125x80xi32, #tpu.memory_space<hbm>> -> memref<1x1x1x80xi32, #tpu.memory_space<hbm>>
        %dma_wait3A_336 = tpu.memref_squeeze %dma_wait3A_335 : memref<1x1x1x80xi32, #tpu.memory_space<hbm>> -> memref<80xi32, #tpu.memory_space<hbm>>
        %dma_wait3A_337 = arith.constant 0 : i32
        %dma_wait3A_338 = tpu.memref_slice %arg7[%rem3A_330, %dma_wait3A_337] : memref<6x80xi32, #tpu.memory_space<vmem>> -> memref<1x80xi32, #tpu.memory_space<vmem>>
        %dma_wait3A_339 = tpu.memref_squeeze %dma_wait3A_338 : memref<1x80xi32, #tpu.memory_space<vmem>> -> memref<80xi32, #tpu.memory_space<vmem>>
        %dma_wait3A_340 = arith.constant 0 : i32
        %dma_wait3A_341 = tpu.memref_slice %arg3[%arg0, %arg1, %sub3A_306, %dma_wait3A_340] : memref<2x16x125x80xi32, #tpu.memory_space<hbm>> -> memref<1x1x1x80xi32, #tpu.memory_space<hbm>>
        %dma_wait3A_342 = tpu.memref_squeeze %dma_wait3A_341 : memref<1x1x1x80xi32, #tpu.memory_space<hbm>> -> memref<80xi32, #tpu.memory_space<hbm>>
        tpu.wait_dma2 semaphore(%arg13 : memref<!tpu.dma_semaphore, #tpu.memory_space<semaphore_mem>>) src(%dma_wait3A_342 : memref<80xi32, #tpu.memory_space<hbm>>) dst(%dma_wait3A_339 : memref<80xi32, #tpu.memory_space<vmem>>)
        %rem3A_343 = arith.constant 4 : i32
        %rem3A_344 = arith.remsi %sub3A_306, %rem3A_343 : i32
        %dma_start3A_345 = arith.constant 0 : i32
        %dma_start3A_346 = arith.constant 0 : i32
        %dma_start3A_347 = tpu.memref_slice %arg9[%rem3A_344, %dma_start3A_345, %dma_start3A_346] : memref<4x80x128xf32, #tpu.memory_space<vmem>> -> memref<1x80x128xf32, #tpu.memory_space<vmem>>
        %dma_start3A_348 = tpu.memref_squeeze %dma_start3A_347 : memref<1x80x128xf32, #tpu.memory_space<vmem>> -> memref<80x128xf32, #tpu.memory_space<vmem>>
        %dma_start3A_349 = arith.constant 0 : i32
        %dma_start3A_350 = tpu.memref_slice %arg7[%rem3A_330, %dma_start3A_349] : memref<6x80xi32, #tpu.memory_space<vmem>> -> memref<1x80xi32, #tpu.memory_space<vmem>>
        %dma_start3A_351 = tpu.memref_squeeze %dma_start3A_350 : memref<1x80xi32, #tpu.memory_space<vmem>> -> memref<80xi32, #tpu.memory_space<vmem>>
        %dma_start3A_352 = arith.constant 0 : i32
        %dma_start3A_353 = arith.constant 0 : i32
        %dma_start3A_354 = tpu.memref_slice %arg2[%dma_start3A_352, %dma_start3A_353] : memref<20480x128xf32, #tpu.memory_space<hbm>> -> memref<20480x128xf32, #tpu.memory_space<hbm>>
        tpu.enqueue_indirect_dma source(%dma_start3A_354 : memref<20480x128xf32, #tpu.memory_space<hbm>>) target(%dma_start3A_348 : memref<80x128xf32, #tpu.memory_space<vmem>>) offsets(%dma_start3A_351 : memref<80xi32, #tpu.memory_space<vmem>>) semaphore(%arg11 : memref<!tpu.dma_semaphore, #tpu.memory_space<semaphore_mem>>)
      } else {
      }
      %add3A_311 = arith.constant 6 : i32
      %add3A_312 = arith.addi %scan3A_267, %add3A_311 : i32
      %lt3A_313 = arith.constant 125 : i32
      %lt3A_314 = arith.cmpi slt, %add3A_312, %lt3A_313 : i32
      %convert_element_type3A_315 = arith.extui %lt3A_314 : i1 to i32
      %cond3A_316 = arith.constant 0 : i32
      %cond3A_317 = arith.cmpi ne, %convert_element_type3A_315, %cond3A_316 : i32
      scf.if %cond3A_317 {
        %add3A_329 = arith.constant 6 : i32
        %add3A_330 = arith.addi %scan3A_267, %add3A_329 : i32
        %dma_start3A_331 = arith.constant 0 : i32
        %dma_start3A_332 = tpu.memref_slice %arg7[%rem3A_270, %dma_start3A_331] : memref<6x80xi32, #tpu.memory_space<vmem>> -> memref<1x80xi32, #tpu.memory_space<vmem>>
        %dma_start3A_333 = tpu.memref_squeeze %dma_start3A_332 : memref<1x80xi32, #tpu.memory_space<vmem>> -> memref<80xi32, #tpu.memory_space<vmem>>
        %dma_start3A_334 = arith.constant 0 : i32
        %dma_start3A_335 = tpu.memref_slice %arg3[%arg0, %arg1, %add3A_330, %dma_start3A_334] : memref<2x16x125x80xi32, #tpu.memory_space<hbm>> -> memref<1x1x1x80xi32, #tpu.memory_space<hbm>>
        %dma_start3A_336 = tpu.memref_squeeze %dma_start3A_335 : memref<1x1x1x80xi32, #tpu.memory_space<hbm>> -> memref<80xi32, #tpu.memory_space<hbm>>
        %dma_start3A_337 = arith.constant 0 : i32
        %dma_start3A_338 = tpu.memref_slice %arg7[%rem3A_270, %dma_start3A_337] : memref<6x80xi32, #tpu.memory_space<vmem>> -> memref<1x80xi32, #tpu.memory_space<vmem>>
        %dma_start3A_339 = tpu.memref_squeeze %dma_start3A_338 : memref<1x80xi32, #tpu.memory_space<vmem>> -> memref<80xi32, #tpu.memory_space<vmem>>
        %dma_start3A_340 = arith.constant 0 : i32
        %dma_start3A_341 = tpu.memref_slice %arg3[%arg0, %arg1, %add3A_330, %dma_start3A_340] : memref<2x16x125x80xi32, #tpu.memory_space<hbm>> -> memref<1x1x1x80xi32, #tpu.memory_space<hbm>>
        %dma_start3A_342 = tpu.memref_squeeze %dma_start3A_341 : memref<1x1x1x80xi32, #tpu.memory_space<hbm>> -> memref<80xi32, #tpu.memory_space<hbm>>
        tpu.enqueue_dma source(%dma_start3A_342 : memref<80xi32, #tpu.memory_space<hbm>>) target(%dma_start3A_339 : memref<80xi32, #tpu.memory_space<vmem>>) target_semaphore(%arg13 : memref<!tpu.dma_semaphore, #tpu.memory_space<semaphore_mem>>)
      } else {
      }
      %add3A_318 = arith.constant 6 : i32
      %add3A_319 = arith.addi %scan3A_267, %add3A_318 : i32
      %sub3A_320 = arith.constant 1 : i32
      %sub3A_321 = arith.subi %add3A_319, %sub3A_320 : i32
      %lt3A_322 = arith.constant 125 : i32
      %lt3A_323 = arith.cmpi slt, %sub3A_321, %lt3A_322 : i32
      %ge3A_324 = arith.constant 6 : i32
      %ge3A_325 = arith.cmpi sge, %sub3A_321, %ge3A_324 : i32
      %and3A = arith.andi %lt3A_323, %ge3A_325 : i1
      %convert_element_type3A_326 = arith.extui %and3A : i1 to i32
      %cond3A_327 = arith.constant 0 : i32
      %cond3A_328 = arith.cmpi ne, %convert_element_type3A_326, %cond3A_327 : i32
      scf.if %cond3A_328 {
        %rem3A_329 = arith.constant 6 : i32
        %rem3A_330 = arith.remsi %sub3A_321, %rem3A_329 : i32
        %dma_start3A_331 = arith.constant 0 : i32
        %dma_start3A_332 = tpu.memref_slice %arg8[%rem3A_330, %dma_start3A_331] : memref<6x80xi32, #tpu.memory_space<vmem>> -> memref<1x80xi32, #tpu.memory_space<vmem>>
        %dma_start3A_333 = tpu.memref_squeeze %dma_start3A_332 : memref<1x80xi32, #tpu.memory_space<vmem>> -> memref<80xi32, #tpu.memory_space<vmem>>
        %dma_start3A_334 = arith.constant 0 : i32
        %dma_start3A_335 = tpu.memref_slice %arg4[%arg1, %sub3A_321, %dma_start3A_334] : memref<16x125x80xi32, #tpu.memory_space<hbm>> -> memref<1x1x80xi32, #tpu.memory_space<hbm>>
        %dma_start3A_336 = tpu.memref_squeeze %dma_start3A_335 : memref<1x1x80xi32, #tpu.memory_space<hbm>> -> memref<80xi32, #tpu.memory_space<hbm>>
        %dma_start3A_337 = arith.constant 0 : i32
        %dma_start3A_338 = tpu.memref_slice %arg8[%rem3A_330, %dma_start3A_337] : memref<6x80xi32, #tpu.memory_space<vmem>> -> memref<1x80xi32, #tpu.memory_space<vmem>>
        %dma_start3A_339 = tpu.memref_squeeze %dma_start3A_338 : memref<1x80xi32, #tpu.memory_space<vmem>> -> memref<80xi32, #tpu.memory_space<vmem>>
        %dma_start3A_340 = arith.constant 0 : i32
        %dma_start3A_341 = tpu.memref_slice %arg4[%arg1, %sub3A_321, %dma_start3A_340] : memref<16x125x80xi32, #tpu.memory_space<hbm>> -> memref<1x1x80xi32, #tpu.memory_space<hbm>>
        %dma_start3A_342 = tpu.memref_squeeze %dma_start3A_341 : memref<1x1x80xi32, #tpu.memory_space<hbm>> -> memref<80xi32, #tpu.memory_space<hbm>>
        tpu.enqueue_dma source(%dma_start3A_342 : memref<80xi32, #tpu.memory_space<hbm>>) target(%dma_start3A_339 : memref<80xi32, #tpu.memory_space<vmem>>) target_semaphore(%arg14 : memref<!tpu.dma_semaphore, #tpu.memory_space<semaphore_mem>>)
      } else {
      }
    }
    %scan3A_249 = arith.constant 125 : i32
    %dma_wait3A_250 = arith.constant 0 : i32
    %dma_wait3A_251 = arith.constant 4 : i32
    %dma_wait3A_252 = arith.constant 0 : i32
    %dma_wait3A_253 = arith.constant 0 : i32
    %dma_wait3A_254 = tpu.memref_slice %arg9[%dma_wait3A_250, %dma_wait3A_252, %dma_wait3A_253] : memref<4x80x128xf32, #tpu.memory_space<vmem>> -> memref<1x80x128xf32, #tpu.memory_space<vmem>>
    %dma_wait3A_255 = tpu.memref_squeeze %dma_wait3A_254 : memref<1x80x128xf32, #tpu.memory_space<vmem>> -> memref<80x128xf32, #tpu.memory_space<vmem>>
    %dma_wait3A_256 = arith.constant 0 : i32
    %dma_wait3A_257 = tpu.memref_slice %arg8[%dma_wait3A_251, %dma_wait3A_256] : memref<6x80xi32, #tpu.memory_space<vmem>> -> memref<1x80xi32, #tpu.memory_space<vmem>>
    %dma_wait3A_258 = tpu.memref_squeeze %dma_wait3A_257 : memref<1x80xi32, #tpu.memory_space<vmem>> -> memref<80xi32, #tpu.memory_space<vmem>>
    %dma_wait3A_259 = arith.constant 0 : i32
    %dma_wait3A_260 = arith.constant 0 : i32
    %dma_wait3A_261 = tpu.memref_slice %arg10[%dma_wait3A_259, %dma_wait3A_260] : memref<10240x128xf32, #tpu.memory_space<vmem_shared>> -> memref<10240x128xf32, #tpu.memory_space<vmem_shared>>
    tpu.wait_indirect_dma semaphore(%arg12 : memref<!tpu.dma_semaphore, #tpu.memory_space<semaphore_mem>>) src(%dma_wait3A_255 : memref<80x128xf32, #tpu.memory_space<vmem>>) dst(%dma_wait3A_261 : memref<10240x128xf32, #tpu.memory_space<vmem_shared>>)
    %barrier3A_262 = arith.constant 0 : index
    tpu.barrier barrier_id(%barrier3A_262)
    %mul3A_263 = arith.constant 640 : i32
    %mul3A_264 = arith.muli %arg1, %mul3A_263 : i32
    %mul3A_265 = arith.constant 640 : i32
    %mul3A_266 = arith.muli %arg1, %mul3A_265 : i32
    "tpu.region"() ({
      %run_scoped3A = tpu.sem_alloc : memref<!tpu.dma_semaphore, #tpu.memory_space<semaphore_mem>>
      %dma_start3A_267 = arith.constant 0 : i32
      %dma_start3A_268 = tpu.memref_slice %arg6[%arg0, %mul3A_266, %dma_start3A_267] : memref<2x10240x128xf32, #tpu.memory_space<hbm>> -> memref<1x640x128xf32, #tpu.memory_space<hbm>>
      %dma_start3A_269 = tpu.memref_squeeze %dma_start3A_268 : memref<1x640x128xf32, #tpu.memory_space<hbm>> -> memref<640x128xf32, #tpu.memory_space<hbm>>
      %dma_start3A_270 = arith.constant 0 : i32
      %dma_start3A_271 = tpu.memref_slice %arg10[%mul3A_264, %dma_start3A_270] : memref<10240x128xf32, #tpu.memory_space<vmem_shared>> -> memref<640x128xf32, #tpu.memory_space<vmem_shared>>
      tpu.enqueue_dma source(%dma_start3A_271 : memref<640x128xf32, #tpu.memory_space<vmem_shared>>) target(%dma_start3A_269 : memref<640x128xf32, #tpu.memory_space<hbm>>) target_semaphore(%run_scoped3A : memref<!tpu.dma_semaphore, #tpu.memory_space<semaphore_mem>>)
      %dma_wait3A_272 = arith.constant 0 : i32
      %dma_wait3A_273 = tpu.memref_slice %arg6[%arg0, %mul3A_266, %dma_wait3A_272] : memref<2x10240x128xf32, #tpu.memory_space<hbm>> -> memref<1x640x128xf32, #tpu.memory_space<hbm>>
      %dma_wait3A_274 = tpu.memref_squeeze %dma_wait3A_273 : memref<1x640x128xf32, #tpu.memory_space<hbm>> -> memref<640x128xf32, #tpu.memory_space<hbm>>
      %dma_wait3A_275 = arith.constant 0 : i32
      %dma_wait3A_276 = tpu.memref_slice %arg10[%mul3A_264, %dma_wait3A_275] : memref<10240x128xf32, #tpu.memory_space<vmem_shared>> -> memref<640x128xf32, #tpu.memory_space<vmem_shared>>
      tpu.wait_dma2 semaphore(%run_scoped3A : memref<!tpu.dma_semaphore, #tpu.memory_space<semaphore_mem>>) src(%dma_wait3A_276 : memref<640x128xf32, #tpu.memory_space<vmem_shared>>) dst(%dma_wait3A_274 : memref<640x128xf32, #tpu.memory_space<hbm>>)
      tpu.yield
    }) : () -> ()
    return
  }
}

module attributes {stable_mosaic.version = 14 : i64} {
  func.func @_pre_body(%arg0: i32, %arg1: i32, %arg2: memref<256x256xf32, #tpu.memory_space<vmem>>, %arg3: memref<256x128xf32, #tpu.memory_space<vmem>>, %arg4: memref<2x256x128xf32, #tpu.memory_space<vmem>>, %arg5: memref<1x256x128xf32, #tpu.memory_space<vmem>>) attributes {dimension_semantics = [#tpu.dimension_semantics<arbitrary>, #tpu.dimension_semantics<arbitrary>], iteration_bounds = array<i64: 40, 2>, scalar_prefetch = 0 : i64, scratch_operands = 0 : i64, tpu.core_type = #tpu.core_type<tc>, window_params = [{transform_indices = @transform_0, window_bounds = array<i64: 256, 256>}, {transform_indices = @transform_1, window_bounds = array<i64: 256, 128>}, {transform_indices = @transform_2, window_bounds = array<i64: 2, 256, 128>}, {transform_indices = @transform_3, window_bounds = array<i64: 1, 256, 128>}]} {
    %get3A = arith.constant 0 : index
    %get3A_0 = arith.constant 0 : index
    %get3A_1 = arith.constant 0 : index
    %get3A_2 = vector.load %arg4[%get3A, %get3A_0, %get3A_1] : memref<2x256x128xf32, #tpu.memory_space<vmem>>, vector<1x256x1xf32>
    %get3A_3 = vector.shape_cast %get3A_2 : vector<1x256x1xf32> to vector<256x1xf32>
    %get3A_4 = arith.constant 1 : index
    %get3A_5 = arith.constant 0 : index
    %get3A_6 = arith.constant 0 : index
    %get3A_7 = vector.load %arg4[%get3A_4, %get3A_5, %get3A_6] : memref<2x256x128xf32, #tpu.memory_space<vmem>>, vector<1x256x1xf32>
    %get3A_8 = vector.shape_cast %get3A_7 : vector<1x256x1xf32> to vector<256x1xf32>
    %add3A = arith.addf %get3A_3, %get3A_8 : vector<256x1xf32>
    %add3A_9 = arith.constant 1.000000e+00 : f32
    %add3A_10 = vector.broadcast %add3A_9 : f32 to vector<256x1xf32>
    %add3A_11 = arith.addf %add3A, %add3A_10 : vector<256x1xf32>
    %rsqrt3A = math.rsqrt %add3A_11 : vector<256x1xf32>
    %get3A_12 = arith.constant 0 : index
    %get3A_13 = arith.constant 0 : index
    %get3A_14 = vector.load %arg2[%get3A_12, %get3A_13] : memref<256x256xf32, #tpu.memory_space<vmem>>, vector<256x256xf32>
    %get3A_15 = arith.constant 0 : index
    %get3A_16 = arith.constant 0 : index
    %get3A_17 = vector.load %arg3[%get3A_15, %get3A_16] : memref<256x128xf32, #tpu.memory_space<vmem>>, vector<256x128xf32>
    %dot_general3A = arith.constant dense<0.000000e+00> : vector<256x128xf32>
    %dot_general3A_18 = tpu.matmul %get3A_14, %get3A_17, %dot_general3A {dimension_numbers = #tpu.dot_dimension_numbers<[1], [0], [0], [1], [0, 0, 1, 1], [], []>, transpose_lhs_hint = false} : vector<256x256xf32>, vector<256x128xf32>, vector<256x128xf32> -> vector<256x128xf32>
    %mul3A = vector.broadcast %rsqrt3A : vector<256x1xf32> to vector<256x128xf32>
    %mul3A_19 = arith.mulf %mul3A, %dot_general3A_18 : vector<256x128xf32>
    %swap3A = arith.constant 0 : index
    %swap3A_20 = arith.constant 0 : index
    %swap3A_21 = arith.constant 0 : index
    %swap3A_22 = vector.load %arg5[%swap3A, %swap3A_20, %swap3A_21] : memref<1x256x128xf32, #tpu.memory_space<vmem>>, vector<1x256x128xf32>
    %swap3A_23 = vector.shape_cast %swap3A_22 : vector<1x256x128xf32> to vector<256x128xf32>
    %swap3A_24 = vector.shape_cast %mul3A_19 : vector<256x128xf32> to vector<1x256x128xf32>
    tpu.vector_store %arg5[%swap3A, %swap3A_20, %swap3A_21], %swap3A_24 {strides = array<i32>} : memref<1x256x128xf32, #tpu.memory_space<vmem>>, vector<1x256x128xf32>,
    return
  }
  func.func @transform_0(%arg0: i32, %arg1: i32) -> (i32, i32) {
    %c0_i32 = arith.constant 0 : i32
    %c0_i32_0 = arith.constant 0 : i32
    return %arg0, %c0_i32 : i32, i32
  }
  func.func @transform_1(%arg0: i32, %arg1: i32) -> (i32, i32) {
    %c0_i32 = arith.constant 0 : i32
    %c0_i32_0 = arith.constant 0 : i32
    return %c0_i32, %arg1 : i32, i32
  }
  func.func @transform_2(%arg0: i32, %arg1: i32) -> (i32, i32, i32) {
    %c0_i32 = arith.constant 0 : i32
    %c0_i32_0 = arith.constant 0 : i32
    %c0_i32_1 = arith.constant 0 : i32
    return %c0_i32, %arg0, %c0_i32_0 : i32, i32, i32
  }
  func.func @transform_3(%arg0: i32, %arg1: i32) -> (i32, i32, i32) {
    %c0_i32 = arith.constant 0 : i32
    %c0_i32_0 = arith.constant 0 : i32
    return %arg1, %arg0, %c0_i32 : i32, i32, i32
  }
}

module attributes {stable_mosaic.version = 14 : i64} {
  func.func @_mid_body(%arg0: i32, %arg1: i32, %arg2: memref<2x256x128xf32, #tpu.memory_space<vmem>>, %arg3: memref<2x256x128xf32, #tpu.memory_space<vmem>>, %arg4: memref<2x256x128xf32, #tpu.memory_space<vmem>>, %arg5: memref<2x128xf32, #tpu.memory_space<vmem>>, %arg6: memref<256x128xf32, #tpu.memory_space<vmem>>, %arg7: memref<1x256x128xf32, #tpu.memory_space<vmem>>) attributes {dimension_semantics = [#tpu.dimension_semantics<arbitrary>, #tpu.dimension_semantics<arbitrary>], iteration_bounds = array<i64: 40, 2>, scalar_prefetch = 0 : i64, scratch_operands = 0 : i64, tpu.core_type = #tpu.core_type<tc>, window_params = [{transform_indices = @transform_0, window_bounds = array<i64: 2, 256, 128>}, {transform_indices = @transform_1, window_bounds = array<i64: 2, 256, 128>}, {transform_indices = @transform_2, window_bounds = array<i64: 2, 256, 128>}, {pipeline_mode = #tpu.pipeline_mode<synchronous>, transform_indices = @transform_3, window_bounds = array<i64: 2, 128>}, {transform_indices = @transform_4, window_bounds = array<i64: 256, 128>}, {transform_indices = @transform_5, window_bounds = array<i64: 1, 256, 128>}]} {
    %get3A = arith.constant 0 : index
    %get3A_0 = arith.constant 0 : index
    %get3A_1 = arith.constant 0 : index
    %get3A_2 = vector.load %arg4[%get3A, %get3A_0, %get3A_1] : memref<2x256x128xf32, #tpu.memory_space<vmem>>, vector<1x256x1xf32>
    %get3A_3 = vector.shape_cast %get3A_2 : vector<1x256x1xf32> to vector<256x1xf32>
    %get3A_4 = arith.constant 1 : index
    %get3A_5 = arith.constant 0 : index
    %get3A_6 = arith.constant 0 : index
    %get3A_7 = vector.load %arg4[%get3A_4, %get3A_5, %get3A_6] : memref<2x256x128xf32, #tpu.memory_space<vmem>>, vector<1x256x1xf32>
    %get3A_8 = vector.shape_cast %get3A_7 : vector<1x256x1xf32> to vector<256x1xf32>
    %add3A = arith.addf %get3A_3, %get3A_8 : vector<256x1xf32>
    %add3A_9 = arith.constant 1.000000e+00 : f32
    %add3A_10 = vector.broadcast %add3A_9 : f32 to vector<256x1xf32>
    %add3A_11 = arith.addf %add3A, %add3A_10 : vector<256x1xf32>
    %rsqrt3A = math.rsqrt %add3A_11 : vector<256x1xf32>
    %get3A_12 = arith.constant 0 : index
    %get3A_13 = arith.constant 0 : index
    %get3A_14 = arith.constant 0 : index
    %get3A_15 = vector.load %arg2[%get3A_12, %get3A_13, %get3A_14] : memref<2x256x128xf32, #tpu.memory_space<vmem>>, vector<1x256x128xf32>
    %get3A_16 = vector.shape_cast %get3A_15 : vector<1x256x128xf32> to vector<256x128xf32>
    %get3A_17 = arith.constant 0 : index
    %get3A_18 = arith.constant 0 : index
    %get3A_19 = arith.constant 0 : index
    %get3A_20 = vector.load %arg3[%get3A_17, %get3A_18, %get3A_19] : memref<2x256x128xf32, #tpu.memory_space<vmem>>, vector<1x256x128xf32>
    %get3A_21 = vector.shape_cast %get3A_20 : vector<1x256x128xf32> to vector<256x128xf32>
    %add3A_22 = arith.addf %get3A_16, %get3A_21 : vector<256x128xf32>
    %mul3A = vector.broadcast %rsqrt3A : vector<256x1xf32> to vector<256x128xf32>
    %mul3A_23 = arith.mulf %mul3A, %add3A_22 : vector<256x128xf32>
    %get3A_24 = arith.constant 0 : index
    %get3A_25 = arith.constant 0 : index
    %get3A_26 = vector.load %arg5[%get3A_24, %get3A_25] : memref<2x128xf32, #tpu.memory_space<vmem>>, vector<1x128xf32>
    %add3A_27 = vector.broadcast %get3A_26 : vector<1x128xf32> to vector<256x128xf32>
    %add3A_28 = arith.addf %mul3A_23, %add3A_27 : vector<256x128xf32>
    %get3A_29 = arith.constant 1 : index
    %get3A_30 = arith.constant 0 : index
    %get3A_31 = arith.constant 0 : index
    %get3A_32 = vector.load %arg2[%get3A_29, %get3A_30, %get3A_31] : memref<2x256x128xf32, #tpu.memory_space<vmem>>, vector<1x256x128xf32>
    %get3A_33 = vector.shape_cast %get3A_32 : vector<1x256x128xf32> to vector<256x128xf32>
    %get3A_34 = arith.constant 1 : index
    %get3A_35 = arith.constant 0 : index
    %get3A_36 = arith.constant 0 : index
    %get3A_37 = vector.load %arg3[%get3A_34, %get3A_35, %get3A_36] : memref<2x256x128xf32, #tpu.memory_space<vmem>>, vector<1x256x128xf32>
    %get3A_38 = vector.shape_cast %get3A_37 : vector<1x256x128xf32> to vector<256x128xf32>
    %add3A_39 = arith.addf %get3A_33, %get3A_38 : vector<256x128xf32>
    %mul3A_40 = vector.broadcast %rsqrt3A : vector<256x1xf32> to vector<256x128xf32>
    %mul3A_41 = arith.mulf %mul3A_40, %add3A_39 : vector<256x128xf32>
    %get3A_42 = arith.constant 1 : index
    %get3A_43 = arith.constant 0 : index
    %get3A_44 = vector.load %arg5[%get3A_42, %get3A_43] : memref<2x128xf32, #tpu.memory_space<vmem>>, vector<1x128xf32>
    %add3A_45 = vector.broadcast %get3A_44 : vector<1x128xf32> to vector<256x128xf32>
    %add3A_46 = arith.addf %mul3A_41, %add3A_45 : vector<256x128xf32>
    %ge3A = arith.constant 0.000000e+00 : f32
    %ge3A_47 = vector.broadcast %ge3A : f32 to vector<256x128xf32>
    %ge3A_48 = arith.cmpf oge, %add3A_28, %ge3A_47 : vector<256x128xf32>
    %mul3A_49 = arith.constant 0.00999999977 : f32
    %mul3A_50 = vector.broadcast %mul3A_49 : f32 to vector<256x128xf32>
    %mul3A_51 = arith.mulf %mul3A_50, %add3A_28 : vector<256x128xf32>
    %select_n3A = arith.select %ge3A_48, %add3A_28, %mul3A_51 : vector<256x128xi1>, vector<256x128xf32>
    %ge3A_52 = arith.constant 0.000000e+00 : f32
    %ge3A_53 = vector.broadcast %ge3A_52 : f32 to vector<256x128xf32>
    %ge3A_54 = arith.cmpf oge, %add3A_46, %ge3A_53 : vector<256x128xf32>
    %mul3A_55 = arith.constant 0.00999999977 : f32
    %mul3A_56 = vector.broadcast %mul3A_55 : f32 to vector<256x128xf32>
    %mul3A_57 = arith.mulf %mul3A_56, %add3A_46 : vector<256x128xf32>
    %select_n3A_58 = arith.select %ge3A_54, %add3A_46, %mul3A_57 : vector<256x128xi1>, vector<256x128xf32>
    %get3A_59 = arith.constant 0 : index
    %get3A_60 = arith.constant 0 : index
    %get3A_61 = vector.load %arg6[%get3A_59, %get3A_60] : memref<256x128xf32, #tpu.memory_space<vmem>>, vector<128x128xf32>
    %dot_general3A = arith.constant dense<0.000000e+00> : vector<256x128xf32>
    %dot_general3A_62 = tpu.matmul %select_n3A, %get3A_61, %dot_general3A {dimension_numbers = #tpu.dot_dimension_numbers<[1], [0], [0], [1], [0, 0, 1, 1], [], []>, transpose_lhs_hint = false} : vector<256x128xf32>, vector<128x128xf32>, vector<256x128xf32> -> vector<256x128xf32>
    %get3A_63 = arith.constant 128 : index
    %get3A_64 = arith.constant 0 : index
    %get3A_65 = vector.load %arg6[%get3A_63, %get3A_64] : memref<256x128xf32, #tpu.memory_space<vmem>>, vector<128x128xf32>
    %dot_general3A_66 = arith.constant dense<0.000000e+00> : vector<256x128xf32>
    %dot_general3A_67 = tpu.matmul %select_n3A_58, %get3A_65, %dot_general3A_66 {dimension_numbers = #tpu.dot_dimension_numbers<[1], [0], [0], [1], [0, 0, 1, 1], [], []>, transpose_lhs_hint = false} : vector<256x128xf32>, vector<128x128xf32>, vector<256x128xf32> -> vector<256x128xf32>
    %add3A_68 = arith.addf %dot_general3A_62, %dot_general3A_67 : vector<256x128xf32>
    %mul3A_69 = vector.broadcast %rsqrt3A : vector<256x1xf32> to vector<256x128xf32>
    %mul3A_70 = arith.mulf %mul3A_69, %add3A_68 : vector<256x128xf32>
    %swap3A = arith.constant 0 : index
    %swap3A_71 = arith.constant 0 : index
    %swap3A_72 = arith.constant 0 : index
    %swap3A_73 = vector.load %arg7[%swap3A, %swap3A_71, %swap3A_72] : memref<1x256x128xf32, #tpu.memory_space<vmem>>, vector<1x256x128xf32>
    %swap3A_74 = vector.shape_cast %swap3A_73 : vector<1x256x128xf32> to vector<256x128xf32>
    %swap3A_75 = vector.shape_cast %mul3A_70 : vector<256x128xf32> to vector<1x256x128xf32>
    tpu.vector_store %arg7[%swap3A, %swap3A_71, %swap3A_72], %swap3A_75 {strides = array<i32>} : memref<1x256x128xf32, #tpu.memory_space<vmem>>, vector<1x256x128xf32>,
    return
  }
  func.func @transform_0(%arg0: i32, %arg1: i32) -> (i32, i32, i32) {
    %c0_i32 = arith.constant 0 : i32
    %c0_i32_0 = arith.constant 0 : i32
    %c0_i32_1 = arith.constant 0 : i32
    return %c0_i32, %arg0, %c0_i32_0 : i32, i32, i32
  }
  func.func @transform_1(%arg0: i32, %arg1: i32) -> (i32, i32, i32) {
    %c0_i32 = arith.constant 0 : i32
    %c0_i32_0 = arith.constant 0 : i32
    %c0_i32_1 = arith.constant 0 : i32
    return %c0_i32, %arg0, %c0_i32_0 : i32, i32, i32
  }
  func.func @transform_2(%arg0: i32, %arg1: i32) -> (i32, i32, i32) {
    %c0_i32 = arith.constant 0 : i32
    %c0_i32_0 = arith.constant 0 : i32
    %c0_i32_1 = arith.constant 0 : i32
    return %c0_i32, %arg0, %c0_i32_0 : i32, i32, i32
  }
  func.func @transform_3(%arg0: i32, %arg1: i32) -> (i32, i32) {
    %c0_i32 = arith.constant 0 : i32
    %c0_i32_0 = arith.constant 0 : i32
    %c0_i32_1 = arith.constant 0 : i32
    return %c0_i32, %c0_i32_0 : i32, i32
  }
  func.func @transform_4(%arg0: i32, %arg1: i32) -> (i32, i32) {
    %c0_i32 = arith.constant 0 : i32
    %c0_i32_0 = arith.constant 0 : i32
    return %c0_i32, %arg1 : i32, i32
  }
  func.func @transform_5(%arg0: i32, %arg1: i32) -> (i32, i32, i32) {
    %c0_i32 = arith.constant 0 : i32
    %c0_i32_0 = arith.constant 0 : i32
    return %arg1, %arg0, %c0_i32 : i32, i32, i32
  }
}

module attributes {stable_mosaic.version = 14 : i64} {
  func.func @_fin_body(%arg0: i32, %arg1: memref<2x256x128xf32, #tpu.memory_space<vmem>>, %arg2: memref<2x256x128xf32, #tpu.memory_space<vmem>>, %arg3: memref<2x256x128xf32, #tpu.memory_space<vmem>>, %arg4: memref<2x128xf32, #tpu.memory_space<vmem>>, %arg5: memref<256x256xf32, #tpu.memory_space<vmem>>) attributes {dimension_semantics = [#tpu.dimension_semantics<arbitrary>], iteration_bounds = array<i64: 40>, scalar_prefetch = 0 : i64, scratch_operands = 0 : i64, tpu.core_type = #tpu.core_type<tc>, window_params = [{transform_indices = @transform_0, window_bounds = array<i64: 2, 256, 128>}, {transform_indices = @transform_1, window_bounds = array<i64: 2, 256, 128>}, {transform_indices = @transform_2, window_bounds = array<i64: 2, 256, 128>}, {pipeline_mode = #tpu.pipeline_mode<synchronous>, transform_indices = @transform_3, window_bounds = array<i64: 2, 128>}, {transform_indices = @transform_4, window_bounds = array<i64: 256, 256>}]} {
    %get3A = arith.constant 0 : index
    %get3A_0 = arith.constant 0 : index
    %get3A_1 = arith.constant 0 : index
    %get3A_2 = vector.load %arg3[%get3A, %get3A_0, %get3A_1] : memref<2x256x128xf32, #tpu.memory_space<vmem>>, vector<1x256x1xf32>
    %get3A_3 = vector.shape_cast %get3A_2 : vector<1x256x1xf32> to vector<256x1xf32>
    %get3A_4 = arith.constant 1 : index
    %get3A_5 = arith.constant 0 : index
    %get3A_6 = arith.constant 0 : index
    %get3A_7 = vector.load %arg3[%get3A_4, %get3A_5, %get3A_6] : memref<2x256x128xf32, #tpu.memory_space<vmem>>, vector<1x256x1xf32>
    %get3A_8 = vector.shape_cast %get3A_7 : vector<1x256x1xf32> to vector<256x1xf32>
    %add3A = arith.addf %get3A_3, %get3A_8 : vector<256x1xf32>
    %add3A_9 = arith.constant 1.000000e+00 : f32
    %add3A_10 = vector.broadcast %add3A_9 : f32 to vector<256x1xf32>
    %add3A_11 = arith.addf %add3A, %add3A_10 : vector<256x1xf32>
    %rsqrt3A = math.rsqrt %add3A_11 : vector<256x1xf32>
    %get3A_12 = arith.constant 0 : index
    %get3A_13 = arith.constant 0 : index
    %get3A_14 = arith.constant 0 : index
    %get3A_15 = vector.load %arg1[%get3A_12, %get3A_13, %get3A_14] : memref<2x256x128xf32, #tpu.memory_space<vmem>>, vector<1x256x128xf32>
    %get3A_16 = vector.shape_cast %get3A_15 : vector<1x256x128xf32> to vector<256x128xf32>
    %get3A_17 = arith.constant 0 : index
    %get3A_18 = arith.constant 0 : index
    %get3A_19 = arith.constant 0 : index
    %get3A_20 = vector.load %arg2[%get3A_17, %get3A_18, %get3A_19] : memref<2x256x128xf32, #tpu.memory_space<vmem>>, vector<1x256x128xf32>
    %get3A_21 = vector.shape_cast %get3A_20 : vector<1x256x128xf32> to vector<256x128xf32>
    %add3A_22 = arith.addf %get3A_16, %get3A_21 : vector<256x128xf32>
    %mul3A = vector.broadcast %rsqrt3A : vector<256x1xf32> to vector<256x128xf32>
    %mul3A_23 = arith.mulf %mul3A, %add3A_22 : vector<256x128xf32>
    %get3A_24 = arith.constant 0 : index
    %get3A_25 = arith.constant 0 : index
    %get3A_26 = vector.load %arg4[%get3A_24, %get3A_25] : memref<2x128xf32, #tpu.memory_space<vmem>>, vector<1x128xf32>
    %add3A_27 = vector.broadcast %get3A_26 : vector<1x128xf32> to vector<256x128xf32>
    %add3A_28 = arith.addf %mul3A_23, %add3A_27 : vector<256x128xf32>
    %swap3A = arith.constant 0 : index
    %swap3A_29 = arith.constant 0 : index
    %swap3A_30 = vector.load %arg5[%swap3A, %swap3A_29] : memref<256x256xf32, #tpu.memory_space<vmem>>, vector<256x128xf32>
    tpu.vector_store %arg5[%swap3A, %swap3A_29], %add3A_28 {strides = array<i32>} : memref<256x256xf32, #tpu.memory_space<vmem>>, vector<256x128xf32>,
    %get3A_31 = arith.constant 1 : index
    %get3A_32 = arith.constant 0 : index
    %get3A_33 = arith.constant 0 : index
    %get3A_34 = vector.load %arg1[%get3A_31, %get3A_32, %get3A_33] : memref<2x256x128xf32, #tpu.memory_space<vmem>>, vector<1x256x128xf32>
    %get3A_35 = vector.shape_cast %get3A_34 : vector<1x256x128xf32> to vector<256x128xf32>
    %get3A_36 = arith.constant 1 : index
    %get3A_37 = arith.constant 0 : index
    %get3A_38 = arith.constant 0 : index
    %get3A_39 = vector.load %arg2[%get3A_36, %get3A_37, %get3A_38] : memref<2x256x128xf32, #tpu.memory_space<vmem>>, vector<1x256x128xf32>
    %get3A_40 = vector.shape_cast %get3A_39 : vector<1x256x128xf32> to vector<256x128xf32>
    %add3A_41 = arith.addf %get3A_35, %get3A_40 : vector<256x128xf32>
    %mul3A_42 = vector.broadcast %rsqrt3A : vector<256x1xf32> to vector<256x128xf32>
    %mul3A_43 = arith.mulf %mul3A_42, %add3A_41 : vector<256x128xf32>
    %get3A_44 = arith.constant 1 : index
    %get3A_45 = arith.constant 0 : index
    %get3A_46 = vector.load %arg4[%get3A_44, %get3A_45] : memref<2x128xf32, #tpu.memory_space<vmem>>, vector<1x128xf32>
    %add3A_47 = vector.broadcast %get3A_46 : vector<1x128xf32> to vector<256x128xf32>
    %add3A_48 = arith.addf %mul3A_43, %add3A_47 : vector<256x128xf32>
    %swap3A_49 = arith.constant 0 : index
    %swap3A_50 = arith.constant 128 : index
    %swap3A_51 = vector.load %arg5[%swap3A_49, %swap3A_50] : memref<256x256xf32, #tpu.memory_space<vmem>>, vector<256x128xf32>
    tpu.vector_store %arg5[%swap3A_49, %swap3A_50], %add3A_48 {strides = array<i32>} : memref<256x256xf32, #tpu.memory_space<vmem>>, vector<256x128xf32>,
    return
  }
  func.func @transform_0(%arg0: i32) -> (i32, i32, i32) {
    %c0_i32 = arith.constant 0 : i32
    %c0_i32_0 = arith.constant 0 : i32
    %c0_i32_1 = arith.constant 0 : i32
    return %c0_i32, %arg0, %c0_i32_0 : i32, i32, i32
  }
  func.func @transform_1(%arg0: i32) -> (i32, i32, i32) {
    %c0_i32 = arith.constant 0 : i32
    %c0_i32_0 = arith.constant 0 : i32
    %c0_i32_1 = arith.constant 0 : i32
    return %c0_i32, %arg0, %c0_i32_0 : i32, i32, i32
  }
  func.func @transform_2(%arg0: i32) -> (i32, i32, i32) {
    %c0_i32 = arith.constant 0 : i32
    %c0_i32_0 = arith.constant 0 : i32
    %c0_i32_1 = arith.constant 0 : i32
    return %c0_i32, %arg0, %c0_i32_0 : i32, i32, i32
  }
  func.func @transform_3(%arg0: i32) -> (i32, i32) {
    %c0_i32 = arith.constant 0 : i32
    %c0_i32_0 = arith.constant 0 : i32
    %c0_i32_1 = arith.constant 0 : i32
    return %c0_i32, %c0_i32_0 : i32, i32
  }
  func.func @transform_4(%arg0: i32) -> (i32, i32) {
    %c0_i32 = arith.constant 0 : i32
    %c0_i32_0 = arith.constant 0 : i32
    return %arg0, %c0_i32 : i32, i32
  }
}

</mosaic_0001>

<sc_bundles>
// kernel: kernel.11.cloned.1.call-start
scs
__scs_entry_jumppad:
0x0: {  	(pc) =	sbr.rel $0x88, $3  }
0x1: {  	(tag) =	ssettag $0x0;
	lr =	simm.s32 $0x1  }
0x2: {  	[smem:$0x3F9B] =	sst lr;
	_ =	strace $0xD0000000  }
0x3: {  	_ = 	snop  }
0x4: {  	_ = 	snop  }
0x5: {  	_ = 	snop  }
0x6: {  	_ = 	snop  }
0x7: {  	_ = 	snop  }
__scs_overlays_trampoline_lowered:
0x8: {  	[smem:$0x3FAA] =	sst s0  }
0x9: {  	[smem:$0x3FAB] =	sst s1  }
0xa: {  	[smem:$0x3FAC] =	sst s2  }
0xb: {  	[smem:$0x3FAD] =	sst s3  }
0xc: {  	[smem:$0x3FAE] =	sst s4  }
0xd: {  	[smem:$0x3FAF] =	sst s5  }
0xe: {  	[smem:$0x3FB0] =	sst s6  }
0xf: {  	[smem:$0x3FB1] =	sst s7  }
0x10: {  	[smem:$0x3FB2] =	sst s8  }
0x11: {  	[smem:$0x3FB3] =	sst s9;
	s0 =	simm.s32 @!p0 $0x0  }
0x12: {  	s1 =	sld [smem:$0x3F99];
	s0 =	simm.s32 @p0 $0x1  }
0x13: {  	[smem:$0x3FB4] =	sst s0;
	s0 =	simm.s32 @!p1 $0x0  }
0x14: {  	s2 =	sld [smem:$0x3F98];
	s0 =	simm.s32 @p1 $0x1  }
0x15: {  	[smem:$0x3FB5] =	sst s0;
	s0 =	simm.s32 @!p2 $0x0  }
0x16: {  	s3 =	sld [smem:$0x3FDB];
	s0 =	simm.s32 @p2 $0x1  }
0x17: {  	s4 =	simm.s32 $0x1BF5;
	[smem:$0x3FB7] =	sst s0  }
0x18: {  	s0 =	sld [smem:$0x3F9A];
	_ =	swait.ge [sflag:s4], $0x0  }
0x19: {  	s7 =	sld [smem:$0x3F9B]  }
0x1a: {  	s8 =	sadd.s32 $0xFFFFE003, lr  }
0x1b: {  	s9 =	sadd.s32 $0xFFFFFEF7, lr;
	s5 =	simm.s32 $0xFFFFFFFF;
	p2 =	slt.u32 s8, $0xFFFFF086  }
0x1c: {  	p1 =	slt.u32 s9, $0xF7A;
	s5 =	simm.s32 @!p2 $0x0  }
0x1d: {  	s5 =	simm.s32 @p1 $0x1;
	p0 =	seq.s32 s7, s2  }
0x1e: {  	s7 =	smul.u32 @!p0 $0xF7A, s2;
	p2 =	seq.s32 @!p0 s5, $0x0  }
0x1f: {  	s9 =	smul.u32 $0xF7A, s1;
	s8 =	simm.s32 @!p0 $0x1BF5;
	p2 =	por !p2, p0  }
0x20: {  	[sflag:s8] =	ssyncset.s32 @!p0 $0xFFFFF086;
	s6 =	sadd.s32 @!p0 s3, s7;
	s7 =	simm.s32 @!p0 $0x108  }
0x21: {  	s3 =	sadd.s32 s3, s9;
	s6 =	sadd.s32 @!p0 $0x88, s6;
	s7 =	simm.s32 @p2 $0x1082  }
0x22: {  	[simem:s7], [sflag:s8] =	dma.local @!p0 [hbm:s6], $0xF7A  }
0x23: {  	s9 =	sor.u32 $0xD0000000, s2;
	s6 =	simm.s32 $0x108;
	_ =	swait.ge @!p0 [sflag:s8], $0x0  }
0x24: {  	s3 =	sadd.s32 $0x88, s3;
	s6 =	simm.s32 @!p1 $0x1082;
	[sflag:s4] =	ssyncset.s32 $0xFFFFF086  }
0x25: {  	[simem:s6], [sflag:s4] =	dma.local [hbm:s3], $0xF7A  }
0x26: {  	[smem:$0x3F9B] =	sst s1;
	(tag) =	ssettag s2;
	_ =	strace s9  }
0x27: {  	s1 =	sld [smem:$0x3FAB]  }
0x28: {  	s2 =	sld [smem:$0x3FAC]  }
0x29: {  	s4 =	sld [smem:$0x3FAE]  }
0x2a: {  	p0 =	seq.s32 s5, $0x0;
	s5 =	sld [smem:$0x3FAF]  }
0x2b: {  	s6 =	sld [smem:$0x3FB0]  }
0x2c: {  	s7 =	sld [smem:$0x3FB1]  }
0x2d: {  	s3 =	simm.s32 $0x108;
	s8 =	sld [smem:$0x3FB2]  }
0x2e: {  	s3 =	simm.s32 @!p0 $0x1082;
	s9 =	sld [smem:$0x3FB3]  }
0x2f: {  	lr =	sadd.s32 s0, s3;
	s0 =	sld [smem:$0x3FAA]  }
0x30: {  	s3 =	sld [smem:$0x3FAD]  }
0x31: {  	[smem:$0x3FB6] =	sst s10  }
0x32: {  	s10 =	sld [smem:$0x3FB4];
	_ =	sdelay $0x3  }
0x33: {  	p0 =	seq.s32 s10, $0x1;
	s10 =	sld [smem:$0x3FB6];
	_ =	sdelay $0x3  }
0x34: {  	[smem:$0x3FB6] =	sst s10  }
0x35: {  	s10 =	sld [smem:$0x3FB5];
	_ =	sdelay $0x3  }
0x36: {  	p1 =	seq.s32 s10, $0x1;
	s10 =	sld [smem:$0x3FB6];
	_ =	sdelay $0x3  }
0x37: {  	[smem:$0x3FB6] =	sst s10  }
0x38: {  	s10 =	sld [smem:$0x3FB7]  }
0x39: {  	_ = 	snop;
	(pc) =	sbr.ind lr, $3  }
0x3a: {  	_ = 	snop  }
0x3b: {  	_ = 	snop  }
0x3c: {  	p2 =	seq.s32 s10, $0x1;
	s10 =	sld [smem:$0x3FB6]  }
0x3d: {  	_ =	shalt  }
0x3e: {  	_ =	shalt  }
0x3f: {  	_ =	shalt  }
0x40: {  	_ =	shalt  }
0x41: {  	_ =	shalt  }
0x42: {  	_ =	shalt  }
0x43: {  	_ =	shalt  }
0x44: {  	_ =	shalt  }
0x45: {  	_ =	shalt  }
0x46: {  	_ =	shalt  }
0x47: {  	_ =	shalt  }
0x48: {  	_ =	shalt  }
0x49: {  	_ =	shalt  }
0x4a: {  	_ =	shalt  }
0x4b: {  	_ =	shalt  }
0x4c: {  	_ =	shalt  }
0x4d: {  	_ =	shalt  }
0x4e: {  	_ =	shalt  }
0x4f: {  	_ =	shalt  }
0x50: {  	_ =	shalt  }
0x51: {  	_ =	shalt  }
0x52: {  	_ =	shalt  }
0x53: {  	_ =	shalt  }
0x54: {  	_ =	shalt  }
0x55: {  	_ =	shalt  }
0x56: {  	_ =	shalt  }
0x57: {  	_ =	shalt  }
0x58: {  	_ =	shalt  }
0x59: {  	_ =	shalt  }
0x5a: {  	_ =	shalt  }
0x5b: {  	_ =	shalt  }
0x5c: {  	_ =	shalt  }
0x5d: {  	_ =	shalt  }
0x5e: {  	_ =	shalt  }
0x5f: {  	_ =	shalt  }
0x60: {  	_ =	shalt  }
0x61: {  	_ =	shalt  }
0x62: {  	_ =	shalt  }
0x63: {  	_ =	shalt  }
0x64: {  	_ =	shalt  }
0x65: {  	_ =	shalt  }
0x66: {  	_ =	shalt  }
0x67: {  	_ =	shalt  }
0x68: {  	_ =	shalt  }
0x69: {  	_ =	shalt  }
0x6a: {  	_ =	shalt  }
0x6b: {  	_ =	shalt  }
0x6c: {  	_ =	shalt  }
0x6d: {  	_ =	shalt  }
0x6e: {  	_ =	shalt  }
0x6f: {  	_ =	shalt  }
0x70: {  	_ =	shalt  }
0x71: {  	_ =	shalt  }
0x72: {  	_ =	shalt  }
0x73: {  	_ =	shalt  }
0x74: {  	_ =	shalt  }
0x75: {  	_ =	shalt  }
0x76: {  	_ =	shalt  }
0x77: {  	_ =	shalt  }
0x78: {  	_ =	shalt  }
0x79: {  	_ =	shalt  }
0x7a: {  	_ =	shalt  }
0x7b: {  	_ =	shalt  }
0x7c: {  	_ =	shalt  }
0x7d: {  	_ =	shalt  }
0x7e: {  	_ =	shalt  }
0x7f: {  	_ =	shalt  }
0x80: {  	_ =	shalt  }
0x81: {  	_ =	shalt  }
0x82: {  	_ =	shalt  }
0x83: {  	_ =	shalt  }
0x84: {  	_ =	shalt  }
0x85: {  	_ =	shalt  }
0x86: {  	_ =	shalt  }
0x87: {  	_ =	shalt  }
.Lfunc_end0:
.L_simem_size_0:
called_computation.1_lowered:
.L_overlay_start_0:
0x88: {  	s2 =	sld [smem:$0x3FD9]  }
0x89: {  	s3 =	sld [smem:$0x3FFE];
	_ =	sdelay $0x1  }
0x8a: {  	s1 =	srdreg.scid  }
0x8b: {  	s0 =	sand.u32 $0x1, s1  }
0x8c: {  	s17 =	sshll.u32 s0, $0xA;
	s2 =	sadd.s32 s3, s2  }
0x8d: {  	s2 =	sadd.s32 s2, s17  }
0x8e: {  	[smem:$0x3FC2] =	sst s2  }
0x8f: {  	_ = 	snop  }
0x90: {  	s2 =	sld [smem:$0x3FD0];
	(tm) =	ssettm $0x1  }
0x91: {  	s18 =	sld [smem:$0x3FFB];
	_ =	sdelay $0x3  }
0x92: {  	_ =	strace s18  }
0x93: {  	s3 =	sld [smem:$0x3FFC];
	_ =	sdelay $0x3  }
0x94: {  	_ =	strace s3  }
0x95: {  	s3 =	sld [smem:$0x3FFD];
	_ =	sdelay $0x3  }
0x96: {  	_ =	strace s3  }
0x97: {  	_ =	strace $0x8FFFFFFF  }
0x98: {  	s19 =	sld [smem:$0x3FDB];
	_ =	sdelay $0x1  }
0x99: {  	s4 =	simm.s32 $_scs_section_size  }
0x9a: {  	s5 =	simm.s32 $_size__tile_overlayer_lowered;
	s6 =	simm.s32 $_tile_overlayer_lowered  }
0x9b: {  	s22 =	simm.s32 $0x1BFF;
	s21 =	sshll.u32 s6, $0x1;
	s3 =	sadd.s32 s4, s19  }
0x9c: {  	s7 =	simm.s32 $0x0;
	s20 =	sshll.u32 s5, $0x1;
	s5 =	sadd.s32 s21, s3  }
0x9d: {  	[timem:s7], [sflag:s22] =	dma.local [hbm:s5], s20  }
0x9e: {  	_ =	swait.ge [sflag:s22], s20  }
0x9f: {  	s4 =	ssub.s32 $0x0, s20;
	[sflag:s22] =	ssyncset.done $0x0  }
0xa0: {  	[sflag:s22] =	ssyncadd.s32 s4;
	_ =	sdelay $0x1  }
0xa1: {  	s23 =	simm.s32 $0x1B8B  }
0xa2: {  	_ =	swait.ge [sflag:s23], $0x1  }
0xa3: {  	[sflag:s23] =	ssyncset.done $0x0  }
0xa4: {  	s25 =	simm.s32 $0x1B8E;
	s24 =	sld [smem:$0x3FFE];
	[sflag:s23] =	ssyncadd.s32 $0xFFFFFFFF  }
0xa5: {  	s26 =	simm.s32 $execute0_lowered;
	[smem:$0x3FD2] =	sst s25  }
0xa6: {  	s5 =	sshll.u32 s26, $0x1;
	_ =	strace $0x80000049;
	[dreg:$0x1] =	wrdreg $0xFFFFFFFF  }
0xa7: {  	s28 =	simm.s32 $_size_execute0_lowered;
	s3 =	sadd.s32 s3, s5;
	[dreg:$0x0] =	wrdreg $0x0  }
0xa8: {  	s5 =	sshll.u32 s28, $0x1;
	[dreg:$0x2] =	wrdreg s3  }
0xa9: {  	[dreg:$0x3] =	wrdreg s5  }
0xaa: {  	[dreg:$0x4] =	wrdreg $0xC0  }
0xab: {  	_ =	task [dreg:s7], $0x5FFFF  }
0xac: {  	[dreg:$0x1] =	wrdreg $0xFFFFFFFF  }
0xad: {  	[dreg:$0x0] =	wrdreg $0x60  }
0xae: {  	[dreg:$0x2] =	wrdreg s24  }
0xaf: {  	[dreg:$0x3] =	wrdreg s2  }
0xb0: {  	[dreg:$0x4] =	wrdreg $0xA8000  }
0xb1: {  	[dreg:$0x5] =	wrdreg $0x9  }
0xb2: {  	_ =	task.clear_ibuf [dreg:s7], $0x6FFFF;
	_ =	strace $0x90000049  }
0xb3: {  	s29 =	simm.s32 $0x9;
	_ =	strace $0x8000004B  }
0xb4: {  	_ =	swait.ge [sflag:s29], $0x1  }
0xb5: {  	[sflag:s29] =	ssyncadd.s32 $0xFFFFFFFF  }
0xb6: {  	_ =	strace $0x9000004B  }
0xb7: {  	_ =	sfence  }
0xb8: {  	s30 =	sld [smem:$0x0];
	_ =	sdelay $0x2  }
0xb9: {  	s31 =	sshll.u32 s1, $0xD;
	s1 =	sshrl.u32 s1, $0x2  }
0xba: {  	s3 =	sand.u32 $0x4000, s31;
	s1 =	sadd.s32 s1, s30  }
0xbb: {  	s0 =	sor.u32 s3, s0;
	s1 =	sshll.u32 s1, $0x11  }
0xbc: {  	s0 =	sor.u32 s1, s0  }
0xbd: {  	s0 =	sadd.s32 $0x8F2B, s0  }
0xbe: {  	[sflag:s0] =	ssyncadd.remote.s32 $0x1  }
0xbf: {  	_ =	sfence.sel $0xFFFF  }
0xc0: {  	[dreg:$0x0] =	wrdreg $0xFFFFFFFF;
	(pc) =	sbr.abs _section_cstart, $3  }
0xc1: {  	[dreg:$0x1] =	wrdreg $0xFFFFFFFF  }
0xc2: {  	_ =	task.clear_ibuf [dreg:s7], $0x2FFFF;
	_ =	strace $0x9FFFFFFF  }
0xc3: {  	(tm) =	ssettm $0x7FFFFFFF  }
tec
execute0_lowered:
.L_overlay_start_1:
0x0: {  	(tag) =	ssettag $0x1  }
0x1: {  	s0 =	rddreg [dreg:$0x0]  }
0x2: {  	s2 =	rddreg [dreg:$0x1]  }
0x3: {  	s1 =	srdreg.scid;
	s3 =	rddreg [dreg:$0x2]  }
0x4: {  	s12 =	stileid.u32;
	s4 =	simm.s32 $0x0;
	s29 =	simm.s32 $0x80  }
0x5: {  	s31 =	simm.s32 $0x100;
	s1 =	sand.u32 $0x1, s1;
	s6 =	smul.u32 $0x14000, s12  }
0x6: {  	[smem:$0x7FF] =	sst s4;
	s8 =	sadd.s32 $0x7A00, s0;
	s16 =	smul.u32 $0x50000, s12  }
0x7: {  	s5 =	smul.u32 $0x140000, s1;
	_ =	strace $0x8000004A;
	[dreg:$0x4] =	wrdreg s8  }
0x8: {  	s10 =	ssub.s32 $0x2, s1;
	s1 =	sshll.u32 s1, $0x12;
	s8 =	sshll.u32 s12, $0xE  }
0x9: {  	s19 =	sshll.u32 s12, $0x6;
	s12 =	sshll.u32 s12, $0xB;
	s9 =	sor.u32 s8, s1  }
0xa: {  	s11 =	sshrl.u32 s10, $0x1;
	s7 =	sadd.s32 s6, s5;
	s18 =	sshrl.u32 s9, $0x3  }
0xb: {  	s6 =	sadd.s32 $0x5A200, s0;
	s17 =	ssub.s32 s10, s11;
	s10 =	sadd.s32 s2, s18  }
0xc: {  	s30 =	simm.s32 $0x3;
	s12 =	sadd.s32 s6, s12;
	s13 =	sadd.s32 $0x10, s10  }
0xd: {  	s28 =	simm.s32 $0x1;
	s20 =	sadd.s32 $0x10, s12;
	[dreg:$0x5] =	wrdreg s13  }
0xe: {  	s1 =	simm.s32 $0x4;
	s21 =	sadd.s32 $0x20, s10;
	[dreg:$0x6] =	wrdreg s20  }
0xf: {  	s5 =	sadd.s32 $0x62200, s0;
	s22 =	sadd.s32 $0x20, s12;
	[dreg:$0x7] =	wrdreg s21  }
0x10: {  	s7 =	sshrl.u32 s7, $0x3;
	s23 =	sadd.s32 $0x30, s10;
	[dreg:$0x8] =	wrdreg s22  }
0x11: {  	s0 =	sadd.s32 s7, s0;
	s24 =	sadd.s32 $0x30, s12;
	[dreg:$0x9] =	wrdreg s23  }
0x12: {  	s7 =	sshrl.u32 s16, $0x2;
	s25 =	sadd.s32 $0x40, s10;
	[dreg:$0xa] =	wrdreg s24  }
.Ltmp0:
0x13: {  	s26 =	sadd.s32 $0x40, s12;
	[dreg:$0xb] =	wrdreg s25;
	(pc) =	sbr.rel .LBB2_1-.Ltmp0, $4  }
0x14: {  	s11 =	sor.u32 $0x1C05, s19;
	s7 =	sadd.s32 s7, s3;
	[dreg:$0xc] =	wrdreg s26  }
0x15: {  	s21 =	sadd.s32 $0x50, s10;
	s22 =	sadd.s32 $0x50, s12;
	s23 =	sadd.s32 $0xB2200, s0  }
0x16: {  	s24 =	smax.u32 s17, $0x1;
	s26 =	simm.s32 $0x5;
	s0 =	simm.s32 $0x50  }
0x17: {  	s13 =	simm.s32 $0x0;
	s25 =	sshrl.u32 s7, $0x3;
	s7 =	simm.s32 $0x2  }
.LBB2_5:
0x18: {  	_ =	swait.ge [sflag:s7], $0x2800  }
0x19: {  	s13 =	sadd.s32 $0x1, s13;
	[sflag:s7] =	ssyncset.done $0x0  }
0x1a: {  	p0 =	sne.s32 s13, s24;
	[sflag:s7] =	ssyncadd.s32 $0xFFFFD800  }
.Ltmp1:
0x1b: {  	[bflag:$0x0] =	sbarrier.arrive $0xFFFF;
	(pc) =	sbr.rel @!p0 .LBB2_6-.Ltmp1, $4  }
0x1c: {  	[hbm:s23], [sflag:s11] =	dma.local [spmem:s25], $0x2800  }
0x1d: {  	_ =	swait.ge [sflag:s26], $0x2800  }
0x1e: {  	[sflag:s26] =	ssyncset.done $0x0  }
0x1f: {  	[sflag:s26] =	ssyncadd.s32 $0xFFFFD800  }
.LBB2_1:
0x20: {  	s14 =	rddreg [dreg:$0x4]  }
0x21: {  	[spmem:s25], [sflag:s11] =	dma.local [hbm:s14], $0x2800  }
0x22: {  	_ =	swait.ge [sflag:s26], $0x2800  }
0x23: {  	[sflag:s26] =	ssyncset.done $0x0  }
0x24: {  	[sflag:s26] =	ssyncadd.s32 $0xFFFFD800  }
0x25: {  	[tilespmem:s4], [sflag:$0x3] =	stream.linear.gather [hbm4b:s10+s4], $0x80, $0x38;
	[tilespmem:$0x1E800] =	vst v63  }
0x26: {  	s18 =	simm.s32 $0x400  }
0x27: {  	[tilespmem:s18], [sflag:$0x4] =	stream.linear.gather [hbm4b:s12+s4], $0x80, $0x38;
	[tilespmem:$0x1E800] =	vst v63  }
0x28: {  	s19 =	rddreg [dreg:$0x5]  }
0x29: {  	[tilespmem:s29], [sflag:$0x3] =	stream.linear.gather [hbm4b:s19+s4], $0x80, $0x38;
	[tilespmem:$0x1E800] =	vst v63  }
0x2a: {  	s15 =	simm.s32 $0x480;
	s20 =	rddreg [dreg:$0x6]  }
0x2b: {  	[tilespmem:s15], [sflag:$0x4] =	stream.linear.gather [hbm4b:s20+s4], $0x80, $0x38;
	[tilespmem:$0x1E800] =	vst v63  }
0x2c: {  	s16 =	rddreg [dreg:$0x7]  }
0x2d: {  	[tilespmem:s31], [sflag:$0x3] =	stream.linear.gather [hbm4b:s16+s4], $0x80, $0x38;
	[tilespmem:$0x1E800] =	vst v63  }
0x2e: {  	s17 =	rddreg [dreg:$0x8];
	s18 =	simm.s32 $0x500  }
0x2f: {  	[tilespmem:s18], [sflag:$0x4] =	stream.linear.gather [hbm4b:s17+s4], $0x80, $0x38;
	[tilespmem:$0x1E800] =	vst v63  }
0x30: {  	s19 =	rddreg [dreg:$0x9];
	s20 =	simm.s32 $0x180  }
0x31: {  	[tilespmem:s20], [sflag:$0x3] =	stream.linear.gather [hbm4b:s19+s4], $0x80, $0x38;
	[tilespmem:$0x1E800] =	vst v63  }
0x32: {  	s15 =	rddreg [dreg:$0xa];
	s16 =	simm.s32 $0x580  }
0x33: {  	[tilespmem:s16], [sflag:$0x4] =	stream.linear.gather [hbm4b:s15+s4], $0x80, $0x38;
	[tilespmem:$0x1E800] =	vst v63  }
0x34: {  	s17 =	rddreg [dreg:$0xb];
	s18 =	simm.s32 $0x200  }
0x35: {  	[tilespmem:s18], [sflag:$0x3] =	stream.linear.gather [hbm4b:s17+s4], $0x80, $0x38;
	[tilespmem:$0x1E800] =	vst v63  }
0x36: {  	s19 =	rddreg [dreg:$0xc];
	s20 =	simm.s32 $0x600  }
0x37: {  	[tilespmem:s20], [sflag:$0x4] =	stream.linear.gather [hbm4b:s19+s4], $0x80, $0x38;
	[tilespmem:$0x1E800] =	vst v63  }
0x38: {  	s16 =	simm.s32 $0x280  }
0x39: {  	[tilespmem:s16], [sflag:$0x3] =	stream.linear.gather [hbm4b:s21+s4], $0x80, $0x38;
	[tilespmem:$0x1E800] =	vst v63  }
0x3a: {  	s17 =	simm.s32 $0x680  }
0x3b: {  	[tilespmem:s17], [sflag:$0x4] =	stream.linear.gather [hbm4b:s22+s4], $0x80, $0x38;
	[tilespmem:$0x1E800] =	vst v63  }
0x3c: {  	[bflag:$0x0] =	sbarrier.arrive $0xFFFF  }
0x3d: {  	_ =	swait.ge [sflag:s30], $0x80  }
0x3e: {  	[sflag:s30] =	ssyncset.done $0x0  }
0x3f: {  	s18 =	simm.s32 $0x800;
	[sflag:s30] =	ssyncadd.s32 $0xFFFFFF80  }
0x40: {  	[tilespmem:s18], [sflag:$0x1] =	stream.indirect.gather [hbm4b:s5+s0], $0x80, s4, s0, $0xb8;
	[tilespmem:$0x1E800] =	vst v63  }
0x41: {  	_ =	swait.ge [sflag:s30], $0x80  }
0x42: {  	[sflag:s30] =	ssyncset.done $0x0  }
0x43: {  	s19 =	simm.s32 $0x3000;
	[sflag:s30] =	ssyncadd.s32 $0xFFFFFF80  }
0x44: {  	[tilespmem:s19], [sflag:$0x1] =	stream.indirect.gather [hbm4b:s5+s0], $0x80, s29, s0, $0xb8;
	[tilespmem:$0x1E800] =	vst v63  }
.Ltmp2:
0x45: {  	_ = 	snop;
	(pc) =	sbr.rel .LBB2_2-.Ltmp2, $4  }
0x46: {  	_ =	swait.ge [sflag:s30], $0x80  }
0x47: {  	s14 =	simm.s32 $0x300;
	[sflag:s30] =	ssyncset.done $0x0  }
0x48: {  	s15 =	simm.s32 $0x0;
	s20 =	simm.s32 $0x5800;
	[sflag:s30] =	ssyncadd.s32 $0xFFFFFF80  }
0x49: {  	[tilespmem:s20], [sflag:$0x1] =	stream.indirect.gather [hbm4b:s5+s0], $0x80, s31, s0, $0xb8;
	[tilespmem:$0x1E800] =	vst v63  }
.LBB2_4:
0x4a: {  	s15 =	sadd.s32 $0x1, s15  }
0x4b: {  	p0 =	sne.s32 s15, $0x7D  }
.Ltmp3:
0x4c: {  	_ = 	snop;
	(pc) =	sbr.rel @!p0 .LBB2_5-.Ltmp3, $2  }
0x4d: {  	_ =	sdelay $0x2  }
0x4e: {  	s14 =	sadd.s32 $0x80, s14  }
.LBB2_2:
0x4f: {  	s16 =	smul.u32 $0xAB, s15;
	_ =	sdelay $0x1  }
0x50: {  	s16 =	sshrl.u32 s16, $0xA  }
0x51: {  	s16 =	sand.u32 $0x3F, s16  }
0x52: {  	_ =	swait.ge [sflag:s28], $0x2800;
	s17 =	sand.u32 $0x3, s15;
	s16 =	smul.u32 $0x6, s16  }
0x53: {  	p0 =	seq.s32 s15, $0x0;
	[sflag:s28] =	ssyncset.done $0x0;
	s17 =	smul.u32 $0xA000, s17  }
0x54: {  	p1 =	sgt.u32 @!p0 s15, $0x79;
	[sflag:s28] =	ssyncadd.s32 $0xFFFFD800;
	s16 =	ssub.s32 s15, s16  }
0x55: {  	p1 =	por p0, !p1;
	_ =	swait.ge [sflag:s1], $0x80;
	s16 =	sand.u32 $0xFF, s16  }
0x56: {  	s17 =	sshrl.u32 s17, $0x2;
	[sflag:s1] =	ssyncset.done $0x0;
	s16 =	sshll.u32 s16, $0x7  }
0x57: {  	s17 =	sadd.s32 $0x800, s17;
	[sflag:s1] =	ssyncadd.s32 $0xFFFFFF80;
	s18 =	sor.u32 $0x400, s16  }
0x58: {  	[spmem:s3] =	stream.indirect.scatter.add.f32 [tilespmem:s17], [sflag:$0x2], $0x80, s18, s0, $0xb8;
	[tilespmem:$0x1E800] =	vst v63  }
.Ltmp4:
0x59: {  	_ = 	snop;
	(pc) =	sbr.rel @!p1 .LBB2_4-.Ltmp4, $4  }
0x5a: {  	s17 =	simm.s32 @!p0 $0x2  }
0x5b: {  	_ =	swait.ge @!p0 [sflag:s17], $0x2800  }
0x5c: {  	[sflag:s17] =	ssyncset.done @!p0 $0x0  }
0x5d: {  	[sflag:s17] =	ssyncadd.s32 @!p0 $0xFFFFD800  }
0x5e: {  	s17 =	sadd.s32 $0x3, s15  }
0x5f: {  	s18 =	smul.u32 $0xAB, s17;
	_ =	sdelay $0x1  }
0x60: {  	s18 =	sshrl.u32 s18, $0xA  }
0x61: {  	s18 =	sand.u32 $0x3F, s18  }
0x62: {  	s19 =	sand.u32 $0x3, s17;
	s18 =	smul.u32 $0x6, s18  }
0x63: {  	s19 =	smul.u32 $0xA000, s19  }
0x64: {  	_ =	swait.ge [sflag:s30], $0x80;
	p1 =	sgt.u32 s15, $0x76;
	s17 =	ssub.s32 s17, s18  }
0x65: {  	[sflag:s30] =	ssyncset.done $0x0;
	s19 =	sshrl.u32 s19, $0x2;
	s17 =	sand.u32 $0xFF, s17  }
0x66: {  	[sflag:s30] =	ssyncadd.s32 $0xFFFFFF80;
	s18 =	sadd.s32 $0x800, s19;
	s17 =	sshll.u32 s17, $0x7  }
0x67: {  	[tilespmem:s18], [sflag:$0x1] =	stream.indirect.gather [hbm4b:s5+s0], $0x80, s17, s0, $0xb8;
	[tilespmem:$0x1E800] =	vst v63  }
0x68: {  	s17 =	sand.u32 @!p1 $0x7C00, s14  }
0x69: {  	s20 =	sadd.s32 $0xFFFFFFFF, s15;
	s18 =	sand.u32 @!p1 $0x380, s14;
	s17 =	sadd.s32 @!p1 s9, s17  }
0x6a: {  	p0 =	sgt.u32 s20, $0x76;
	s17 =	sor.u32 @!p1 s18, s17  }
0x6b: {  	s18 =	sadd.s32 @!p0 $0x5, s15;
	s17 =	sshrl.u32 @!p1 s17, $0x3  }
0x6c: {  	s19 =	simm.s32 @!p1 $0x0;
	s20 =	smul.u32 @!p0 $0xAB, s18;
	s17 =	sadd.s32 @!p1 s2, s17  }
0x6d: {  	[tilespmem:s16], [sflag:$0x3] =	stream.linear.gather @!p1 [hbm4b:s17+s19], $0x80, $0x38;
	[tilespmem:$0x1E800] =	vst v63  }
0x6e: {  	s16 =	sshrl.u32 @!p0 s20, $0xA  }
0x6f: {  	s16 =	sand.u32 @!p0 $0x3F, s16  }
0x70: {  	s17 =	sadd.s32 @!p0 $0xFFFFFF80, s14;
	s16 =	smul.u32 @!p0 $0x6, s16  }
0x71: {  	s19 =	sand.u32 @!p0 $0x7C00, s17;
	s17 =	sand.u32 @!p0 $0x380, s17  }
.Ltmp5:
0x72: {  	s16 =	ssub.s32 @!p0 s18, s16;
	s18 =	sadd.s32 @!p0 s8, s19;
	(pc) =	sbr.rel .LBB2_4-.Ltmp5, $4  }
0x73: {  	s17 =	sor.u32 @!p0 s17, s18;
	s16 =	sand.u32 @!p0 $0xF7, s16  }
0x74: {  	s16 =	sshll.u32 @!p0 s16, $0x7;
	s17 =	sshrl.u32 @!p0 s17, $0x3  }
0x75: {  	s18 =	simm.s32 @!p0 $0x0;
	s16 =	sor.u32 @!p0 $0x400, s16;
	s17 =	sadd.s32 @!p0 s6, s17  }
0x76: {  	[tilespmem:s16], [sflag:$0x4] =	stream.linear.gather @!p0 [hbm4b:s17+s18], $0x80, $0x38;
	[tilespmem:$0x1E800] =	vst v63  }
.LBB2_6:
0x77: {  	_ =	sfence.sel $0x180000  }
0x78: {  	[bflag:$0x0] =	sbarrier.arrive $0xFFFF  }
0x79: {  	_ =	strace $0x9000004A  }
0x7a: {  	s0 =	stileid.u32;
	[bflag:$0x2] =	sbarrier.arrive $0xFFFF  }
0x7b: {  	p0 =	sne.s32 s0, $0x0;
	s0 =	rddreg [dreg:$0x3]  }
0x7c: {  	s0 =	sadd.s32 @!p0 $0x100000, s0  }
0x7d: {  	[sflag:s0] =	ssyncadd.tile.s32 @!p0 $0x1;
	_ =	shalt  }
.Lfunc_end2:
_tile_overlayer_lowered:
.L_overlay_start_2:
0x7e: {  	(tag) =	ssettag $0x2  }
0x7f: {  	s0 =	rddreg [dreg:$0x0];
	s2 =	stileid.u32  }
0x80: {  	s1 =	rddreg [dreg:$0x1];
	p0 =	sne.s32 s2, $0x0  }
0x81: {  	s3 =	rddreg [dreg:$0x2];
	[bflag:$0x3] =	sbarrier.arrive $0xFFFF;
	s2 =	simm.s32 @!p0 $0x1C05  }
0x82: {  	[timem:s3], [sflag:s2] =	dma.local @!p0 [hbm:s0], s1  }
0x83: {  	s0 =	simm.s32 @!p0 $0x5  }
0x84: {  	_ =	swait.ge @!p0 [sflag:s0], s1  }
0x85: {  	s1 =	ssub.s32 @!p0 $0x0, s1;
	[sflag:s0] =	ssyncset.done @!p0 $0x0  }
0x86: {  	[sflag:s0] =	ssyncadd.s32 @!p0 s1  }
0x87: {  	[bflag:$0x3] =	sbarrier.arrive $0xFFFF  }
0x88: {  	_ =	shalt  }

// kernel: kernel.14.cloned.1.call-start
scs
__scs_entry_jumppad:
0x0: {  	(pc) =	sbr.rel $0x88, $3  }
0x1: {  	(tag) =	ssettag $0x0;
	lr =	simm.s32 $0x1  }
0x2: {  	[smem:$0x3F9B] =	sst lr;
	_ =	strace $0xD0000000  }
0x3: {  	_ = 	snop  }
0x4: {  	_ = 	snop  }
0x5: {  	_ = 	snop  }
0x6: {  	_ = 	snop  }
0x7: {  	_ = 	snop  }
__scs_overlays_trampoline_lowered:
0x8: {  	[smem:$0x3FAA] =	sst s0  }
0x9: {  	[smem:$0x3FAB] =	sst s1  }
0xa: {  	[smem:$0x3FAC] =	sst s2  }
0xb: {  	[smem:$0x3FAD] =	sst s3  }
0xc: {  	[smem:$0x3FAE] =	sst s4  }
0xd: {  	[smem:$0x3FAF] =	sst s5  }
0xe: {  	[smem:$0x3FB0] =	sst s6  }
0xf: {  	[smem:$0x3FB1] =	sst s7  }
0x10: {  	[smem:$0x3FB2] =	sst s8  }
0x11: {  	[smem:$0x3FB3] =	sst s9;
	s0 =	simm.s32 @!p0 $0x0  }
0x12: {  	s1 =	sld [smem:$0x3F99];
	s0 =	simm.s32 @p0 $0x1  }
0x13: {  	[smem:$0x3FB4] =	sst s0;
	s0 =	simm.s32 @!p1 $0x0  }
0x14: {  	s2 =	sld [smem:$0x3F98];
	s0 =	simm.s32 @p1 $0x1  }
0x15: {  	[smem:$0x3FB5] =	sst s0;
	s0 =	simm.s32 @!p2 $0x0  }
0x16: {  	s3 =	sld [smem:$0x3FDB];
	s0 =	simm.s32 @p2 $0x1  }
0x17: {  	s4 =	simm.s32 $0x1BF5;
	[smem:$0x3FB7] =	sst s0  }
0x18: {  	s0 =	sld [smem:$0x3F9A];
	_ =	swait.ge [sflag:s4], $0x0  }
0x19: {  	s7 =	sld [smem:$0x3F9B]  }
0x1a: {  	s8 =	sadd.s32 $0xFFFFE003, lr  }
0x1b: {  	s9 =	sadd.s32 $0xFFFFFEF7, lr;
	s5 =	simm.s32 $0xFFFFFFFF;
	p2 =	slt.u32 s8, $0xFFFFF086  }
0x1c: {  	p1 =	slt.u32 s9, $0xF7A;
	s5 =	simm.s32 @!p2 $0x0  }
0x1d: {  	s5 =	simm.s32 @p1 $0x1;
	p0 =	seq.s32 s7, s2  }
0x1e: {  	s7 =	smul.u32 @!p0 $0xF7A, s2;
	p2 =	seq.s32 @!p0 s5, $0x0  }
0x1f: {  	s9 =	smul.u32 $0xF7A, s1;
	s8 =	simm.s32 @!p0 $0x1BF5;
	p2 =	por !p2, p0  }
0x20: {  	[sflag:s8] =	ssyncset.s32 @!p0 $0xFFFFF086;
	s6 =	sadd.s32 @!p0 s3, s7;
	s7 =	simm.s32 @!p0 $0x108  }
0x21: {  	s3 =	sadd.s32 s3, s9;
	s6 =	sadd.s32 @!p0 $0x88, s6;
	s7 =	simm.s32 @p2 $0x1082  }
0x22: {  	[simem:s7], [sflag:s8] =	dma.local @!p0 [hbm:s6], $0xF7A  }
0x23: {  	s9 =	sor.u32 $0xD0000000, s2;
	s6 =	simm.s32 $0x108;
	_ =	swait.ge @!p0 [sflag:s8], $0x0  }
0x24: {  	s3 =	sadd.s32 $0x88, s3;
	s6 =	simm.s32 @!p1 $0x1082;
	[sflag:s4] =	ssyncset.s32 $0xFFFFF086  }
0x25: {  	[simem:s6], [sflag:s4] =	dma.local [hbm:s3], $0xF7A  }
0x26: {  	[smem:$0x3F9B] =	sst s1;
	(tag) =	ssettag s2;
	_ =	strace s9  }
0x27: {  	s1 =	sld [smem:$0x3FAB]  }
0x28: {  	s2 =	sld [smem:$0x3FAC]  }
0x29: {  	s4 =	sld [smem:$0x3FAE]  }
0x2a: {  	p0 =	seq.s32 s5, $0x0;
	s5 =	sld [smem:$0x3FAF]  }
0x2b: {  	s6 =	sld [smem:$0x3FB0]  }
0x2c: {  	s7 =	sld [smem:$0x3FB1]  }
0x2d: {  	s3 =	simm.s32 $0x108;
	s8 =	sld [smem:$0x3FB2]  }
0x2e: {  	s3 =	simm.s32 @!p0 $0x1082;
	s9 =	sld [smem:$0x3FB3]  }
0x2f: {  	lr =	sadd.s32 s0, s3;
	s0 =	sld [smem:$0x3FAA]  }
0x30: {  	s3 =	sld [smem:$0x3FAD]  }
0x31: {  	[smem:$0x3FB6] =	sst s10  }
0x32: {  	s10 =	sld [smem:$0x3FB4];
	_ =	sdelay $0x3  }
0x33: {  	p0 =	seq.s32 s10, $0x1;
	s10 =	sld [smem:$0x3FB6];
	_ =	sdelay $0x3  }
0x34: {  	[smem:$0x3FB6] =	sst s10  }
0x35: {  	s10 =	sld [smem:$0x3FB5];
	_ =	sdelay $0x3  }
0x36: {  	p1 =	seq.s32 s10, $0x1;
	s10 =	sld [smem:$0x3FB6];
	_ =	sdelay $0x3  }
0x37: {  	[smem:$0x3FB6] =	sst s10  }
0x38: {  	s10 =	sld [smem:$0x3FB7]  }
0x39: {  	_ = 	snop;
	(pc) =	sbr.ind lr, $3  }
0x3a: {  	_ = 	snop  }
0x3b: {  	_ = 	snop  }
0x3c: {  	p2 =	seq.s32 s10, $0x1;
	s10 =	sld [smem:$0x3FB6]  }
0x3d: {  	_ =	shalt  }
0x3e: {  	_ =	shalt  }
0x3f: {  	_ =	shalt  }
0x40: {  	_ =	shalt  }
0x41: {  	_ =	shalt  }
0x42: {  	_ =	shalt  }
0x43: {  	_ =	shalt  }
0x44: {  	_ =	shalt  }
0x45: {  	_ =	shalt  }
0x46: {  	_ =	shalt  }
0x47: {  	_ =	shalt  }
0x48: {  	_ =	shalt  }
0x49: {  	_ =	shalt  }
0x4a: {  	_ =	shalt  }
0x4b: {  	_ =	shalt  }
0x4c: {  	_ =	shalt  }
0x4d: {  	_ =	shalt  }
0x4e: {  	_ =	shalt  }
0x4f: {  	_ =	shalt  }
0x50: {  	_ =	shalt  }
0x51: {  	_ =	shalt  }
0x52: {  	_ =	shalt  }
0x53: {  	_ =	shalt  }
0x54: {  	_ =	shalt  }
0x55: {  	_ =	shalt  }
0x56: {  	_ =	shalt  }
0x57: {  	_ =	shalt  }
0x58: {  	_ =	shalt  }
0x59: {  	_ =	shalt  }
0x5a: {  	_ =	shalt  }
0x5b: {  	_ =	shalt  }
0x5c: {  	_ =	shalt  }
0x5d: {  	_ =	shalt  }
0x5e: {  	_ =	shalt  }
0x5f: {  	_ =	shalt  }
0x60: {  	_ =	shalt  }
0x61: {  	_ =	shalt  }
0x62: {  	_ =	shalt  }
0x63: {  	_ =	shalt  }
0x64: {  	_ =	shalt  }
0x65: {  	_ =	shalt  }
0x66: {  	_ =	shalt  }
0x67: {  	_ =	shalt  }
0x68: {  	_ =	shalt  }
0x69: {  	_ =	shalt  }
0x6a: {  	_ =	shalt  }
0x6b: {  	_ =	shalt  }
0x6c: {  	_ =	shalt  }
0x6d: {  	_ =	shalt  }
0x6e: {  	_ =	shalt  }
0x6f: {  	_ =	shalt  }
0x70: {  	_ =	shalt  }
0x71: {  	_ =	shalt  }
0x72: {  	_ =	shalt  }
0x73: {  	_ =	shalt  }
0x74: {  	_ =	shalt  }
0x75: {  	_ =	shalt  }
0x76: {  	_ =	shalt  }
0x77: {  	_ =	shalt  }
0x78: {  	_ =	shalt  }
0x79: {  	_ =	shalt  }
0x7a: {  	_ =	shalt  }
0x7b: {  	_ =	shalt  }
0x7c: {  	_ =	shalt  }
0x7d: {  	_ =	shalt  }
0x7e: {  	_ =	shalt  }
0x7f: {  	_ =	shalt  }
0x80: {  	_ =	shalt  }
0x81: {  	_ =	shalt  }
0x82: {  	_ =	shalt  }
0x83: {  	_ =	shalt  }
0x84: {  	_ =	shalt  }
0x85: {  	_ =	shalt  }
0x86: {  	_ =	shalt  }
0x87: {  	_ =	shalt  }
.Lfunc_end0:
.L_simem_size_0:
called_computation.2_lowered:
.L_overlay_start_0:
0x88: {  	s2 =	sld [smem:$0x3FD9]  }
0x89: {  	s3 =	sld [smem:$0x3FFE];
	_ =	sdelay $0x1  }
0x8a: {  	s1 =	srdreg.scid  }
0x8b: {  	s0 =	sand.u32 $0x1, s1  }
0x8c: {  	s17 =	sshll.u32 s0, $0xA;
	s2 =	sadd.s32 s3, s2  }
0x8d: {  	s2 =	sadd.s32 s2, s17  }
0x8e: {  	[smem:$0x3FC2] =	sst s2  }
0x8f: {  	_ = 	snop  }
0x90: {  	s2 =	sld [smem:$0x3FD0];
	(tm) =	ssettm $0x1  }
0x91: {  	s18 =	sld [smem:$0x3FFB];
	_ =	sdelay $0x3  }
0x92: {  	_ =	strace s18  }
0x93: {  	s3 =	sld [smem:$0x3FFC];
	_ =	sdelay $0x3  }
0x94: {  	_ =	strace s3  }
0x95: {  	s3 =	sld [smem:$0x3FFD];
	_ =	sdelay $0x3  }
0x96: {  	_ =	strace s3  }
0x97: {  	_ =	strace $0x8FFFFFFF  }
0x98: {  	s19 =	sld [smem:$0x3FDB];
	_ =	sdelay $0x1  }
0x99: {  	s4 =	simm.s32 $_scs_section_size  }
0x9a: {  	s5 =	simm.s32 $_size__tile_overlayer_lowered;
	s6 =	simm.s32 $_tile_overlayer_lowered  }
0x9b: {  	s22 =	simm.s32 $0x1BFF;
	s21 =	sshll.u32 s6, $0x1;
	s3 =	sadd.s32 s4, s19  }
0x9c: {  	s7 =	simm.s32 $0x0;
	s20 =	sshll.u32 s5, $0x1;
	s5 =	sadd.s32 s21, s3  }
0x9d: {  	[timem:s7], [sflag:s22] =	dma.local [hbm:s5], s20  }
0x9e: {  	_ =	swait.ge [sflag:s22], s20  }
0x9f: {  	s4 =	ssub.s32 $0x0, s20;
	[sflag:s22] =	ssyncset.done $0x0  }
0xa0: {  	[sflag:s22] =	ssyncadd.s32 s4;
	_ =	sdelay $0x1  }
0xa1: {  	s23 =	simm.s32 $0x1B8B  }
0xa2: {  	_ =	swait.ge [sflag:s23], $0x1  }
0xa3: {  	[sflag:s23] =	ssyncset.done $0x0  }
0xa4: {  	s25 =	simm.s32 $0x1B8E;
	s24 =	sld [smem:$0x3FFE];
	[sflag:s23] =	ssyncadd.s32 $0xFFFFFFFF  }
0xa5: {  	s26 =	simm.s32 $execute0_lowered;
	[smem:$0x3FD2] =	sst s25  }
0xa6: {  	s5 =	sshll.u32 s26, $0x1;
	_ =	strace $0x8000004C;
	[dreg:$0x1] =	wrdreg $0xFFFFFFFF  }
0xa7: {  	s28 =	simm.s32 $_size_execute0_lowered;
	s3 =	sadd.s32 s3, s5;
	[dreg:$0x0] =	wrdreg $0x0  }
0xa8: {  	s5 =	sshll.u32 s28, $0x1;
	[dreg:$0x2] =	wrdreg s3  }
0xa9: {  	[dreg:$0x3] =	wrdreg s5  }
0xaa: {  	[dreg:$0x4] =	wrdreg $0xC0  }
0xab: {  	_ =	task [dreg:s7], $0x5FFFF  }
0xac: {  	[dreg:$0x1] =	wrdreg $0xFFFFFFFF  }
0xad: {  	[dreg:$0x0] =	wrdreg $0x60  }
0xae: {  	[dreg:$0x2] =	wrdreg s24  }
0xaf: {  	[dreg:$0x3] =	wrdreg s2  }
0xb0: {  	[dreg:$0x4] =	wrdreg $0xA8000  }
0xb1: {  	[dreg:$0x5] =	wrdreg $0x9  }
0xb2: {  	_ =	task.clear_ibuf [dreg:s7], $0x6FFFF;
	_ =	strace $0x9000004C  }
0xb3: {  	s29 =	simm.s32 $0x9;
	_ =	strace $0x8000004E  }
0xb4: {  	_ =	swait.ge [sflag:s29], $0x1  }
0xb5: {  	[sflag:s29] =	ssyncadd.s32 $0xFFFFFFFF  }
0xb6: {  	_ =	strace $0x9000004E  }
0xb7: {  	_ =	sfence  }
0xb8: {  	s30 =	sld [smem:$0x0];
	_ =	sdelay $0x2  }
0xb9: {  	s31 =	sshll.u32 s1, $0xD;
	s1 =	sshrl.u32 s1, $0x2  }
0xba: {  	s3 =	sand.u32 $0x4000, s31;
	s1 =	sadd.s32 s1, s30  }
0xbb: {  	s0 =	sor.u32 s3, s0;
	s1 =	sshll.u32 s1, $0x11  }
0xbc: {  	s0 =	sor.u32 s1, s0  }
0xbd: {  	s0 =	sadd.s32 $0x8F2B, s0  }
0xbe: {  	[sflag:s0] =	ssyncadd.remote.s32 $0x1  }
0xbf: {  	_ =	sfence.sel $0xFFFF  }
0xc0: {  	[dreg:$0x0] =	wrdreg $0xFFFFFFFF;
	(pc) =	sbr.abs _section_cstart, $3  }
0xc1: {  	[dreg:$0x1] =	wrdreg $0xFFFFFFFF  }
0xc2: {  	_ =	task.clear_ibuf [dreg:s7], $0x2FFFF;
	_ =	strace $0x9FFFFFFF  }
0xc3: {  	(tm) =	ssettm $0x7FFFFFFF  }
tec
execute0_lowered:
.L_overlay_start_1:
0x0: {  	(tag) =	ssettag $0x1  }
0x1: {  	s0 =	rddreg [dreg:$0x0]  }
0x2: {  	s2 =	rddreg [dreg:$0x1]  }
0x3: {  	s1 =	srdreg.scid;
	s3 =	rddreg [dreg:$0x2]  }
0x4: {  	s12 =	stileid.u32;
	s4 =	simm.s32 $0x0;
	s29 =	simm.s32 $0x80  }
0x5: {  	s31 =	simm.s32 $0x100;
	s1 =	sand.u32 $0x1, s1;
	s6 =	smul.u32 $0x14000, s12  }
0x6: {  	[smem:$0x7FF] =	sst s4;
	s8 =	sadd.s32 $0x7A00, s0;
	s16 =	smul.u32 $0x50000, s12  }
0x7: {  	s5 =	smul.u32 $0x140000, s1;
	_ =	strace $0x8000004D;
	[dreg:$0x4] =	wrdreg s8  }
0x8: {  	s10 =	ssub.s32 $0x2, s1;
	s1 =	sshll.u32 s1, $0x12;
	s8 =	sshll.u32 s12, $0xE  }
0x9: {  	s19 =	sshll.u32 s12, $0x6;
	s12 =	sshll.u32 s12, $0xB;
	s9 =	sor.u32 s8, s1  }
0xa: {  	s11 =	sshrl.u32 s10, $0x1;
	s7 =	sadd.s32 s6, s5;
	s18 =	sshrl.u32 s9, $0x3  }
0xb: {  	s6 =	sadd.s32 $0x5A200, s0;
	s17 =	ssub.s32 s10, s11;
	s10 =	sadd.s32 s2, s18  }
0xc: {  	s30 =	simm.s32 $0x3;
	s12 =	sadd.s32 s6, s12;
	s13 =	sadd.s32 $0x10, s10  }
0xd: {  	s28 =	simm.s32 $0x1;
	s20 =	sadd.s32 $0x10, s12;
	[dreg:$0x5] =	wrdreg s13  }
0xe: {  	s1 =	simm.s32 $0x4;
	s21 =	sadd.s32 $0x20, s10;
	[dreg:$0x6] =	wrdreg s20  }
0xf: {  	s5 =	sadd.s32 $0x62200, s0;
	s22 =	sadd.s32 $0x20, s12;
	[dreg:$0x7] =	wrdreg s21  }
0x10: {  	s7 =	sshrl.u32 s7, $0x3;
	s23 =	sadd.s32 $0x30, s10;
	[dreg:$0x8] =	wrdreg s22  }
0x11: {  	s0 =	sadd.s32 s7, s0;
	s24 =	sadd.s32 $0x30, s12;
	[dreg:$0x9] =	wrdreg s23  }
0x12: {  	s7 =	sshrl.u32 s16, $0x2;
	s25 =	sadd.s32 $0x40, s10;
	[dreg:$0xa] =	wrdreg s24  }
.Ltmp0:
0x13: {  	s26 =	sadd.s32 $0x40, s12;
	[dreg:$0xb] =	wrdreg s25;
	(pc) =	sbr.rel .LBB2_1-.Ltmp0, $4  }
0x14: {  	s11 =	sor.u32 $0x1C05, s19;
	s7 =	sadd.s32 s7, s3;
	[dreg:$0xc] =	wrdreg s26  }
0x15: {  	s21 =	sadd.s32 $0x50, s10;
	s22 =	sadd.s32 $0x50, s12;
	s23 =	sadd.s32 $0xB2200, s0  }
0x16: {  	s24 =	smax.u32 s17, $0x1;
	s26 =	simm.s32 $0x5;
	s0 =	simm.s32 $0x50  }
0x17: {  	s13 =	simm.s32 $0x0;
	s25 =	sshrl.u32 s7, $0x3;
	s7 =	simm.s32 $0x2  }
.LBB2_5:
0x18: {  	_ =	swait.ge [sflag:s7], $0x2800  }
0x19: {  	s13 =	sadd.s32 $0x1, s13;
	[sflag:s7] =	ssyncset.done $0x0  }
0x1a: {  	p0 =	sne.s32 s13, s24;
	[sflag:s7] =	ssyncadd.s32 $0xFFFFD800  }
.Ltmp1:
0x1b: {  	[bflag:$0x0] =	sbarrier.arrive $0xFFFF;
	(pc) =	sbr.rel @!p0 .LBB2_6-.Ltmp1, $4  }
0x1c: {  	[hbm:s23], [sflag:s11] =	dma.local [spmem:s25], $0x2800  }
0x1d: {  	_ =	swait.ge [sflag:s26], $0x2800  }
0x1e: {  	[sflag:s26] =	ssyncset.done $0x0  }
0x1f: {  	[sflag:s26] =	ssyncadd.s32 $0xFFFFD800  }
.LBB2_1:
0x20: {  	s14 =	rddreg [dreg:$0x4]  }
0x21: {  	[spmem:s25], [sflag:s11] =	dma.local [hbm:s14], $0x2800  }
0x22: {  	_ =	swait.ge [sflag:s26], $0x2800  }
0x23: {  	[sflag:s26] =	ssyncset.done $0x0  }
0x24: {  	[sflag:s26] =	ssyncadd.s32 $0xFFFFD800  }
0x25: {  	[tilespmem:s4], [sflag:$0x3] =	stream.linear.gather [hbm4b:s10+s4], $0x80, $0x38;
	[tilespmem:$0x1E800] =	vst v63  }
0x26: {  	s18 =	simm.s32 $0x400  }
0x27: {  	[tilespmem:s18], [sflag:$0x4] =	stream.linear.gather [hbm4b:s12+s4], $0x80, $0x38;
	[tilespmem:$0x1E800] =	vst v63  }
0x28: {  	s19 =	rddreg [dreg:$0x5]  }
0x29: {  	[tilespmem:s29], [sflag:$0x3] =	stream.linear.gather [hbm4b:s19+s4], $0x80, $0x38;
	[tilespmem:$0x1E800] =	vst v63  }
0x2a: {  	s15 =	simm.s32 $0x480;
	s20 =	rddreg [dreg:$0x6]  }
0x2b: {  	[tilespmem:s15], [sflag:$0x4] =	stream.linear.gather [hbm4b:s20+s4], $0x80, $0x38;
	[tilespmem:$0x1E800] =	vst v63  }
0x2c: {  	s16 =	rddreg [dreg:$0x7]  }
0x2d: {  	[tilespmem:s31], [sflag:$0x3] =	stream.linear.gather [hbm4b:s16+s4], $0x80, $0x38;
	[tilespmem:$0x1E800] =	vst v63  }
0x2e: {  	s17 =	rddreg [dreg:$0x8];
	s18 =	simm.s32 $0x500  }
0x2f: {  	[tilespmem:s18], [sflag:$0x4] =	stream.linear.gather [hbm4b:s17+s4], $0x80, $0x38;
	[tilespmem:$0x1E800] =	vst v63  }
0x30: {  	s19 =	rddreg [dreg:$0x9];
	s20 =	simm.s32 $0x180  }
0x31: {  	[tilespmem:s20], [sflag:$0x3] =	stream.linear.gather [hbm4b:s19+s4], $0x80, $0x38;
	[tilespmem:$0x1E800] =	vst v63  }
0x32: {  	s15 =	rddreg [dreg:$0xa];
	s16 =	simm.s32 $0x580  }
0x33: {  	[tilespmem:s16], [sflag:$0x4] =	stream.linear.gather [hbm4b:s15+s4], $0x80, $0x38;
	[tilespmem:$0x1E800] =	vst v63  }
0x34: {  	s17 =	rddreg [dreg:$0xb];
	s18 =	simm.s32 $0x200  }
0x35: {  	[tilespmem:s18], [sflag:$0x3] =	stream.linear.gather [hbm4b:s17+s4], $0x80, $0x38;
	[tilespmem:$0x1E800] =	vst v63  }
0x36: {  	s19 =	rddreg [dreg:$0xc];
	s20 =	simm.s32 $0x600  }
0x37: {  	[tilespmem:s20], [sflag:$0x4] =	stream.linear.gather [hbm4b:s19+s4], $0x80, $0x38;
	[tilespmem:$0x1E800] =	vst v63  }
0x38: {  	s16 =	simm.s32 $0x280  }
0x39: {  	[tilespmem:s16], [sflag:$0x3] =	stream.linear.gather [hbm4b:s21+s4], $0x80, $0x38;
	[tilespmem:$0x1E800] =	vst v63  }
0x3a: {  	s17 =	simm.s32 $0x680  }
0x3b: {  	[tilespmem:s17], [sflag:$0x4] =	stream.linear.gather [hbm4b:s22+s4], $0x80, $0x38;
	[tilespmem:$0x1E800] =	vst v63  }
0x3c: {  	[bflag:$0x0] =	sbarrier.arrive $0xFFFF  }
0x3d: {  	_ =	swait.ge [sflag:s30], $0x80  }
0x3e: {  	[sflag:s30] =	ssyncset.done $0x0  }
0x3f: {  	s18 =	simm.s32 $0x800;
	[sflag:s30] =	ssyncadd.s32 $0xFFFFFF80  }
0x40: {  	[tilespmem:s18], [sflag:$0x1] =	stream.indirect.gather [hbm4b:s5+s0], $0x80, s4, s0, $0xb8;
	[tilespmem:$0x1E800] =	vst v63  }
0x41: {  	_ =	swait.ge [sflag:s30], $0x80  }
0x42: {  	[sflag:s30] =	ssyncset.done $0x0  }
0x43: {  	s19 =	simm.s32 $0x3000;
	[sflag:s30] =	ssyncadd.s32 $0xFFFFFF80  }
0x44: {  	[tilespmem:s19], [sflag:$0x1] =	stream.indirect.gather [hbm4b:s5+s0], $0x80, s29, s0, $0xb8;
	[tilespmem:$0x1E800] =	vst v63  }
.Ltmp2:
0x45: {  	_ = 	snop;
	(pc) =	sbr.rel .LBB2_2-.Ltmp2, $4  }
0x46: {  	_ =	swait.ge [sflag:s30], $0x80  }
0x47: {  	s14 =	simm.s32 $0x300;
	[sflag:s30] =	ssyncset.done $0x0  }
0x48: {  	s15 =	simm.s32 $0x0;
	s20 =	simm.s32 $0x5800;
	[sflag:s30] =	ssyncadd.s32 $0xFFFFFF80  }
0x49: {  	[tilespmem:s20], [sflag:$0x1] =	stream.indirect.gather [hbm4b:s5+s0], $0x80, s31, s0, $0xb8;
	[tilespmem:$0x1E800] =	vst v63  }
.LBB2_4:
0x4a: {  	s15 =	sadd.s32 $0x1, s15  }
0x4b: {  	p0 =	sne.s32 s15, $0x7D  }
.Ltmp3:
0x4c: {  	_ = 	snop;
	(pc) =	sbr.rel @!p0 .LBB2_5-.Ltmp3, $2  }
0x4d: {  	_ =	sdelay $0x2  }
0x4e: {  	s14 =	sadd.s32 $0x80, s14  }
.LBB2_2:
0x4f: {  	s16 =	smul.u32 $0xAB, s15;
	_ =	sdelay $0x1  }
0x50: {  	s16 =	sshrl.u32 s16, $0xA  }
0x51: {  	s16 =	sand.u32 $0x3F, s16  }
0x52: {  	_ =	swait.ge [sflag:s28], $0x2800;
	s17 =	sand.u32 $0x3, s15;
	s16 =	smul.u32 $0x6, s16  }
0x53: {  	p0 =	seq.s32 s15, $0x0;
	[sflag:s28] =	ssyncset.done $0x0;
	s17 =	smul.u32 $0xA000, s17  }
0x54: {  	p1 =	sgt.u32 @!p0 s15, $0x79;
	[sflag:s28] =	ssyncadd.s32 $0xFFFFD800;
	s16 =	ssub.s32 s15, s16  }
0x55: {  	p1 =	por p0, !p1;
	_ =	swait.ge [sflag:s1], $0x80;
	s16 =	sand.u32 $0xFF, s16  }
0x56: {  	s17 =	sshrl.u32 s17, $0x2;
	[sflag:s1] =	ssyncset.done $0x0;
	s16 =	sshll.u32 s16, $0x7  }
0x57: {  	s17 =	sadd.s32 $0x800, s17;
	[sflag:s1] =	ssyncadd.s32 $0xFFFFFF80;
	s18 =	sor.u32 $0x400, s16  }
0x58: {  	[spmem:s3] =	stream.indirect.scatter.add.f32 [tilespmem:s17], [sflag:$0x2], $0x80, s18, s0, $0xb8;
	[tilespmem:$0x1E800] =	vst v63  }
.Ltmp4:
0x59: {  	_ = 	snop;
	(pc) =	sbr.rel @!p1 .LBB2_4-.Ltmp4, $4  }
0x5a: {  	s17 =	simm.s32 @!p0 $0x2  }
0x5b: {  	_ =	swait.ge @!p0 [sflag:s17], $0x2800  }
0x5c: {  	[sflag:s17] =	ssyncset.done @!p0 $0x0  }
0x5d: {  	[sflag:s17] =	ssyncadd.s32 @!p0 $0xFFFFD800  }
0x5e: {  	s17 =	sadd.s32 $0x3, s15  }
0x5f: {  	s18 =	smul.u32 $0xAB, s17;
	_ =	sdelay $0x1  }
0x60: {  	s18 =	sshrl.u32 s18, $0xA  }
0x61: {  	s18 =	sand.u32 $0x3F, s18  }
0x62: {  	s19 =	sand.u32 $0x3, s17;
	s18 =	smul.u32 $0x6, s18  }
0x63: {  	s19 =	smul.u32 $0xA000, s19  }
0x64: {  	_ =	swait.ge [sflag:s30], $0x80;
	p1 =	sgt.u32 s15, $0x76;
	s17 =	ssub.s32 s17, s18  }
0x65: {  	[sflag:s30] =	ssyncset.done $0x0;
	s19 =	sshrl.u32 s19, $0x2;
	s17 =	sand.u32 $0xFF, s17  }
0x66: {  	[sflag:s30] =	ssyncadd.s32 $0xFFFFFF80;
	s18 =	sadd.s32 $0x800, s19;
	s17 =	sshll.u32 s17, $0x7  }
0x67: {  	[tilespmem:s18], [sflag:$0x1] =	stream.indirect.gather [hbm4b:s5+s0], $0x80, s17, s0, $0xb8;
	[tilespmem:$0x1E800] =	vst v63  }
0x68: {  	s17 =	sand.u32 @!p1 $0x7C00, s14  }
0x69: {  	s20 =	sadd.s32 $0xFFFFFFFF, s15;
	s18 =	sand.u32 @!p1 $0x380, s14;
	s17 =	sadd.s32 @!p1 s9, s17  }
0x6a: {  	p0 =	sgt.u32 s20, $0x76;
	s17 =	sor.u32 @!p1 s18, s17  }
0x6b: {  	s18 =	sadd.s32 @!p0 $0x5, s15;
	s17 =	sshrl.u32 @!p1 s17, $0x3  }
0x6c: {  	s19 =	simm.s32 @!p1 $0x0;
	s20 =	smul.u32 @!p0 $0xAB, s18;
	s17 =	sadd.s32 @!p1 s2, s17  }
0x6d: {  	[tilespmem:s16], [sflag:$0x3] =	stream.linear.gather @!p1 [hbm4b:s17+s19], $0x80, $0x38;
	[tilespmem:$0x1E800] =	vst v63  }
0x6e: {  	s16 =	sshrl.u32 @!p0 s20, $0xA  }
0x6f: {  	s16 =	sand.u32 @!p0 $0x3F, s16  }
0x70: {  	s17 =	sadd.s32 @!p0 $0xFFFFFF80, s14;
	s16 =	smul.u32 @!p0 $0x6, s16  }
0x71: {  	s19 =	sand.u32 @!p0 $0x7C00, s17;
	s17 =	sand.u32 @!p0 $0x380, s17  }
.Ltmp5:
0x72: {  	s16 =	ssub.s32 @!p0 s18, s16;
	s18 =	sadd.s32 @!p0 s8, s19;
	(pc) =	sbr.rel .LBB2_4-.Ltmp5, $4  }
0x73: {  	s17 =	sor.u32 @!p0 s17, s18;
	s16 =	sand.u32 @!p0 $0xF7, s16  }
0x74: {  	s16 =	sshll.u32 @!p0 s16, $0x7;
	s17 =	sshrl.u32 @!p0 s17, $0x3  }
0x75: {  	s18 =	simm.s32 @!p0 $0x0;
	s16 =	sor.u32 @!p0 $0x400, s16;
	s17 =	sadd.s32 @!p0 s6, s17  }
0x76: {  	[tilespmem:s16], [sflag:$0x4] =	stream.linear.gather @!p0 [hbm4b:s17+s18], $0x80, $0x38;
	[tilespmem:$0x1E800] =	vst v63  }
.LBB2_6:
0x77: {  	_ =	sfence.sel $0x180000  }
0x78: {  	[bflag:$0x0] =	sbarrier.arrive $0xFFFF  }
0x79: {  	_ =	strace $0x9000004D  }
0x7a: {  	s0 =	stileid.u32;
	[bflag:$0x2] =	sbarrier.arrive $0xFFFF  }
0x7b: {  	p0 =	sne.s32 s0, $0x0;
	s0 =	rddreg [dreg:$0x3]  }
0x7c: {  	s0 =	sadd.s32 @!p0 $0x100000, s0  }
0x7d: {  	[sflag:s0] =	ssyncadd.tile.s32 @!p0 $0x1;
	_ =	shalt  }
.Lfunc_end2:
_tile_overlayer_lowered:
.L_overlay_start_2:
0x7e: {  	(tag) =	ssettag $0x2  }
0x7f: {  	s0 =	rddreg [dreg:$0x0];
	s2 =	stileid.u32  }
0x80: {  	s1 =	rddreg [dreg:$0x1];
	p0 =	sne.s32 s2, $0x0  }
0x81: {  	s3 =	rddreg [dreg:$0x2];
	[bflag:$0x3] =	sbarrier.arrive $0xFFFF;
	s2 =	simm.s32 @!p0 $0x1C05  }
0x82: {  	[timem:s3], [sflag:s2] =	dma.local @!p0 [hbm:s0], s1  }
0x83: {  	s0 =	simm.s32 @!p0 $0x5  }
0x84: {  	_ =	swait.ge @!p0 [sflag:s0], s1  }
0x85: {  	s1 =	ssub.s32 @!p0 $0x0, s1;
	[sflag:s0] =	ssyncset.done @!p0 $0x0  }
0x86: {  	[sflag:s0] =	ssyncadd.s32 @!p0 s1  }
0x87: {  	[bflag:$0x3] =	sbarrier.arrive $0xFFFF  }
0x88: {  	_ =	shalt  }

// kernel: kernel.8.cloned.1.call-start
scs
__scs_entry_jumppad:
0x0: {  	(pc) =	sbr.rel $0x88, $3  }
0x1: {  	(tag) =	ssettag $0x0;
	lr =	simm.s32 $0x1  }
0x2: {  	[smem:$0x3F9B] =	sst lr;
	_ =	strace $0xD0000000  }
0x3: {  	_ = 	snop  }
0x4: {  	_ = 	snop  }
0x5: {  	_ = 	snop  }
0x6: {  	_ = 	snop  }
0x7: {  	_ = 	snop  }
__scs_overlays_trampoline_lowered:
0x8: {  	[smem:$0x3FAA] =	sst s0  }
0x9: {  	[smem:$0x3FAB] =	sst s1  }
0xa: {  	[smem:$0x3FAC] =	sst s2  }
0xb: {  	[smem:$0x3FAD] =	sst s3  }
0xc: {  	[smem:$0x3FAE] =	sst s4  }
0xd: {  	[smem:$0x3FAF] =	sst s5  }
0xe: {  	[smem:$0x3FB0] =	sst s6  }
0xf: {  	[smem:$0x3FB1] =	sst s7  }
0x10: {  	[smem:$0x3FB2] =	sst s8  }
0x11: {  	[smem:$0x3FB3] =	sst s9;
	s0 =	simm.s32 @!p0 $0x0  }
0x12: {  	s1 =	sld [smem:$0x3F99];
	s0 =	simm.s32 @p0 $0x1  }
0x13: {  	[smem:$0x3FB4] =	sst s0;
	s0 =	simm.s32 @!p1 $0x0  }
0x14: {  	s2 =	sld [smem:$0x3F98];
	s0 =	simm.s32 @p1 $0x1  }
0x15: {  	[smem:$0x3FB5] =	sst s0;
	s0 =	simm.s32 @!p2 $0x0  }
0x16: {  	s3 =	sld [smem:$0x3FDB];
	s0 =	simm.s32 @p2 $0x1  }
0x17: {  	s4 =	simm.s32 $0x1BF5;
	[smem:$0x3FB7] =	sst s0  }
0x18: {  	s0 =	sld [smem:$0x3F9A];
	_ =	swait.ge [sflag:s4], $0x0  }
0x19: {  	s7 =	sld [smem:$0x3F9B]  }
0x1a: {  	s8 =	sadd.s32 $0xFFFFE003, lr  }
0x1b: {  	s9 =	sadd.s32 $0xFFFFFEF7, lr;
	s5 =	simm.s32 $0xFFFFFFFF;
	p2 =	slt.u32 s8, $0xFFFFF086  }
0x1c: {  	p1 =	slt.u32 s9, $0xF7A;
	s5 =	simm.s32 @!p2 $0x0  }
0x1d: {  	s5 =	simm.s32 @p1 $0x1;
	p0 =	seq.s32 s7, s2  }
0x1e: {  	s7 =	smul.u32 @!p0 $0xF7A, s2;
	p2 =	seq.s32 @!p0 s5, $0x0  }
0x1f: {  	s9 =	smul.u32 $0xF7A, s1;
	s8 =	simm.s32 @!p0 $0x1BF5;
	p2 =	por !p2, p0  }
0x20: {  	[sflag:s8] =	ssyncset.s32 @!p0 $0xFFFFF086;
	s6 =	sadd.s32 @!p0 s3, s7;
	s7 =	simm.s32 @!p0 $0x108  }
0x21: {  	s3 =	sadd.s32 s3, s9;
	s6 =	sadd.s32 @!p0 $0x88, s6;
	s7 =	simm.s32 @p2 $0x1082  }
0x22: {  	[simem:s7], [sflag:s8] =	dma.local @!p0 [hbm:s6], $0xF7A  }
0x23: {  	s9 =	sor.u32 $0xD0000000, s2;
	s6 =	simm.s32 $0x108;
	_ =	swait.ge @!p0 [sflag:s8], $0x0  }
0x24: {  	s3 =	sadd.s32 $0x88, s3;
	s6 =	simm.s32 @!p1 $0x1082;
	[sflag:s4] =	ssyncset.s32 $0xFFFFF086  }
0x25: {  	[simem:s6], [sflag:s4] =	dma.local [hbm:s3], $0xF7A  }
0x26: {  	[smem:$0x3F9B] =	sst s1;
	(tag) =	ssettag s2;
	_ =	strace s9  }
0x27: {  	s1 =	sld [smem:$0x3FAB]  }
0x28: {  	s2 =	sld [smem:$0x3FAC]  }
0x29: {  	s4 =	sld [smem:$0x3FAE]  }
0x2a: {  	p0 =	seq.s32 s5, $0x0;
	s5 =	sld [smem:$0x3FAF]  }
0x2b: {  	s6 =	sld [smem:$0x3FB0]  }
0x2c: {  	s7 =	sld [smem:$0x3FB1]  }
0x2d: {  	s3 =	simm.s32 $0x108;
	s8 =	sld [smem:$0x3FB2]  }
0x2e: {  	s3 =	simm.s32 @!p0 $0x1082;
	s9 =	sld [smem:$0x3FB3]  }
0x2f: {  	lr =	sadd.s32 s0, s3;
	s0 =	sld [smem:$0x3FAA]  }
0x30: {  	s3 =	sld [smem:$0x3FAD]  }
0x31: {  	[smem:$0x3FB6] =	sst s10  }
0x32: {  	s10 =	sld [smem:$0x3FB4];
	_ =	sdelay $0x3  }
0x33: {  	p0 =	seq.s32 s10, $0x1;
	s10 =	sld [smem:$0x3FB6];
	_ =	sdelay $0x3  }
0x34: {  	[smem:$0x3FB6] =	sst s10  }
0x35: {  	s10 =	sld [smem:$0x3FB5];
	_ =	sdelay $0x3  }
0x36: {  	p1 =	seq.s32 s10, $0x1;
	s10 =	sld [smem:$0x3FB6];
	_ =	sdelay $0x3  }
0x37: {  	[smem:$0x3FB6] =	sst s10  }
0x38: {  	s10 =	sld [smem:$0x3FB7]  }
0x39: {  	_ = 	snop;
	(pc) =	sbr.ind lr, $3  }
0x3a: {  	_ = 	snop  }
0x3b: {  	_ = 	snop  }
0x3c: {  	p2 =	seq.s32 s10, $0x1;
	s10 =	sld [smem:$0x3FB6]  }
0x3d: {  	_ =	shalt  }
0x3e: {  	_ =	shalt  }
0x3f: {  	_ =	shalt  }
0x40: {  	_ =	shalt  }
0x41: {  	_ =	shalt  }
0x42: {  	_ =	shalt  }
0x43: {  	_ =	shalt  }
0x44: {  	_ =	shalt  }
0x45: {  	_ =	shalt  }
0x46: {  	_ =	shalt  }
0x47: {  	_ =	shalt  }
0x48: {  	_ =	shalt  }
0x49: {  	_ =	shalt  }
0x4a: {  	_ =	shalt  }
0x4b: {  	_ =	shalt  }
0x4c: {  	_ =	shalt  }
0x4d: {  	_ =	shalt  }
0x4e: {  	_ =	shalt  }
0x4f: {  	_ =	shalt  }
0x50: {  	_ =	shalt  }
0x51: {  	_ =	shalt  }
0x52: {  	_ =	shalt  }
0x53: {  	_ =	shalt  }
0x54: {  	_ =	shalt  }
0x55: {  	_ =	shalt  }
0x56: {  	_ =	shalt  }
0x57: {  	_ =	shalt  }
0x58: {  	_ =	shalt  }
0x59: {  	_ =	shalt  }
0x5a: {  	_ =	shalt  }
0x5b: {  	_ =	shalt  }
0x5c: {  	_ =	shalt  }
0x5d: {  	_ =	shalt  }
0x5e: {  	_ =	shalt  }
0x5f: {  	_ =	shalt  }
0x60: {  	_ =	shalt  }
0x61: {  	_ =	shalt  }
0x62: {  	_ =	shalt  }
0x63: {  	_ =	shalt  }
0x64: {  	_ =	shalt  }
0x65: {  	_ =	shalt  }
0x66: {  	_ =	shalt  }
0x67: {  	_ =	shalt  }
0x68: {  	_ =	shalt  }
0x69: {  	_ =	shalt  }
0x6a: {  	_ =	shalt  }
0x6b: {  	_ =	shalt  }
0x6c: {  	_ =	shalt  }
0x6d: {  	_ =	shalt  }
0x6e: {  	_ =	shalt  }
0x6f: {  	_ =	shalt  }
0x70: {  	_ =	shalt  }
0x71: {  	_ =	shalt  }
0x72: {  	_ =	shalt  }
0x73: {  	_ =	shalt  }
0x74: {  	_ =	shalt  }
0x75: {  	_ =	shalt  }
0x76: {  	_ =	shalt  }
0x77: {  	_ =	shalt  }
0x78: {  	_ =	shalt  }
0x79: {  	_ =	shalt  }
0x7a: {  	_ =	shalt  }
0x7b: {  	_ =	shalt  }
0x7c: {  	_ =	shalt  }
0x7d: {  	_ =	shalt  }
0x7e: {  	_ =	shalt  }
0x7f: {  	_ =	shalt  }
0x80: {  	_ =	shalt  }
0x81: {  	_ =	shalt  }
0x82: {  	_ =	shalt  }
0x83: {  	_ =	shalt  }
0x84: {  	_ =	shalt  }
0x85: {  	_ =	shalt  }
0x86: {  	_ =	shalt  }
0x87: {  	_ =	shalt  }
.Lfunc_end0:
.L_simem_size_0:
called_computation_lowered:
.L_overlay_start_0:
0x88: {  	s2 =	sld [smem:$0x3FD9]  }
0x89: {  	s3 =	sld [smem:$0x3FFE];
	_ =	sdelay $0x1  }
0x8a: {  	s1 =	srdreg.scid  }
0x8b: {  	s0 =	sand.u32 $0x1, s1  }
0x8c: {  	s16 =	sshll.u32 s0, $0xA;
	s2 =	sadd.s32 s3, s2  }
0x8d: {  	s2 =	sadd.s32 s2, s16  }
0x8e: {  	[smem:$0x3FC2] =	sst s2  }
0x8f: {  	_ = 	snop  }
0x90: {  	(tm) =	ssettm $0x1  }
0x91: {  	s17 =	sld [smem:$0x3FFB];
	_ =	sdelay $0x3  }
0x92: {  	_ =	strace s17  }
0x93: {  	s2 =	sld [smem:$0x3FFC];
	_ =	sdelay $0x3  }
0x94: {  	_ =	strace s2  }
0x95: {  	s2 =	sld [smem:$0x3FFD];
	_ =	sdelay $0x3  }
0x96: {  	_ =	strace s2  }
0x97: {  	_ =	strace $0x8FFFFFFF  }
0x98: {  	s18 =	sld [smem:$0x3FDB];
	_ =	sdelay $0x1  }
0x99: {  	s19 =	simm.s32 $_scs_section_size  }
0x9a: {  	s4 =	simm.s32 $_size__tile_overlayer_lowered;
	s5 =	simm.s32 $_tile_overlayer_lowered  }
0x9b: {  	s22 =	simm.s32 $0x1BFF;
	s21 =	sshll.u32 s5, $0x1;
	s2 =	sadd.s32 s19, s18  }
0x9c: {  	s6 =	simm.s32 $0x0;
	s20 =	sshll.u32 s4, $0x1;
	s4 =	sadd.s32 s21, s2  }
0x9d: {  	[timem:s6], [sflag:s22] =	dma.local [hbm:s4], s20  }
0x9e: {  	_ =	swait.ge [sflag:s22], s20  }
0x9f: {  	s3 =	ssub.s32 $0x0, s20;
	[sflag:s22] =	ssyncset.done $0x0  }
0xa0: {  	[sflag:s22] =	ssyncadd.s32 s3;
	_ =	sdelay $0x1  }
0xa1: {  	s23 =	simm.s32 $0x1B8B  }
0xa2: {  	_ =	swait.ge [sflag:s23], $0x1  }
0xa3: {  	[sflag:s23] =	ssyncset.done $0x0  }
0xa4: {  	s25 =	simm.s32 $0x1B8E;
	s24 =	sld [smem:$0x3FFE];
	[sflag:s23] =	ssyncadd.s32 $0xFFFFFFFF  }
0xa5: {  	s26 =	simm.s32 $execute0_lowered;
	[smem:$0x3FD2] =	sst s25  }
0xa6: {  	s4 =	sshll.u32 s26, $0x1;
	_ =	strace $0x80000046;
	[dreg:$0x1] =	wrdreg $0xFFFFFFFF  }
0xa7: {  	s28 =	simm.s32 $_size_execute0_lowered;
	s2 =	sadd.s32 s2, s4;
	[dreg:$0x0] =	wrdreg $0x0  }
0xa8: {  	s4 =	sshll.u32 s28, $0x1;
	[dreg:$0x2] =	wrdreg s2  }
0xa9: {  	[dreg:$0x3] =	wrdreg s4  }
0xaa: {  	[dreg:$0x4] =	wrdreg $0xC0  }
0xab: {  	_ =	task [dreg:s6], $0x5FFFF  }
0xac: {  	[dreg:$0x1] =	wrdreg $0xFFFFFFFF  }
0xad: {  	[dreg:$0x0] =	wrdreg $0x60  }
0xae: {  	[dreg:$0x2] =	wrdreg s24  }
0xaf: {  	[dreg:$0x3] =	wrdreg $0x54000  }
0xb0: {  	[dreg:$0x4] =	wrdreg $0x9  }
0xb1: {  	_ =	task.clear_ibuf [dreg:s6], $0x5FFFF;
	_ =	strace $0x90000046  }
0xb2: {  	s29 =	simm.s32 $0x9;
	_ =	strace $0x80000048  }
0xb3: {  	_ =	swait.ge [sflag:s29], $0x1  }
0xb4: {  	[sflag:s29] =	ssyncadd.s32 $0xFFFFFFFF  }
0xb5: {  	_ =	strace $0x90000048  }
0xb6: {  	_ =	sfence  }
0xb7: {  	s30 =	sld [smem:$0x0];
	_ =	sdelay $0x2  }
0xb8: {  	s31 =	sshll.u32 s1, $0xD;
	s1 =	sshrl.u32 s1, $0x2  }
0xb9: {  	s3 =	sand.u32 $0x4000, s31;
	s1 =	sadd.s32 s1, s30  }
0xba: {  	s0 =	sor.u32 s3, s0;
	s1 =	sshll.u32 s1, $0x11  }
0xbb: {  	s0 =	sor.u32 s1, s0  }
0xbc: {  	s0 =	sadd.s32 $0x8F2B, s0  }
0xbd: {  	[sflag:s0] =	ssyncadd.remote.s32 $0x1  }
0xbe: {  	_ =	sfence.sel $0xFFFF  }
0xbf: {  	[dreg:$0x0] =	wrdreg $0xFFFFFFFF;
	(pc) =	sbr.abs _section_cstart, $3  }
0xc0: {  	[dreg:$0x1] =	wrdreg $0xFFFFFFFF  }
0xc1: {  	_ =	task.clear_ibuf [dreg:s6], $0x2FFFF;
	_ =	strace $0x9FFFFFFF  }
0xc2: {  	(tm) =	ssettm $0x7FFFFFFF  }
0xc3: {  	_ =	shalt  }
tec
execute0_lowered:
.L_overlay_start_1:
0x0: {  	(tag) =	ssettag $0x1  }
0x1: {  	s6 =	rddreg [dreg:$0x0]  }
0x2: {  	s0 =	srdreg.scid;
	s2 =	rddreg [dreg:$0x1]  }
0x3: {  	s1 =	rddreg [dreg:$0x2];
	s7 =	sand.u32 $0x1, s0  }
0x4: {  	s0 =	stileid.u32;
	s4 =	smul.u32 $0x14000, s7  }
0x5: {  	s3 =	simm.s32 $0x0;
	s12 =	simm.s32 $0x1400;
	s5 =	smul.u32 $0x1400, s0  }
0x6: {  	s13 =	simm.s32 $0x80;
	[smem:$0x7FF] =	sst s3;
	s29 =	smul.u32 $0x140000, s7  }
0x7: {  	s14 =	simm.s32 $0x0;
	s8 =	smul.u32 $0x14000, s0;
	_ =	strace $0x80000047  }
0x8: {  	s10 =	smul.u32 $0x50000, s0;
	s7 =	ssub.s32 $0x2, s7;
	s31 =	sshll.u32 s0, $0x6  }
0x9: {  	s30 =	sshrl.u32 s7, $0x1;
	s4 =	sadd.s32 s5, s4;
	s8 =	sadd.s32 s8, s29  }
0xa: {  	s5 =	sadd.s32 $0x7A00, s6;
	s10 =	sshrl.u32 s10, $0x2;
	s11 =	ssub.s32 s7, s30  }
0xb: {  	s4 =	sshrl.u32 s4, $0x3;
	s8 =	sshrl.u32 s8, $0x3;
	s10 =	sadd.s32 s10, s2  }
0xc: {  	s9 =	sadd.s32 s4, s6;
	s4 =	sadd.s32 $0x7200, s6;
	s8 =	sadd.s32 s8, s6  }
0xd: {  	s6 =	sor.u32 $0x1C01, s31;
	s10 =	sshrl.u32 s10, $0x3;
	s7 =	sadd.s32 $0x2200, s9  }
0xe: {  	s8 =	sadd.s32 $0xA200, s8;
	s9 =	smax.u32 s11, $0x1;
	s11 =	simm.s32 $0x1  }
.LBB2_1:
0xf: {  	[spmem:s10], [sflag:s6] =	dma.local [hbm:s5], $0x2800  }
0x10: {  	_ =	swait.ge [sflag:s11], $0x2800  }
0x11: {  	[sflag:s11] =	ssyncset.done $0x0  }
0x12: {  	[sflag:s11] =	ssyncadd.s32 $0xFFFFD800  }
0x13: {  	[tilespmem:s12], [sflag:$0x1] =	stream.linear.gather [hbm4b:s4+s3], $0x4000, $0x38;
	[tilespmem:$0x19400] =	vst v63  }
0x14: {  	_ =	swait.ge [sflag:s11], $0x4000  }
0x15: {  	[sflag:s11] =	ssyncset.done $0x0  }
0x16: {  	[sflag:s11] =	ssyncadd.s32 $0xFFFFC000  }
0x17: {  	[tilespmem:s3], [sflag:$0x1] =	stream.linear.gather [hbm4b:s7+s3], $0x1400, $0x38;
	[tilespmem:$0x19400] =	vst v63  }
0x18: {  	_ =	swait.ge [sflag:s11], $0x1400  }
0x19: {  	[sflag:s11] =	ssyncset.done $0x0  }
0x1a: {  	[sflag:s11] =	ssyncadd.s32 $0xFFFFEC00  }
0x1b: {  	s15 =	simm.s32 $0x0;
	[bflag:$0x0] =	sbarrier.arrive $0xFFFF  }
0x1c: {  	[spmem:s2] =	stream.indirect.scatter.add.f32 [tilespmem:s12], [sflag:$0x1], $0x80, s15, s13, $0xb8;
	[tilespmem:$0x19400] =	vst v63  }
0x1d: {  	_ =	swait.ge [sflag:s11], $0x4000  }
0x1e: {  	s15 =	simm.s32 $0x200;
	[sflag:s11] =	ssyncset.done $0x0  }
.LBB2_2:
0x1f: {  	s16 =	sshra.s32 s15, $0x2;
	[sflag:s11] =	ssyncadd.s32 $0xFFFFC000;
	p0 =	sne.s32 s15, $0x4E00  }
0x20: {  	[spmem:s2] =	stream.indirect.scatter.add.f32 [tilespmem:s12], [sflag:$0x1], $0x80, s16, s13, $0xb8;
	[tilespmem:$0x19400] =	vst v63  }
.Ltmp0:
0x21: {  	_ = 	snop;
	(pc) =	sbr.rel @p0 .LBB2_2-.Ltmp0, $4  }
0x22: {  	_ = 	snop  }
0x23: {  	s15 =	sadd.s32 $0x200, s15  }
0x24: {  	_ =	swait.ge [sflag:s11], $0x4000  }
0x25: {  	[sflag:s11] =	ssyncset.done $0x0  }
0x26: {  	s14 =	sadd.s32 $0x1, s14  }
0x27: {  	[sflag:s11] =	ssyncadd.s32 $0xFFFFC000;
	p0 =	sne.s32 s14, s9  }
.Ltmp1:
0x28: {  	[bflag:$0x0] =	sbarrier.arrive $0xFFFF;
	(pc) =	sbr.rel @p0 .LBB2_1-.Ltmp1, $4  }
0x29: {  	[hbm:s8], [sflag:s6] =	dma.local [spmem:s10], $0x2800  }
0x2a: {  	_ =	swait.ge [sflag:s11], $0x2800  }
0x2b: {  	[sflag:s11] =	ssyncset.done $0x0  }
0x2c: {  	[sflag:s11] =	ssyncadd.s32 $0xFFFFD800  }
0x2d: {  	_ =	sfence.sel $0x180000  }
0x2e: {  	[bflag:$0x0] =	sbarrier.arrive $0xFFFF  }
0x2f: {  	p0 =	sne.s32 s0, $0x0;
	_ =	strace $0x90000047  }
0x30: {  	s0 =	sadd.s32 @!p0 $0x100000, s1;
	[bflag:$0x2] =	sbarrier.arrive $0xFFFF  }
0x31: {  	[sflag:s0] =	ssyncadd.tile.s32 @!p0 $0x1;
	_ =	shalt  }
.Lfunc_end2:
_tile_overlayer_lowered:
.L_overlay_start_2:
0x32: {  	(tag) =	ssettag $0x2  }
0x33: {  	s0 =	rddreg [dreg:$0x0];
	s2 =	stileid.u32  }
0x34: {  	s1 =	rddreg [dreg:$0x1];
	p0 =	sne.s32 s2, $0x0  }
0x35: {  	s3 =	rddreg [dreg:$0x2];
	[bflag:$0x3] =	sbarrier.arrive $0xFFFF;
	s2 =	simm.s32 @!p0 $0x1C01  }
0x36: {  	[timem:s3], [sflag:s2] =	dma.local @!p0 [hbm:s0], s1  }
0x37: {  	s0 =	simm.s32 @!p0 $0x1  }
0x38: {  	_ =	swait.ge @!p0 [sflag:s0], s1  }
0x39: {  	s1 =	ssub.s32 @!p0 $0x0, s1;
	[sflag:s0] =	ssyncset.done @!p0 $0x0  }
0x3a: {  	[sflag:s0] =	ssyncadd.s32 @!p0 s1  }
0x3b: {  	[bflag:$0x3] =	sbarrier.arrive $0xFFFF  }
0x3c: {  	_ =	shalt  }

</sc_bundles>
